<compile_context>
chip_gen: v7x
topology: tpu7x:2x2x1
jax: 0.10.2.dev20260603
libtpu: 0.0.44.dev20260713+nightly
codegen_flags: <defaults>
</compile_context>

<pallas_src>
import functools

import jax
import jax.numpy as jnp
from jax import lax
from jax.experimental import pallas as pl
from jax.experimental.pallas import tpu as pltpu
from jax.experimental.pallas import tpu_sc as plsc

NC = 2
NS = 16
NW = NC * NS
EPS = 1e-5
K = 128



def _agg_body(nn, epw, nb, rps, num_r, h_hbm, src_hbm, dkey_hbm, z128_hbm,
              s_hbm, acc, src_v, dkey_v, gidx, sidx, rows, sem):
    nn8 = nn + 8
    cid = lax.axis_index("c")
    sid = lax.axis_index("s")
    wid = sid * NC + cid
    base = wid * epw
    pltpu.sync_copy(src_hbm.at[pl.ds(base, epw)], src_v)
    pltpu.sync_copy(dkey_hbm.at[pl.ds(base, epw)], dkey_v)
    row0 = sid * rps
    zb = z128_hbm.shape[0]
    for z in range(rps // zb):
        pltpu.sync_copy(z128_hbm, acc.at[pl.ds(row0 + z * zb, zb)])
    plsc.subcore_barrier()

    def rel_pass(r, carry):
        def batch(b, carry2):
            for j in range(K // 16):
                o = b * K + j * 16
                sv = src_v[pl.ds(o, 16)]
                kv = dkey_v[pl.ds(o, 16)]
                gidx[pl.ds(j * 16, 16)] = sv
                q = kv - r * nn8
                sm = (q >= 0) & (q < nn8)
                sidx[pl.ds(j * 16, 16)] = jnp.where(sm, q, nn)
            pltpu.async_copy(h_hbm.at[gidx], rows, sem).wait()
            pltpu.sync_copy(rows, acc.at[sidx], add=True)
            return carry2

        lax.fori_loop(0, nb, batch, 0)
        plsc.subcore_barrier()
        pltpu.sync_copy(acc.at[pl.ds(row0, rps)],
                        s_hbm.at[cid * num_r + r, pl.ds(row0, rps)])
        plsc.subcore_barrier()
        return carry

    lax.fori_loop(0, num_r, rel_pass, 0)


def _sc_aggregate(h, src, dkey, num_r):
    n, hdim = h.shape
    e_pad = src.shape[0]
    epw = e_pad // NW
    nb = epw // K
    assert n % (NS * 128) == 0
    rps = n // NS
    zb = 128
    mesh = plsc.VectorSubcoreMesh(core_axis_name="c", subcore_axis_name="s",
                                  num_cores=NC, num_subcores=NS)
    kern = pl.kernel(
        functools.partial(_agg_body, n, epw, nb, rps, num_r),
        out_type=jax.ShapeDtypeStruct((NC * num_r, n, hdim), jnp.float32),
        mesh=mesh,
        scratch_types=[
            pltpu.VMEM_SHARED((n + 8, hdim), jnp.float32),
            pltpu.VMEM((epw,), jnp.int32),
            pltpu.VMEM((epw,), jnp.int32),
            pltpu.VMEM((K,), jnp.int32),
            pltpu.VMEM((K,), jnp.int32),
            pltpu.VMEM((K, hdim), jnp.float32),
            pltpu.SemaphoreType.DMA,
        ],
    )
    z128 = jnp.zeros((zb, hdim), jnp.float32)
    s = kern(h, src, dkey, z128)
    return s.reshape(NC, num_r, n, hdim)


def _cnt_body(nn, epw, nb, rps, tab_hbm, rel_hbm, dst_hbm, z128_hbm,
              c_hbm, acc, rel_v, dst_v, gidx, sidx, rows, sem):
    cid = lax.axis_index("c")
    sid = lax.axis_index("s")
    wid = sid * NC + cid
    base = wid * epw
    pltpu.sync_copy(rel_hbm.at[pl.ds(base, epw)], rel_v)
    pltpu.sync_copy(dst_hbm.at[pl.ds(base, epw)], dst_v)
    row0 = sid * rps
    zb = z128_hbm.shape[0]
    for z in range(rps // zb):
        pltpu.sync_copy(z128_hbm, acc.at[pl.ds(row0 + z * zb, zb)])
    plsc.subcore_barrier()

    def batch(b, carry):
        for j in range(K // 16):
            o = b * K + j * 16
            gidx[pl.ds(j * 16, 16)] = rel_v[pl.ds(o, 16)]
            sidx[pl.ds(j * 16, 16)] = dst_v[pl.ds(o, 16)]
        pltpu.async_copy(tab_hbm.at[gidx], rows, sem).wait()
        pltpu.sync_copy(rows, acc.at[sidx], add=True)
        return carry

    lax.fori_loop(0, nb, batch, 0)
    plsc.subcore_barrier()
    pltpu.sync_copy(acc.at[pl.ds(row0, rps)], c_hbm.at[cid, pl.ds(row0, rps)])


def _sc_counts(dst_p, rel_p, n, num_r):
    e_pad = dst_p.shape[0]
    epw = e_pad // NW
    nb = epw // K
    rps = n // NS
    zb = 128
    tab = jnp.concatenate(
        [jnp.eye(num_r, 128, dtype=jnp.float32),
         jnp.zeros((16 - num_r, 128), jnp.float32)], axis=0)
    mesh = plsc.VectorSubcoreMesh(core_axis_name="c", subcore_axis_name="s",
                                  num_cores=NC, num_subcores=NS)
    kern = pl.kernel(
        functools.partial(_cnt_body, n, epw, nb, rps),
        out_type=jax.ShapeDtypeStruct((NC, n, 128), jnp.float32),
        mesh=mesh,
        scratch_types=[
            pltpu.VMEM_SHARED((n + 8, 128), jnp.float32),
            pltpu.VMEM((epw,), jnp.int32),
            pltpu.VMEM((epw,), jnp.int32),
            pltpu.VMEM((K,), jnp.int32),
            pltpu.VMEM((K,), jnp.int32),
            pltpu.VMEM((K, 128), jnp.float32),
            pltpu.SemaphoreType.DMA,
        ],
    )
    z128 = jnp.zeros((zb, 128), jnp.float32)
    return kern(tab, rel_p, dst_p, z128)


def _pair_body(epw, nbg, h_hbm, src_hbm, dst_hbm, hs_hbm, hd_hbm,
               idx_v, rows, sem):
    cid = lax.axis_index("c")
    sid = lax.axis_index("s")
    wid = sid * NC + cid
    base = wid * epw
    for which, (arr, out) in enumerate(((src_hbm, hs_hbm), (dst_hbm, hd_hbm))):
        pltpu.sync_copy(arr.at[pl.ds(base, epw)], idx_v.at[pl.ds(0, epw)])

        def batch(b, carry):
            pltpu.async_copy(h_hbm.at[idx_v.at[pl.ds(b * K, K)]], rows,
                             sem).wait()
            pltpu.sync_copy(rows, out.at[pl.ds(base + b * K, K)])
            return carry

        lax.fori_loop(0, nbg, batch, 0)


def _sc_pair_gather(h, src_pad, dst_pad):
    n, hdim = h.shape
    e_pad = src_pad.shape[0]
    epw = e_pad // NW
    nbg = epw // K
    mesh = plsc.VectorSubcoreMesh(core_axis_name="c", subcore_axis_name="s",
                                  num_cores=NC, num_subcores=NS)
    kern = pl.kernel(
        functools.partial(_pair_body, epw, nbg),
        out_type=(jax.ShapeDtypeStruct((e_pad, hdim), jnp.float32),
                  jax.ShapeDtypeStruct((e_pad, hdim), jnp.float32)),
        mesh=mesh,
        scratch_types=[
            pltpu.VMEM((epw,), jnp.int32),
            pltpu.VMEM((K, hdim), jnp.float32),
            pltpu.SemaphoreType.DMA,
        ],
    )
    return kern(h, src_pad, dst_pad)



def _t1_body(x_ref, w_ref, b_ref, o_ref):
    o_ref[...] = (jnp.dot(x_ref[...], w_ref[...],
                          preferred_element_type=jnp.float32) + b_ref[...])


def _node_linear(x, w, b, bn):
    n, din = x.shape
    h = w.shape[1]
    return pl.pallas_call(
        _t1_body,
        grid=(n // bn,),
        in_specs=[pl.BlockSpec((bn, din), lambda i: (i, 0)),
                  pl.BlockSpec((din, h), lambda i: (0, 0)),
                  pl.BlockSpec((1, h), lambda i: (0, 0))],
        out_specs=pl.BlockSpec((bn, h), lambda i: (i, 0)),
        out_shape=jax.ShapeDtypeStruct((n, h), jnp.float32),
    )(x, w, b[None])


def _t2_body(num_r, n_true, bn, h_ref, s_ref, c_ref, root_ref, w_ref, b_ref,
             acc_ref, mom_ref):
    a = (jnp.dot(h_ref[...], root_ref[...],
                 preferred_element_type=jnp.float32) + b_ref[...])
    s_prev = 0.0
    for r in range(num_r):
        s_cum = s_ref[0, r] + s_ref[1, r]
        s = s_cum - s_prev
        s_prev = s_cum
        c = jnp.maximum(c_ref[0, :, r] + c_ref[1, :, r], 1.0)
        a = a + jnp.dot(s / c[:, None], w_ref[r],
                        preferred_element_type=jnp.float32)
    acc_ref[...] = a
    hdim = a.shape[1]
    ridx = (lax.broadcasted_iota(jnp.int32, (bn, 1), 0)
            + pl.program_id(0) * bn)
    am = jnp.where(ridx < n_true, a, 0.0)
    mom = jnp.concatenate(
        [jnp.sum(am, axis=0)[None], jnp.sum(am * am, axis=0)[None],
         jnp.zeros((6, hdim), jnp.float32)], axis=0)
    mom_ref[...] = mom[None]


def _conv_dense(h, s, c, root, w, b, n_true, bn):
    n, hdim = h.shape
    num_r = w.shape[0]
    g = n // bn
    return pl.pallas_call(
        functools.partial(_t2_body, num_r, n_true, bn),
        grid=(g,),
        in_specs=[pl.BlockSpec((bn, hdim), lambda i: (i, 0)),
                  pl.BlockSpec((NC, num_r, bn, hdim), lambda i: (0, 0, i, 0)),
                  pl.BlockSpec((NC, bn, 128), lambda i: (0, i, 0)),
                  pl.BlockSpec((hdim, hdim), lambda i: (0, 0)),
                  pl.BlockSpec((num_r, hdim, hdim), lambda i: (0, 0, 0)),
                  pl.BlockSpec((1, hdim), lambda i: (0, 0))],
        out_specs=(pl.BlockSpec((bn, hdim), lambda i: (i, 0)),
                   pl.BlockSpec((1, 8, hdim), lambda i: (i, 0, 0))),
        out_shape=(jax.ShapeDtypeStruct((n, hdim), jnp.float32),
                   jax.ShapeDtypeStruct((g, 8, hdim), jnp.float32)),
    )(h, s, c, root, w, b[None])


def _t3_body(n, acc_ref, mom_ref, h_ref, g_ref, b_ref, o_ref):
    m = jnp.sum(mom_ref[:, 0, :], axis=0) / n
    v = jnp.sum(mom_ref[:, 1, :], axis=0) / n - m * m
    y = (acc_ref[...] - m[None]) * lax.rsqrt(v + EPS)[None] * g_ref[...] \
        + b_ref[...]
    o_ref[...] = (h_ref[...] + jnp.maximum(y, 0.0)) / 2.0


def _bn_residual(acc, mom, h, g, b, n_true, bn):
    n, hdim = h.shape
    gg = mom.shape[0]
    return pl.pallas_call(
        functools.partial(_t3_body, float(n_true)),
        grid=(n // bn,),
        in_specs=[pl.BlockSpec((bn, hdim), lambda i: (i, 0)),
                  pl.BlockSpec((gg, 8, hdim), lambda i: (0, 0, 0)),
                  pl.BlockSpec((bn, hdim), lambda i: (i, 0)),
                  pl.BlockSpec((1, hdim), lambda i: (0, 0)),
                  pl.BlockSpec((1, hdim), lambda i: (0, 0))],
        out_specs=pl.BlockSpec((bn, hdim), lambda i: (i, 0)),
        out_shape=jax.ShapeDtypeStruct((n, hdim), jnp.float32),
    )(acc, mom, h, g[None], b[None])


def _t4_body(hs_ref, hd_ref, ea_ref, ew_ref, eb_ref, w1a_ref, w1b_ref,
             w1c_ref, b1_ref, w2_ref, b2_ref, w3_ref, b3_ref, o_ref):
    dot = functools.partial(jnp.dot, preferred_element_type=jnp.float32)
    ea = dot(ea_ref[...], ew_ref[...]) + eb_ref[...]
    z1 = (dot(jnp.maximum(hs_ref[...], 0.0), w1a_ref[...])
          + dot(jnp.maximum(hd_ref[...], 0.0), w1b_ref[...])
          + dot(ea, w1c_ref[...]) + b1_ref[...])
    z1 = jnp.maximum(z1, 0.0)
    z2 = jnp.maximum(dot(z1, w2_ref[...]) + b2_ref[...], 0.0)
    o_ref[...] = dot(z2, w3_ref[...]) + b3_ref[...]


def _edge_mlp(hs, hd, eattr, ew, eb, w1, b1, w2, b2, w3, b3, bm):
    e_pad, hdim = hs.shape
    de = eattr.shape[1]
    d1 = w1.shape[1]
    d2 = w2.shape[1]
    d3 = w3.shape[1]
    w1a = w1[:hdim]
    w1b = w1[hdim:2 * hdim]
    w1c = w1[2 * hdim:]
    return pl.pallas_call(
        _t4_body,
        grid=(e_pad // bm,),
        in_specs=[pl.BlockSpec((bm, hdim), lambda i: (i, 0)),
                  pl.BlockSpec((bm, hdim), lambda i: (i, 0)),
                  pl.BlockSpec((bm, de), lambda i: (i, 0)),
                  pl.BlockSpec((de, hdim), lambda i: (0, 0)),
                  pl.BlockSpec((1, hdim), lambda i: (0, 0)),
                  pl.BlockSpec((hdim, d1), lambda i: (0, 0)),
                  pl.BlockSpec((hdim, d1), lambda i: (0, 0)),
                  pl.BlockSpec((hdim, d1), lambda i: (0, 0)),
                  pl.BlockSpec((1, d1), lambda i: (0, 0)),
                  pl.BlockSpec((d1, d2), lambda i: (0, 0)),
                  pl.BlockSpec((1, d2), lambda i: (0, 0)),
                  pl.BlockSpec((d2, d3), lambda i: (0, 0)),
                  pl.BlockSpec((1, d3), lambda i: (0, 0))],
        out_specs=pl.BlockSpec((bm, d3), lambda i: (i, 0)),
        out_shape=jax.ShapeDtypeStruct((e_pad, d3), jnp.float32),
    )(hs, hd, eattr, ew, eb[None], w1a, w1b, w1c, b1[None], w2, b2[None],
      w3, b3[None])



def kernel(x, edge_index, edge_attr, node_W, node_b, edge_W, edge_b,
           conv_w0, conv_root0, conv_b0, bn_g0, bn_b0,
           conv_w1, conv_root1, conv_b1, bn_g1, bn_b1,
           mlp_W1, mlp_b1, mlp_W2, mlp_b2, mlp_W3, mlp_b3):
    n = x.shape[0]
    n_pad = -(-n // (NS * 128)) * (NS * 128)
    e = edge_index.shape[1]
    num_r = conv_w0.shape[0]
    src = edge_index[0].astype(jnp.int32)
    dst = edge_index[1].astype(jnp.int32)
    rel = edge_attr[:, -1].astype(jnp.int32)

    x_p = jnp.pad(x, ((0, n_pad - n), (0, 0)))
    e_pad = -(-e // (NW * K)) * (NW * K)
    src_p = jnp.pad(src, (0, e_pad - e))
    dst_p = jnp.pad(dst, (0, e_pad - e))
    ea_p = jnp.pad(edge_attr, ((0, e_pad - e), (0, 0)))
    dkey_p = jnp.pad(dst + (n_pad + 8) * rel, (0, e_pad - e),
                     constant_values=-1)
    dst_dummy = jnp.pad(dst, (0, e_pad - e), constant_values=n_pad)
    rel_p = jnp.pad(rel, (0, e_pad - e), constant_values=num_r)

    cnt = _sc_counts(dst_dummy, rel_p, n_pad, num_r)
    h = _node_linear(x_p, node_W, node_b, bn=640)
    for (w, root, b, g, bb) in ((conv_w0, conv_root0, conv_b0, bn_g0, bn_b0),
                                (conv_w1, conv_root1, conv_b1, bn_g1, bn_b1)):
        s = _sc_aggregate(h, src_p, dkey_p, num_r)
        acc, mom = _conv_dense(h, s, cnt, root, w, b, n, bn=640)
        h = _bn_residual(acc, mom, h, g, bb, n, bn=640)
    hs, hd = _sc_pair_gather(h, src_p, dst_p)
    z = _edge_mlp(hs, hd, ea_p, edge_W, edge_b, mlp_W1, mlp_b1, mlp_W2,
                  mlp_b2, mlp_W3, mlp_b3, bm=2048)
    return z[:e]

# --- scband reference (transcript-rebuilt; emitter-appended) ---
"""Pipeline reference for scband-rgcn-85899345977 (READ-ONLY COPY).

The authoritative reference and input builder live on the scoring server;
editing this copy changes nothing except your own understanding.
"""

import jax, jax.numpy as jnp
import numpy as np

N = 10000
E = 160000
DF = 128
DE = 16
R = 8
H = 128
EPS = 1e-5


def setup_inputs(seed: int = 0):
    key = jax.random.key(seed)
    ks = jax.random.split(key, 24)
    x = jax.random.normal(ks[0], (N, DF), dtype=jnp.float32)
    src = jax.random.randint(ks[1], (E,), 0, N, dtype=jnp.int32)
    dst = jax.random.randint(ks[2], (E,), 0, N, dtype=jnp.int32)
    edge_index = jnp.stack([src, dst], axis=0)
    edge_attr = jax.random.uniform(ks[3], (E, DE), dtype=jnp.float32)
    rel = jax.random.randint(ks[4], (E,), 0, R, dtype=jnp.int32).astype(jnp.float32)
    edge_attr = edge_attr.at[:, -1].set(rel)

    def lin(k, fi, fo):
        return (jax.random.normal(k, (fi, fo), dtype=jnp.float32) / np.sqrt(fi)).astype(jnp.float32)

    inp = {"x": x, "edge_index": edge_index, "edge_attr": edge_attr}
    inp["node_W"] = lin(ks[5], DF, H)
    inp["node_b"] = jnp.zeros((H,), jnp.float32)
    inp["edge_W"] = lin(ks[6], DE, H)
    inp["edge_b"] = jnp.zeros((H,), jnp.float32)
    for i in range(2):
        inp["conv_w%d" % i] = (jax.random.normal(ks[7 + 3 * i], (R, H, H), dtype=jnp.float32) / np.sqrt(H)).astype(jnp.float32)
        inp["conv_root%d" % i] = lin(ks[8 + 3 * i], H, H)
        inp["conv_b%d" % i] = jnp.zeros((H,), jnp.float32)
        inp["bn_g%d" % i] = jnp.ones((H,), jnp.float32)
        inp["bn_b%d" % i] = jnp.zeros((H,), jnp.float32)
    inp["mlp_W1"] = lin(ks[14], 3 * H, 50)
    inp["mlp_b1"] = jnp.zeros((50,), jnp.float32)
    inp["mlp_W2"] = lin(ks[15], 50, 25)
    inp["mlp_b2"] = jnp.zeros((25,), jnp.float32)
    inp["mlp_W3"] = lin(ks[16], 25, 2)
    inp["mlp_b3"] = jnp.zeros((2,), jnp.float32)
    return inp


def _bn(h, g, b):
    # BatchNorm1d in training mode: batch statistics, biased variance
    m = jnp.mean(h, axis=0)
    v = jnp.mean((h - m) ** 2, axis=0)
    return (h - m) / jnp.sqrt(v + EPS) * g + b


def _rgcn_conv(h, src, dst, et, w, root, bias):
    # PyG RGCNConv (num_bases=None, aggr='mean'):
    # out = root @ x + bias + sum_r mean_{edges of rel r into dst}(x[src] @ W_r)
    acc = h @ root + bias
    for r in range(R):
        hr = h @ w[r]
        mask = (et == r)
        msg = jnp.where(mask[:, None], hr[src], 0.0)
        s = jax.ops.segment_sum(msg, dst, num_segments=N)
        c = jax.ops.segment_sum(mask.astype(h.dtype), dst, num_segments=N)
        acc = acc + s / jnp.maximum(c, 1.0)[:, None]
    return acc


def reference(x, edge_index, edge_attr, node_W, node_b, edge_W, edge_b, conv_w0, conv_root0, conv_b0, bn_g0, bn_b0, conv_w1, conv_root1, conv_b1, bn_g1, bn_b1, mlp_W1, mlp_b1, mlp_W2, mlp_b2, mlp_W3, mlp_b3):
    et = edge_attr[:, -1].astype(jnp.int32)
    src = edge_index[0]
    dst = edge_index[1]
    h = x @ node_W + node_b
    ea = edge_attr @ edge_W + edge_b
    layers = [(conv_w0, conv_root0, conv_b0, bn_g0, bn_b0), (conv_w1, conv_root1, conv_b1, bn_g1, bn_b1)]
    for (w, root, bias, g, b) in layers:
        h = (h + jax.nn.relu(_bn(_rgcn_conv(h, src, dst, et, w, root, bias), g, b))) / 2.0
    pair = jax.nn.relu(jnp.concatenate([h[src], h[dst]], axis=1))
    z = jnp.concatenate([pair, ea], axis=1)
    z = jax.nn.relu(z @ mlp_W1 + mlp_b1)
    z = jax.nn.relu(z @ mlp_W2 + mlp_b2)
    z = z @ mlp_W3 + mlp_b3
    return z

if __name__ == "__main__":
    import jax
    _d = setup_inputs()
    print(jax.jit(kernel)(*tuple(_d.values())))

</pallas_src>

<mosaic_0001>
#map = affine_map<(d0, d1) -> (0, 0)>
#map1 = affine_map<(d0, d1) -> (0)>
#map2 = affine_map<(d0, d1) -> (0, 0, 0)>
module attributes {stable_mosaic.version = 14 : i64} {
  func.func @_agg_body(%arg0: i32, %arg1: i32, %arg2: memref<10240x128xf32, #tpu.memory_space<hbm>>, %arg3: memref<163840xi32, #tpu.memory_space<hbm>>, %arg4: memref<163840xi32, #tpu.memory_space<hbm>>, %arg5: memref<128x128xf32, #tpu.memory_space<hbm>>, %arg6: memref<16x10240x128xf32, #tpu.memory_space<hbm>>, %arg7: memref<10248x128xf32, #tpu.memory_space<vmem_shared>>, %arg8: memref<5120xi32, #tpu.memory_space<vmem>>, %arg9: memref<5120xi32, #tpu.memory_space<vmem>>, %arg10: memref<128xi32, #tpu.memory_space<vmem>>, %arg11: memref<128xi32, #tpu.memory_space<vmem>>, %arg12: memref<128x128xf32, #tpu.memory_space<vmem>>, %arg13: memref<!tpu.dma_semaphore, #tpu.memory_space<semaphore_mem>>) attributes {dimension_semantics = [#tpu.dimension_semantics<core_parallel>, #tpu.dimension_semantics<subcore_parallel>], iteration_bounds = array<i64: 2, 16>, scalar_prefetch = 0 : i64, scratch_operands = 7 : i64, tpu.core_type = #tpu.core_type<sc_vector_subcore>, window_params = [{transform_indices = #map}, {transform_indices = #map1}, {transform_indices = #map1}, {transform_indices = #map}, {transform_indices = #map2}]} {
    %mul3A = arith.constant 2 : i32
    %mul3A_0 = arith.muli %arg1, %mul3A : i32
    %add3A = arith.addi %mul3A_0, %arg0 : i32
    %mul3A_1 = arith.constant 5120 : i32
    %mul3A_2 = arith.muli %add3A, %mul3A_1 : i32
    "tpu.region"() ({
      %run_scoped3A = tpu.sem_alloc : memref<!tpu.dma_semaphore, #tpu.memory_space<semaphore_mem>>
      %dma_start3A = tpu.memref_slice %arg3[%mul3A_2] : memref<163840xi32, #tpu.memory_space<hbm>> -> memref<5120xi32, #tpu.memory_space<hbm>>
      %dma_start3A_20 = tpu.memref_slice %arg3[%mul3A_2] : memref<163840xi32, #tpu.memory_space<hbm>> -> memref<5120xi32, #tpu.memory_space<hbm>>
      tpu.enqueue_dma source(%dma_start3A_20 : memref<5120xi32, #tpu.memory_space<hbm>>) target(%arg8 : memref<5120xi32, #tpu.memory_space<vmem>>) target_semaphore(%run_scoped3A : memref<!tpu.dma_semaphore, #tpu.memory_space<semaphore_mem>>)
      %dma_wait3A = tpu.memref_slice %arg3[%mul3A_2] : memref<163840xi32, #tpu.memory_space<hbm>> -> memref<5120xi32, #tpu.memory_space<hbm>>
      %dma_wait3A_21 = tpu.memref_slice %arg3[%mul3A_2] : memref<163840xi32, #tpu.memory_space<hbm>> -> memref<5120xi32, #tpu.memory_space<hbm>>
      tpu.wait_dma2 semaphore(%run_scoped3A : memref<!tpu.dma_semaphore, #tpu.memory_space<semaphore_mem>>) src(%dma_wait3A_21 : memref<5120xi32, #tpu.memory_space<hbm>>) dst(%arg8 : memref<5120xi32, #tpu.memory_space<vmem>>)
      tpu.yield
    }) : () -> ()
    "tpu.region"() ({
      %run_scoped3A = tpu.sem_alloc : memref<!tpu.dma_semaphore, #tpu.memory_space<semaphore_mem>>
      %dma_start3A = tpu.memref_slice %arg4[%mul3A_2] : memref<163840xi32, #tpu.memory_space<hbm>> -> memref<5120xi32, #tpu.memory_space<hbm>>
      %dma_start3A_20 = tpu.memref_slice %arg4[%mul3A_2] : memref<163840xi32, #tpu.memory_space<hbm>> -> memref<5120xi32, #tpu.memory_space<hbm>>
      tpu.enqueue_dma source(%dma_start3A_20 : memref<5120xi32, #tpu.memory_space<hbm>>) target(%arg9 : memref<5120xi32, #tpu.memory_space<vmem>>) target_semaphore(%run_scoped3A : memref<!tpu.dma_semaphore, #tpu.memory_space<semaphore_mem>>)
      %dma_wait3A = tpu.memref_slice %arg4[%mul3A_2] : memref<163840xi32, #tpu.memory_space<hbm>> -> memref<5120xi32, #tpu.memory_space<hbm>>
      %dma_wait3A_21 = tpu.memref_slice %arg4[%mul3A_2] : memref<163840xi32, #tpu.memory_space<hbm>> -> memref<5120xi32, #tpu.memory_space<hbm>>
      tpu.wait_dma2 semaphore(%run_scoped3A : memref<!tpu.dma_semaphore, #tpu.memory_space<semaphore_mem>>) src(%dma_wait3A_21 : memref<5120xi32, #tpu.memory_space<hbm>>) dst(%arg9 : memref<5120xi32, #tpu.memory_space<vmem>>)
      tpu.yield
    }) : () -> ()
    %mul3A_3 = arith.constant 640 : i32
    %mul3A_4 = arith.muli %arg1, %mul3A_3 : i32
    %add3A_5 = arith.constant 0 : i32
    %add3A_6 = arith.addi %mul3A_4, %add3A_5 : i32
    "tpu.region"() ({
      %run_scoped3A = tpu.sem_alloc : memref<!tpu.dma_semaphore, #tpu.memory_space<semaphore_mem>>
      %dma_start3A = arith.constant 0 : i32
      %dma_start3A_20 = tpu.memref_slice %arg7[%add3A_6, %dma_start3A] : memref<10248x128xf32, #tpu.memory_space<vmem_shared>> -> memref<128x128xf32, #tpu.memory_space<vmem_shared>>
      tpu.enqueue_dma source(%arg5 : memref<128x128xf32, #tpu.memory_space<hbm>>) target(%dma_start3A_20 : memref<128x128xf32, #tpu.memory_space<vmem_shared>>) target_semaphore(%run_scoped3A : memref<!tpu.dma_semaphore, #tpu.memory_space<semaphore_mem>>)
      %dma_wait3A = arith.constant 0 : i32
      %dma_wait3A_21 = tpu.memref_slice %arg7[%add3A_6, %dma_wait3A] : memref<10248x128xf32, #tpu.memory_space<vmem_shared>> -> memref<128x128xf32, #tpu.memory_space<vmem_shared>>
      tpu.wait_dma2 semaphore(%run_scoped3A : memref<!tpu.dma_semaphore, #tpu.memory_space<semaphore_mem>>) src(%arg5 : memref<128x128xf32, #tpu.memory_space<hbm>>) dst(%dma_wait3A_21 : memref<128x128xf32, #tpu.memory_space<vmem_shared>>)
      tpu.yield
    }) : () -> ()
    %add3A_7 = arith.constant 128 : i32
    %add3A_8 = arith.addi %mul3A_4, %add3A_7 : i32
    "tpu.region"() ({
      %run_scoped3A = tpu.sem_alloc : memref<!tpu.dma_semaphore, #tpu.memory_space<semaphore_mem>>
      %dma_start3A = arith.constant 0 : i32
      %dma_start3A_20 = tpu.memref_slice %arg7[%add3A_8, %dma_start3A] : memref<10248x128xf32, #tpu.memory_space<vmem_shared>> -> memref<128x128xf32, #tpu.memory_space<vmem_shared>>
      tpu.enqueue_dma source(%arg5 : memref<128x128xf32, #tpu.memory_space<hbm>>) target(%dma_start3A_20 : memref<128x128xf32, #tpu.memory_space<vmem_shared>>) target_semaphore(%run_scoped3A : memref<!tpu.dma_semaphore, #tpu.memory_space<semaphore_mem>>)
      %dma_wait3A = arith.constant 0 : i32
      %dma_wait3A_21 = tpu.memref_slice %arg7[%add3A_8, %dma_wait3A] : memref<10248x128xf32, #tpu.memory_space<vmem_shared>> -> memref<128x128xf32, #tpu.memory_space<vmem_shared>>
      tpu.wait_dma2 semaphore(%run_scoped3A : memref<!tpu.dma_semaphore, #tpu.memory_space<semaphore_mem>>) src(%arg5 : memref<128x128xf32, #tpu.memory_space<hbm>>) dst(%dma_wait3A_21 : memref<128x128xf32, #tpu.memory_space<vmem_shared>>)
      tpu.yield
    }) : () -> ()
    %add3A_9 = arith.constant 256 : i32
    %add3A_10 = arith.addi %mul3A_4, %add3A_9 : i32
    "tpu.region"() ({
      %run_scoped3A = tpu.sem_alloc : memref<!tpu.dma_semaphore, #tpu.memory_space<semaphore_mem>>
      %dma_start3A = arith.constant 0 : i32
      %dma_start3A_20 = tpu.memref_slice %arg7[%add3A_10, %dma_start3A] : memref<10248x128xf32, #tpu.memory_space<vmem_shared>> -> memref<128x128xf32, #tpu.memory_space<vmem_shared>>
      tpu.enqueue_dma source(%arg5 : memref<128x128xf32, #tpu.memory_space<hbm>>) target(%dma_start3A_20 : memref<128x128xf32, #tpu.memory_space<vmem_shared>>) target_semaphore(%run_scoped3A : memref<!tpu.dma_semaphore, #tpu.memory_space<semaphore_mem>>)
      %dma_wait3A = arith.constant 0 : i32
      %dma_wait3A_21 = tpu.memref_slice %arg7[%add3A_10, %dma_wait3A] : memref<10248x128xf32, #tpu.memory_space<vmem_shared>> -> memref<128x128xf32, #tpu.memory_space<vmem_shared>>
      tpu.wait_dma2 semaphore(%run_scoped3A : memref<!tpu.dma_semaphore, #tpu.memory_space<semaphore_mem>>) src(%arg5 : memref<128x128xf32, #tpu.memory_space<hbm>>) dst(%dma_wait3A_21 : memref<128x128xf32, #tpu.memory_space<vmem_shared>>)
      tpu.yield
    }) : () -> ()
    %add3A_11 = arith.constant 384 : i32
    %add3A_12 = arith.addi %mul3A_4, %add3A_11 : i32
    "tpu.region"() ({
      %run_scoped3A = tpu.sem_alloc : memref<!tpu.dma_semaphore, #tpu.memory_space<semaphore_mem>>
      %dma_start3A = arith.constant 0 : i32
      %dma_start3A_20 = tpu.memref_slice %arg7[%add3A_12, %dma_start3A] : memref<10248x128xf32, #tpu.memory_space<vmem_shared>> -> memref<128x128xf32, #tpu.memory_space<vmem_shared>>
      tpu.enqueue_dma source(%arg5 : memref<128x128xf32, #tpu.memory_space<hbm>>) target(%dma_start3A_20 : memref<128x128xf32, #tpu.memory_space<vmem_shared>>) target_semaphore(%run_scoped3A : memref<!tpu.dma_semaphore, #tpu.memory_space<semaphore_mem>>)
      %dma_wait3A = arith.constant 0 : i32
      %dma_wait3A_21 = tpu.memref_slice %arg7[%add3A_12, %dma_wait3A] : memref<10248x128xf32, #tpu.memory_space<vmem_shared>> -> memref<128x128xf32, #tpu.memory_space<vmem_shared>>
      tpu.wait_dma2 semaphore(%run_scoped3A : memref<!tpu.dma_semaphore, #tpu.memory_space<semaphore_mem>>) src(%arg5 : memref<128x128xf32, #tpu.memory_space<hbm>>) dst(%dma_wait3A_21 : memref<128x128xf32, #tpu.memory_space<vmem_shared>>)
      tpu.yield
    }) : () -> ()
    %add3A_13 = arith.constant 512 : i32
    %add3A_14 = arith.addi %mul3A_4, %add3A_13 : i32
    "tpu.region"() ({
      %run_scoped3A = tpu.sem_alloc : memref<!tpu.dma_semaphore, #tpu.memory_space<semaphore_mem>>
      %dma_start3A = arith.constant 0 : i32
      %dma_start3A_20 = tpu.memref_slice %arg7[%add3A_14, %dma_start3A] : memref<10248x128xf32, #tpu.memory_space<vmem_shared>> -> memref<128x128xf32, #tpu.memory_space<vmem_shared>>
      tpu.enqueue_dma source(%arg5 : memref<128x128xf32, #tpu.memory_space<hbm>>) target(%dma_start3A_20 : memref<128x128xf32, #tpu.memory_space<vmem_shared>>) target_semaphore(%run_scoped3A : memref<!tpu.dma_semaphore, #tpu.memory_space<semaphore_mem>>)
      %dma_wait3A = arith.constant 0 : i32
      %dma_wait3A_21 = tpu.memref_slice %arg7[%add3A_14, %dma_wait3A] : memref<10248x128xf32, #tpu.memory_space<vmem_shared>> -> memref<128x128xf32, #tpu.memory_space<vmem_shared>>
      tpu.wait_dma2 semaphore(%run_scoped3A : memref<!tpu.dma_semaphore, #tpu.memory_space<semaphore_mem>>) src(%arg5 : memref<128x128xf32, #tpu.memory_space<hbm>>) dst(%dma_wait3A_21 : memref<128x128xf32, #tpu.memory_space<vmem_shared>>)
      tpu.yield
    }) : () -> ()
    %barrier3A = arith.constant 0 : index
    tpu.barrier barrier_id(%barrier3A)
    %scan3A = arith.constant 0 : i32
    %scan3A_15 = arith.constant 0 : i32
    %scan3A_16 = arith.constant 8 : i32
    %scan3A_17 = arith.addi %scan3A_15, %scan3A_16 : i32
    %scan3A_18 = arith.constant 1 : i32
    scf.for %scan3A_20 = %scan3A_15 to %scan3A_17 step %scan3A_18  : i32 {
      %scan3A_21 = arith.constant 0 : i32
      %scan3A_22 = arith.constant 0 : i32
      %scan3A_23 = arith.constant 40 : i32
      %scan3A_24 = arith.addi %scan3A_22, %scan3A_23 : i32
      %scan3A_25 = arith.constant 1 : i32
      scf.for %scan3A_32 = %scan3A_22 to %scan3A_24 step %scan3A_25  : i32 {
        %mul3A_33 = arith.constant 128 : i32
        %mul3A_34 = arith.muli %scan3A_32, %mul3A_33 : i32
        %add3A_35 = arith.constant 0 : i32
        %add3A_36 = arith.addi %mul3A_34, %add3A_35 : i32
        %get3A = arith.index_cast %add3A_36 : i32 to index
        %get3A_37 = tpu.vector_load %arg8[%get3A] {strides = array<i32>} : memref<5120xi32, #tpu.memory_space<vmem>>, vector<16xi32>,
        %get3A_38 = vector.shape_cast %get3A_37 : vector<16xi32> to vector<16xi32>
        %get3A_39 = arith.index_cast %add3A_36 : i32 to index
        %get3A_40 = tpu.vector_load %arg9[%get3A_39] {strides = array<i32>} : memref<5120xi32, #tpu.memory_space<vmem>>, vector<16xi32>,
        %get3A_41 = vector.shape_cast %get3A_40 : vector<16xi32> to vector<16xi32>
        %swap3A = arith.constant 0 : index
        %swap3A_42 = tpu.vector_load %arg10[%swap3A] {strides = array<i32>} : memref<128xi32, #tpu.memory_space<vmem>>, vector<16xi32>,
        %swap3A_43 = vector.shape_cast %swap3A_42 : vector<16xi32> to vector<16xi32>
        %swap3A_44 = vector.shape_cast %get3A_38 : vector<16xi32> to vector<16xi32>
        tpu.vector_store %arg10[%swap3A], %swap3A_44 {strides = array<i32>} : memref<128xi32, #tpu.memory_space<vmem>>, vector<16xi32>,
        %mul3A_45 = arith.constant 10248 : i32
        %mul3A_46 = arith.muli %scan3A_20, %mul3A_45 : i32
        %sub3A = vector.broadcast %mul3A_46 : i32 to vector<16xi32>
        %sub3A_47 = arith.subi %get3A_41, %sub3A : vector<16xi32>
        %ge3A = arith.constant 0 : i32
        %ge3A_48 = vector.broadcast %ge3A : i32 to vector<16xi32>
        %ge3A_49 = arith.cmpi sge, %sub3A_47, %ge3A_48 : vector<16xi32>
        %lt3A = arith.constant 10248 : i32
        %lt3A_50 = vector.broadcast %lt3A : i32 to vector<16xi32>
        %lt3A_51 = arith.cmpi slt, %sub3A_47, %lt3A_50 : vector<16xi32>
        %and3A = arith.andi %ge3A_49, %lt3A_51 : vector<16xi1>
        %jit3A = arith.constant 10240 : i32
        %broadcast_in_dim3A = vector.broadcast %jit3A : i32 to vector<16xi32>
        %select_n3A = arith.select %and3A, %sub3A_47, %broadcast_in_dim3A : vector<16xi1>, vector<16xi32>
        %swap3A_52 = arith.constant 0 : index
        %swap3A_53 = tpu.vector_load %arg11[%swap3A_52] {strides = array<i32>} : memref<128xi32, #tpu.memory_space<vmem>>, vector<16xi32>,
        %swap3A_54 = vector.shape_cast %swap3A_53 : vector<16xi32> to vector<16xi32>
        %swap3A_55 = vector.shape_cast %select_n3A : vector<16xi32> to vector<16xi32>
        tpu.vector_store %arg11[%swap3A_52], %swap3A_55 {strides = array<i32>} : memref<128xi32, #tpu.memory_space<vmem>>, vector<16xi32>,
        %mul3A_56 = arith.constant 128 : i32
        %mul3A_57 = arith.muli %scan3A_32, %mul3A_56 : i32
        %add3A_58 = arith.constant 16 : i32
        %add3A_59 = arith.addi %mul3A_57, %add3A_58 : i32
        %get3A_60 = arith.index_cast %add3A_59 : i32 to index
        %get3A_61 = tpu.vector_load %arg8[%get3A_60] {strides = array<i32>} : memref<5120xi32, #tpu.memory_space<vmem>>, vector<16xi32>,
        %get3A_62 = vector.shape_cast %get3A_61 : vector<16xi32> to vector<16xi32>
        %get3A_63 = arith.index_cast %add3A_59 : i32 to index
        %get3A_64 = tpu.vector_load %arg9[%get3A_63] {strides = array<i32>} : memref<5120xi32, #tpu.memory_space<vmem>>, vector<16xi32>,
        %get3A_65 = vector.shape_cast %get3A_64 : vector<16xi32> to vector<16xi32>
        %swap3A_66 = arith.constant 16 : index
        %swap3A_67 = tpu.vector_load %arg10[%swap3A_66] {strides = array<i32>} : memref<128xi32, #tpu.memory_space<vmem>>, vector<16xi32>,
        %swap3A_68 = vector.shape_cast %swap3A_67 : vector<16xi32> to vector<16xi32>
        %swap3A_69 = vector.shape_cast %get3A_62 : vector<16xi32> to vector<16xi32>
        tpu.vector_store %arg10[%swap3A_66], %swap3A_69 {strides = array<i32>} : memref<128xi32, #tpu.memory_space<vmem>>, vector<16xi32>,
        %mul3A_70 = arith.constant 10248 : i32
        %mul3A_71 = arith.muli %scan3A_20, %mul3A_70 : i32
        %sub3A_72 = vector.broadcast %mul3A_71 : i32 to vector<16xi32>
        %sub3A_73 = arith.subi %get3A_65, %sub3A_72 : vector<16xi32>
        %ge3A_74 = arith.constant 0 : i32
        %ge3A_75 = vector.broadcast %ge3A_74 : i32 to vector<16xi32>
        %ge3A_76 = arith.cmpi sge, %sub3A_73, %ge3A_75 : vector<16xi32>
        %lt3A_77 = arith.constant 10248 : i32
        %lt3A_78 = vector.broadcast %lt3A_77 : i32 to vector<16xi32>
        %lt3A_79 = arith.cmpi slt, %sub3A_73, %lt3A_78 : vector<16xi32>
        %and3A_80 = arith.andi %ge3A_76, %lt3A_79 : vector<16xi1>
        %jit3A_81 = arith.constant 10240 : i32
        %broadcast_in_dim3A_82 = vector.broadcast %jit3A_81 : i32 to vector<16xi32>
        %select_n3A_83 = arith.select %and3A_80, %sub3A_73, %broadcast_in_dim3A_82 : vector<16xi1>, vector<16xi32>
        %swap3A_84 = arith.constant 16 : index
        %swap3A_85 = tpu.vector_load %arg11[%swap3A_84] {strides = array<i32>} : memref<128xi32, #tpu.memory_space<vmem>>, vector<16xi32>,
        %swap3A_86 = vector.shape_cast %swap3A_85 : vector<16xi32> to vector<16xi32>
        %swap3A_87 = vector.shape_cast %select_n3A_83 : vector<16xi32> to vector<16xi32>
        tpu.vector_store %arg11[%swap3A_84], %swap3A_87 {strides = array<i32>} : memref<128xi32, #tpu.memory_space<vmem>>, vector<16xi32>,
        %mul3A_88 = arith.constant 128 : i32
        %mul3A_89 = arith.muli %scan3A_32, %mul3A_88 : i32
        %add3A_90 = arith.constant 32 : i32
        %add3A_91 = arith.addi %mul3A_89, %add3A_90 : i32
        %get3A_92 = arith.index_cast %add3A_91 : i32 to index
        %get3A_93 = tpu.vector_load %arg8[%get3A_92] {strides = array<i32>} : memref<5120xi32, #tpu.memory_space<vmem>>, vector<16xi32>,
        %get3A_94 = vector.shape_cast %get3A_93 : vector<16xi32> to vector<16xi32>
        %get3A_95 = arith.index_cast %add3A_91 : i32 to index
        %get3A_96 = tpu.vector_load %arg9[%get3A_95] {strides = array<i32>} : memref<5120xi32, #tpu.memory_space<vmem>>, vector<16xi32>,
        %get3A_97 = vector.shape_cast %get3A_96 : vector<16xi32> to vector<16xi32>
        %swap3A_98 = arith.constant 32 : index
        %swap3A_99 = tpu.vector_load %arg10[%swap3A_98] {strides = array<i32>} : memref<128xi32, #tpu.memory_space<vmem>>, vector<16xi32>,
        %swap3A_100 = vector.shape_cast %swap3A_99 : vector<16xi32> to vector<16xi32>
        %swap3A_101 = vector.shape_cast %get3A_94 : vector<16xi32> to vector<16xi32>
        tpu.vector_store %arg10[%swap3A_98], %swap3A_101 {strides = array<i32>} : memref<128xi32, #tpu.memory_space<vmem>>, vector<16xi32>,
        %mul3A_102 = arith.constant 10248 : i32
        %mul3A_103 = arith.muli %scan3A_20, %mul3A_102 : i32
        %sub3A_104 = vector.broadcast %mul3A_103 : i32 to vector<16xi32>
        %sub3A_105 = arith.subi %get3A_97, %sub3A_104 : vector<16xi32>
        %ge3A_106 = arith.constant 0 : i32
        %ge3A_107 = vector.broadcast %ge3A_106 : i32 to vector<16xi32>
        %ge3A_108 = arith.cmpi sge, %sub3A_105, %ge3A_107 : vector<16xi32>
        %lt3A_109 = arith.constant 10248 : i32
        %lt3A_110 = vector.broadcast %lt3A_109 : i32 to vector<16xi32>
        %lt3A_111 = arith.cmpi slt, %sub3A_105, %lt3A_110 : vector<16xi32>
        %and3A_112 = arith.andi %ge3A_108, %lt3A_111 : vector<16xi1>
        %jit3A_113 = arith.constant 10240 : i32
        %broadcast_in_dim3A_114 = vector.broadcast %jit3A_113 : i32 to vector<16xi32>
        %select_n3A_115 = arith.select %and3A_112, %sub3A_105, %broadcast_in_dim3A_114 : vector<16xi1>, vector<16xi32>
        %swap3A_116 = arith.constant 32 : index
        %swap3A_117 = tpu.vector_load %arg11[%swap3A_116] {strides = array<i32>} : memref<128xi32, #tpu.memory_space<vmem>>, vector<16xi32>,
        %swap3A_118 = vector.shape_cast %swap3A_117 : vector<16xi32> to vector<16xi32>
        %swap3A_119 = vector.shape_cast %select_n3A_115 : vector<16xi32> to vector<16xi32>
        tpu.vector_store %arg11[%swap3A_116], %swap3A_119 {strides = array<i32>} : memref<128xi32, #tpu.memory_space<vmem>>, vector<16xi32>,
        %mul3A_120 = arith.constant 128 : i32
        %mul3A_121 = arith.muli %scan3A_32, %mul3A_120 : i32
        %add3A_122 = arith.constant 48 : i32
        %add3A_123 = arith.addi %mul3A_121, %add3A_122 : i32
        %get3A_124 = arith.index_cast %add3A_123 : i32 to index
        %get3A_125 = tpu.vector_load %arg8[%get3A_124] {strides = array<i32>} : memref<5120xi32, #tpu.memory_space<vmem>>, vector<16xi32>,
        %get3A_126 = vector.shape_cast %get3A_125 : vector<16xi32> to vector<16xi32>
        %get3A_127 = arith.index_cast %add3A_123 : i32 to index
        %get3A_128 = tpu.vector_load %arg9[%get3A_127] {strides = array<i32>} : memref<5120xi32, #tpu.memory_space<vmem>>, vector<16xi32>,
        %get3A_129 = vector.shape_cast %get3A_128 : vector<16xi32> to vector<16xi32>
        %swap3A_130 = arith.constant 48 : index
        %swap3A_131 = tpu.vector_load %arg10[%swap3A_130] {strides = array<i32>} : memref<128xi32, #tpu.memory_space<vmem>>, vector<16xi32>,
        %swap3A_132 = vector.shape_cast %swap3A_131 : vector<16xi32> to vector<16xi32>
        %swap3A_133 = vector.shape_cast %get3A_126 : vector<16xi32> to vector<16xi32>
        tpu.vector_store %arg10[%swap3A_130], %swap3A_133 {strides = array<i32>} : memref<128xi32, #tpu.memory_space<vmem>>, vector<16xi32>,
        %mul3A_134 = arith.constant 10248 : i32
        %mul3A_135 = arith.muli %scan3A_20, %mul3A_134 : i32
        %sub3A_136 = vector.broadcast %mul3A_135 : i32 to vector<16xi32>
        %sub3A_137 = arith.subi %get3A_129, %sub3A_136 : vector<16xi32>
        %ge3A_138 = arith.constant 0 : i32
        %ge3A_139 = vector.broadcast %ge3A_138 : i32 to vector<16xi32>
        %ge3A_140 = arith.cmpi sge, %sub3A_137, %ge3A_139 : vector<16xi32>
        %lt3A_141 = arith.constant 10248 : i32
        %lt3A_142 = vector.broadcast %lt3A_141 : i32 to vector<16xi32>
        %lt3A_143 = arith.cmpi slt, %sub3A_137, %lt3A_142 : vector<16xi32>
        %and3A_144 = arith.andi %ge3A_140, %lt3A_143 : vector<16xi1>
        %jit3A_145 = arith.constant 10240 : i32
        %broadcast_in_dim3A_146 = vector.broadcast %jit3A_145 : i32 to vector<16xi32>
        %select_n3A_147 = arith.select %and3A_144, %sub3A_137, %broadcast_in_dim3A_146 : vector<16xi1>, vector<16xi32>
        %swap3A_148 = arith.constant 48 : index
        %swap3A_149 = tpu.vector_load %arg11[%swap3A_148] {strides = array<i32>} : memref<128xi32, #tpu.memory_space<vmem>>, vector<16xi32>,
        %swap3A_150 = vector.shape_cast %swap3A_149 : vector<16xi32> to vector<16xi32>
        %swap3A_151 = vector.shape_cast %select_n3A_147 : vector<16xi32> to vector<16xi32>
        tpu.vector_store %arg11[%swap3A_148], %swap3A_151 {strides = array<i32>} : memref<128xi32, #tpu.memory_space<vmem>>, vector<16xi32>,
        %mul3A_152 = arith.constant 128 : i32
        %mul3A_153 = arith.muli %scan3A_32, %mul3A_152 : i32
        %add3A_154 = arith.constant 64 : i32
        %add3A_155 = arith.addi %mul3A_153, %add3A_154 : i32
        %get3A_156 = arith.index_cast %add3A_155 : i32 to index
        %get3A_157 = tpu.vector_load %arg8[%get3A_156] {strides = array<i32>} : memref<5120xi32, #tpu.memory_space<vmem>>, vector<16xi32>,
        %get3A_158 = vector.shape_cast %get3A_157 : vector<16xi32> to vector<16xi32>
        %get3A_159 = arith.index_cast %add3A_155 : i32 to index
        %get3A_160 = tpu.vector_load %arg9[%get3A_159] {strides = array<i32>} : memref<5120xi32, #tpu.memory_space<vmem>>, vector<16xi32>,
        %get3A_161 = vector.shape_cast %get3A_160 : vector<16xi32> to vector<16xi32>
        %swap3A_162 = arith.constant 64 : index
        %swap3A_163 = tpu.vector_load %arg10[%swap3A_162] {strides = array<i32>} : memref<128xi32, #tpu.memory_space<vmem>>, vector<16xi32>,
        %swap3A_164 = vector.shape_cast %swap3A_163 : vector<16xi32> to vector<16xi32>
        %swap3A_165 = vector.shape_cast %get3A_158 : vector<16xi32> to vector<16xi32>
        tpu.vector_store %arg10[%swap3A_162], %swap3A_165 {strides = array<i32>} : memref<128xi32, #tpu.memory_space<vmem>>, vector<16xi32>,
        %mul3A_166 = arith.constant 10248 : i32
        %mul3A_167 = arith.muli %scan3A_20, %mul3A_166 : i32
        %sub3A_168 = vector.broadcast %mul3A_167 : i32 to vector<16xi32>
        %sub3A_169 = arith.subi %get3A_161, %sub3A_168 : vector<16xi32>
        %ge3A_170 = arith.constant 0 : i32
        %ge3A_171 = vector.broadcast %ge3A_170 : i32 to vector<16xi32>
        %ge3A_172 = arith.cmpi sge, %sub3A_169, %ge3A_171 : vector<16xi32>
        %lt3A_173 = arith.constant 10248 : i32
        %lt3A_174 = vector.broadcast %lt3A_173 : i32 to vector<16xi32>
        %lt3A_175 = arith.cmpi slt, %sub3A_169, %lt3A_174 : vector<16xi32>
        %and3A_176 = arith.andi %ge3A_172, %lt3A_175 : vector<16xi1>
        %jit3A_177 = arith.constant 10240 : i32
        %broadcast_in_dim3A_178 = vector.broadcast %jit3A_177 : i32 to vector<16xi32>
        %select_n3A_179 = arith.select %and3A_176, %sub3A_169, %broadcast_in_dim3A_178 : vector<16xi1>, vector<16xi32>
        %swap3A_180 = arith.constant 64 : index
        %swap3A_181 = tpu.vector_load %arg11[%swap3A_180] {strides = array<i32>} : memref<128xi32, #tpu.memory_space<vmem>>, vector<16xi32>,
        %swap3A_182 = vector.shape_cast %swap3A_181 : vector<16xi32> to vector<16xi32>
        %swap3A_183 = vector.shape_cast %select_n3A_179 : vector<16xi32> to vector<16xi32>
        tpu.vector_store %arg11[%swap3A_180], %swap3A_183 {strides = array<i32>} : memref<128xi32, #tpu.memory_space<vmem>>, vector<16xi32>,
        %mul3A_184 = arith.constant 128 : i32
        %mul3A_185 = arith.muli %scan3A_32, %mul3A_184 : i32
        %add3A_186 = arith.constant 80 : i32
        %add3A_187 = arith.addi %mul3A_185, %add3A_186 : i32
        %get3A_188 = arith.index_cast %add3A_187 : i32 to index
        %get3A_189 = tpu.vector_load %arg8[%get3A_188] {strides = array<i32>} : memref<5120xi32, #tpu.memory_space<vmem>>, vector<16xi32>,
        %get3A_190 = vector.shape_cast %get3A_189 : vector<16xi32> to vector<16xi32>
        %get3A_191 = arith.index_cast %add3A_187 : i32 to index
        %get3A_192 = tpu.vector_load %arg9[%get3A_191] {strides = array<i32>} : memref<5120xi32, #tpu.memory_space<vmem>>, vector<16xi32>,
        %get3A_193 = vector.shape_cast %get3A_192 : vector<16xi32> to vector<16xi32>
        %swap3A_194 = arith.constant 80 : index
        %swap3A_195 = tpu.vector_load %arg10[%swap3A_194] {strides = array<i32>} : memref<128xi32, #tpu.memory_space<vmem>>, vector<16xi32>,
        %swap3A_196 = vector.shape_cast %swap3A_195 : vector<16xi32> to vector<16xi32>
        %swap3A_197 = vector.shape_cast %get3A_190 : vector<16xi32> to vector<16xi32>
        tpu.vector_store %arg10[%swap3A_194], %swap3A_197 {strides = array<i32>} : memref<128xi32, #tpu.memory_space<vmem>>, vector<16xi32>,
        %mul3A_198 = arith.constant 10248 : i32
        %mul3A_199 = arith.muli %scan3A_20, %mul3A_198 : i32
        %sub3A_200 = vector.broadcast %mul3A_199 : i32 to vector<16xi32>
        %sub3A_201 = arith.subi %get3A_193, %sub3A_200 : vector<16xi32>
        %ge3A_202 = arith.constant 0 : i32
        %ge3A_203 = vector.broadcast %ge3A_202 : i32 to vector<16xi32>
        %ge3A_204 = arith.cmpi sge, %sub3A_201, %ge3A_203 : vector<16xi32>
        %lt3A_205 = arith.constant 10248 : i32
        %lt3A_206 = vector.broadcast %lt3A_205 : i32 to vector<16xi32>
        %lt3A_207 = arith.cmpi slt, %sub3A_201, %lt3A_206 : vector<16xi32>
        %and3A_208 = arith.andi %ge3A_204, %lt3A_207 : vector<16xi1>
        %jit3A_209 = arith.constant 10240 : i32
        %broadcast_in_dim3A_210 = vector.broadcast %jit3A_209 : i32 to vector<16xi32>
        %select_n3A_211 = arith.select %and3A_208, %sub3A_201, %broadcast_in_dim3A_210 : vector<16xi1>, vector<16xi32>
        %swap3A_212 = arith.constant 80 : index
        %swap3A_213 = tpu.vector_load %arg11[%swap3A_212] {strides = array<i32>} : memref<128xi32, #tpu.memory_space<vmem>>, vector<16xi32>,
        %swap3A_214 = vector.shape_cast %swap3A_213 : vector<16xi32> to vector<16xi32>
        %swap3A_215 = vector.shape_cast %select_n3A_211 : vector<16xi32> to vector<16xi32>
        tpu.vector_store %arg11[%swap3A_212], %swap3A_215 {strides = array<i32>} : memref<128xi32, #tpu.memory_space<vmem>>, vector<16xi32>,
        %mul3A_216 = arith.constant 128 : i32
        %mul3A_217 = arith.muli %scan3A_32, %mul3A_216 : i32
        %add3A_218 = arith.constant 96 : i32
        %add3A_219 = arith.addi %mul3A_217, %add3A_218 : i32
        %get3A_220 = arith.index_cast %add3A_219 : i32 to index
        %get3A_221 = tpu.vector_load %arg8[%get3A_220] {strides = array<i32>} : memref<5120xi32, #tpu.memory_space<vmem>>, vector<16xi32>,
        %get3A_222 = vector.shape_cast %get3A_221 : vector<16xi32> to vector<16xi32>
        %get3A_223 = arith.index_cast %add3A_219 : i32 to index
        %get3A_224 = tpu.vector_load %arg9[%get3A_223] {strides = array<i32>} : memref<5120xi32, #tpu.memory_space<vmem>>, vector<16xi32>,
        %get3A_225 = vector.shape_cast %get3A_224 : vector<16xi32> to vector<16xi32>
        %swap3A_226 = arith.constant 96 : index
        %swap3A_227 = tpu.vector_load %arg10[%swap3A_226] {strides = array<i32>} : memref<128xi32, #tpu.memory_space<vmem>>, vector<16xi32>,
        %swap3A_228 = vector.shape_cast %swap3A_227 : vector<16xi32> to vector<16xi32>
        %swap3A_229 = vector.shape_cast %get3A_222 : vector<16xi32> to vector<16xi32>
        tpu.vector_store %arg10[%swap3A_226], %swap3A_229 {strides = array<i32>} : memref<128xi32, #tpu.memory_space<vmem>>, vector<16xi32>,
        %mul3A_230 = arith.constant 10248 : i32
        %mul3A_231 = arith.muli %scan3A_20, %mul3A_230 : i32
        %sub3A_232 = vector.broadcast %mul3A_231 : i32 to vector<16xi32>
        %sub3A_233 = arith.subi %get3A_225, %sub3A_232 : vector<16xi32>
        %ge3A_234 = arith.constant 0 : i32
        %ge3A_235 = vector.broadcast %ge3A_234 : i32 to vector<16xi32>
        %ge3A_236 = arith.cmpi sge, %sub3A_233, %ge3A_235 : vector<16xi32>
        %lt3A_237 = arith.constant 10248 : i32
        %lt3A_238 = vector.broadcast %lt3A_237 : i32 to vector<16xi32>
        %lt3A_239 = arith.cmpi slt, %sub3A_233, %lt3A_238 : vector<16xi32>
        %and3A_240 = arith.andi %ge3A_236, %lt3A_239 : vector<16xi1>
        %jit3A_241 = arith.constant 10240 : i32
        %broadcast_in_dim3A_242 = vector.broadcast %jit3A_241 : i32 to vector<16xi32>
        %select_n3A_243 = arith.select %and3A_240, %sub3A_233, %broadcast_in_dim3A_242 : vector<16xi1>, vector<16xi32>
        %swap3A_244 = arith.constant 96 : index
        %swap3A_245 = tpu.vector_load %arg11[%swap3A_244] {strides = array<i32>} : memref<128xi32, #tpu.memory_space<vmem>>, vector<16xi32>,
        %swap3A_246 = vector.shape_cast %swap3A_245 : vector<16xi32> to vector<16xi32>
        %swap3A_247 = vector.shape_cast %select_n3A_243 : vector<16xi32> to vector<16xi32>
        tpu.vector_store %arg11[%swap3A_244], %swap3A_247 {strides = array<i32>} : memref<128xi32, #tpu.memory_space<vmem>>, vector<16xi32>,
        %mul3A_248 = arith.constant 128 : i32
        %mul3A_249 = arith.muli %scan3A_32, %mul3A_248 : i32
        %add3A_250 = arith.constant 112 : i32
        %add3A_251 = arith.addi %mul3A_249, %add3A_250 : i32
        %get3A_252 = arith.index_cast %add3A_251 : i32 to index
        %get3A_253 = tpu.vector_load %arg8[%get3A_252] {strides = array<i32>} : memref<5120xi32, #tpu.memory_space<vmem>>, vector<16xi32>,
        %get3A_254 = vector.shape_cast %get3A_253 : vector<16xi32> to vector<16xi32>
        %get3A_255 = arith.index_cast %add3A_251 : i32 to index
        %get3A_256 = tpu.vector_load %arg9[%get3A_255] {strides = array<i32>} : memref<5120xi32, #tpu.memory_space<vmem>>, vector<16xi32>,
        %get3A_257 = vector.shape_cast %get3A_256 : vector<16xi32> to vector<16xi32>
        %swap3A_258 = arith.constant 112 : index
        %swap3A_259 = tpu.vector_load %arg10[%swap3A_258] {strides = array<i32>} : memref<128xi32, #tpu.memory_space<vmem>>, vector<16xi32>,
        %swap3A_260 = vector.shape_cast %swap3A_259 : vector<16xi32> to vector<16xi32>
        %swap3A_261 = vector.shape_cast %get3A_254 : vector<16xi32> to vector<16xi32>
        tpu.vector_store %arg10[%swap3A_258], %swap3A_261 {strides = array<i32>} : memref<128xi32, #tpu.memory_space<vmem>>, vector<16xi32>,
        %mul3A_262 = arith.constant 10248 : i32
        %mul3A_263 = arith.muli %scan3A_20, %mul3A_262 : i32
        %sub3A_264 = vector.broadcast %mul3A_263 : i32 to vector<16xi32>
        %sub3A_265 = arith.subi %get3A_257, %sub3A_264 : vector<16xi32>
        %ge3A_266 = arith.constant 0 : i32
        %ge3A_267 = vector.broadcast %ge3A_266 : i32 to vector<16xi32>
        %ge3A_268 = arith.cmpi sge, %sub3A_265, %ge3A_267 : vector<16xi32>
        %lt3A_269 = arith.constant 10248 : i32
        %lt3A_270 = vector.broadcast %lt3A_269 : i32 to vector<16xi32>
        %lt3A_271 = arith.cmpi slt, %sub3A_265, %lt3A_270 : vector<16xi32>
        %and3A_272 = arith.andi %ge3A_268, %lt3A_271 : vector<16xi1>
        %jit3A_273 = arith.constant 10240 : i32
        %broadcast_in_dim3A_274 = vector.broadcast %jit3A_273 : i32 to vector<16xi32>
        %select_n3A_275 = arith.select %and3A_272, %sub3A_265, %broadcast_in_dim3A_274 : vector<16xi1>, vector<16xi32>
        %swap3A_276 = arith.constant 112 : index
        %swap3A_277 = tpu.vector_load %arg11[%swap3A_276] {strides = array<i32>} : memref<128xi32, #tpu.memory_space<vmem>>, vector<16xi32>,
        %swap3A_278 = vector.shape_cast %swap3A_277 : vector<16xi32> to vector<16xi32>
        %swap3A_279 = vector.shape_cast %select_n3A_275 : vector<16xi32> to vector<16xi32>
        tpu.vector_store %arg11[%swap3A_276], %swap3A_279 {strides = array<i32>} : memref<128xi32, #tpu.memory_space<vmem>>, vector<16xi32>,
        %dma_start3A = arith.constant 0 : i32
        %dma_start3A_280 = arith.constant 0 : i32
        %dma_start3A_281 = tpu.memref_slice %arg2[%dma_start3A, %dma_start3A_280] : memref<10240x128xf32, #tpu.memory_space<hbm>> -> memref<10240x128xf32, #tpu.memory_space<hbm>>
        tpu.enqueue_indirect_dma source(%dma_start3A_281 : memref<10240x128xf32, #tpu.memory_space<hbm>>) target(%arg12 : memref<128x128xf32, #tpu.memory_space<vmem>>) offsets(%arg10 : memref<128xi32, #tpu.memory_space<vmem>>) semaphore(%arg13 : memref<!tpu.dma_semaphore, #tpu.memory_space<semaphore_mem>>)
        %dma_wait3A = arith.constant 0 : i32
        %dma_wait3A_282 = arith.constant 0 : i32
        %dma_wait3A_283 = tpu.memref_slice %arg2[%dma_wait3A, %dma_wait3A_282] : memref<10240x128xf32, #tpu.memory_space<hbm>> -> memref<10240x128xf32, #tpu.memory_space<hbm>>
        tpu.wait_indirect_dma semaphore(%arg13 : memref<!tpu.dma_semaphore, #tpu.memory_space<semaphore_mem>>) src(%dma_wait3A_283 : memref<10240x128xf32, #tpu.memory_space<hbm>>) dst(%arg12 : memref<128x128xf32, #tpu.memory_space<vmem>>)
        "tpu.region"() ({
          %run_scoped3A = tpu.sem_alloc : memref<!tpu.dma_semaphore, #tpu.memory_space<semaphore_mem>>
          %dma_start3A_284 = arith.constant 0 : i32
          %dma_start3A_285 = arith.constant 0 : i32
          %dma_start3A_286 = tpu.memref_slice %arg7[%dma_start3A_284, %dma_start3A_285] : memref<10248x128xf32, #tpu.memory_space<vmem_shared>> -> memref<10248x128xf32, #tpu.memory_space<vmem_shared>>
          tpu.enqueue_indirect_dma source(%arg12 : memref<128x128xf32, #tpu.memory_space<vmem>>) target(%dma_start3A_286 : memref<10248x128xf32, #tpu.memory_space<vmem_shared>>) offsets(%arg11 : memref<128xi32, #tpu.memory_space<vmem>>) semaphore(%run_scoped3A : memref<!tpu.dma_semaphore, #tpu.memory_space<semaphore_mem>>) {add = true}
          %dma_wait3A_287 = arith.constant 0 : i32
          %dma_wait3A_288 = arith.constant 0 : i32
          %dma_wait3A_289 = tpu.memref_slice %arg7[%dma_wait3A_287, %dma_wait3A_288] : memref<10248x128xf32, #tpu.memory_space<vmem_shared>> -> memref<10248x128xf32, #tpu.memory_space<vmem_shared>>
          tpu.wait_indirect_dma semaphore(%run_scoped3A : memref<!tpu.dma_semaphore, #tpu.memory_space<semaphore_mem>>) src(%arg12 : memref<128x128xf32, #tpu.memory_space<vmem>>) dst(%dma_wait3A_289 : memref<10248x128xf32, #tpu.memory_space<vmem_shared>>)
          tpu.yield
        }) : () -> ()
      }
      %scan3A_26 = arith.constant 40 : i32
      %barrier3A_27 = arith.constant 0 : index
      tpu.barrier barrier_id(%barrier3A_27)
      %mul3A_28 = arith.constant 8 : i32
      %mul3A_29 = arith.muli %arg0, %mul3A_28 : i32
      %add3A_30 = arith.addi %mul3A_29, %scan3A_20 : i32
      "tpu.region"() ({
        %run_scoped3A = tpu.sem_alloc : memref<!tpu.dma_semaphore, #tpu.memory_space<semaphore_mem>>
        %dma_start3A = arith.constant 0 : i32
        %dma_start3A_32 = tpu.memref_slice %arg6[%add3A_30, %mul3A_4, %dma_start3A] : memref<16x10240x128xf32, #tpu.memory_space<hbm>> -> memref<1x640x128xf32, #tpu.memory_space<hbm>>
        %dma_start3A_33 = tpu.memref_squeeze %dma_start3A_32 : memref<1x640x128xf32, #tpu.memory_space<hbm>> -> memref<640x128xf32, #tpu.memory_space<hbm>>
        %dma_start3A_34 = arith.constant 0 : i32
        %dma_start3A_35 = tpu.memref_slice %arg7[%mul3A_4, %dma_start3A_34] : memref<10248x128xf32, #tpu.memory_space<vmem_shared>> -> memref<640x128xf32, #tpu.memory_space<vmem_shared>>
        tpu.enqueue_dma source(%dma_start3A_35 : memref<640x128xf32, #tpu.memory_space<vmem_shared>>) target(%dma_start3A_33 : memref<640x128xf32, #tpu.memory_space<hbm>>) target_semaphore(%run_scoped3A : memref<!tpu.dma_semaphore, #tpu.memory_space<semaphore_mem>>)
        %dma_wait3A = arith.constant 0 : i32
        %dma_wait3A_36 = tpu.memref_slice %arg6[%add3A_30, %mul3A_4, %dma_wait3A] : memref<16x10240x128xf32, #tpu.memory_space<hbm>> -> memref<1x640x128xf32, #tpu.memory_space<hbm>>
        %dma_wait3A_37 = tpu.memref_squeeze %dma_wait3A_36 : memref<1x640x128xf32, #tpu.memory_space<hbm>> -> memref<640x128xf32, #tpu.memory_space<hbm>>
        %dma_wait3A_38 = arith.constant 0 : i32
        %dma_wait3A_39 = tpu.memref_slice %arg7[%mul3A_4, %dma_wait3A_38] : memref<10248x128xf32, #tpu.memory_space<vmem_shared>> -> memref<640x128xf32, #tpu.memory_space<vmem_shared>>
        tpu.wait_dma2 semaphore(%run_scoped3A : memref<!tpu.dma_semaphore, #tpu.memory_space<semaphore_mem>>) src(%dma_wait3A_39 : memref<640x128xf32, #tpu.memory_space<vmem_shared>>) dst(%dma_wait3A_37 : memref<640x128xf32, #tpu.memory_space<hbm>>)
        tpu.yield
      }) : () -> ()
      %barrier3A_31 = arith.constant 0 : index
      tpu.barrier barrier_id(%barrier3A_31)
    }
    %scan3A_19 = arith.constant 8 : i32
    return
  }
}

#map = affine_map<(d0, d1) -> (0, 0)>
#map1 = affine_map<(d0, d1) -> (0)>
#map2 = affine_map<(d0, d1) -> (0, 0, 0)>
module attributes {stable_mosaic.version = 14 : i64} {
  func.func @_cnt_body(%arg0: i32, %arg1: i32, %arg2: memref<16x128xf32, #tpu.memory_space<hbm>>, %arg3: memref<163840xi32, #tpu.memory_space<hbm>>, %arg4: memref<163840xi32, #tpu.memory_space<hbm>>, %arg5: memref<128x128xf32, #tpu.memory_space<hbm>>, %arg6: memref<2x10240x128xf32, #tpu.memory_space<hbm>>, %arg7: memref<10248x128xf32, #tpu.memory_space<vmem_shared>>, %arg8: memref<5120xi32, #tpu.memory_space<vmem>>, %arg9: memref<5120xi32, #tpu.memory_space<vmem>>, %arg10: memref<128xi32, #tpu.memory_space<vmem>>, %arg11: memref<128xi32, #tpu.memory_space<vmem>>, %arg12: memref<128x128xf32, #tpu.memory_space<vmem>>, %arg13: memref<!tpu.dma_semaphore, #tpu.memory_space<semaphore_mem>>) attributes {dimension_semantics = [#tpu.dimension_semantics<core_parallel>, #tpu.dimension_semantics<subcore_parallel>], iteration_bounds = array<i64: 2, 16>, scalar_prefetch = 0 : i64, scratch_operands = 7 : i64, tpu.core_type = #tpu.core_type<sc_vector_subcore>, window_params = [{transform_indices = #map}, {transform_indices = #map1}, {transform_indices = #map1}, {transform_indices = #map}, {transform_indices = #map2}]} {
    %mul3A = arith.constant 2 : i32
    %mul3A_0 = arith.muli %arg1, %mul3A : i32
    %add3A = arith.addi %mul3A_0, %arg0 : i32
    %mul3A_1 = arith.constant 5120 : i32
    %mul3A_2 = arith.muli %add3A, %mul3A_1 : i32
    "tpu.region"() ({
      %run_scoped3A = tpu.sem_alloc : memref<!tpu.dma_semaphore, #tpu.memory_space<semaphore_mem>>
      %dma_start3A = tpu.memref_slice %arg3[%mul3A_2] : memref<163840xi32, #tpu.memory_space<hbm>> -> memref<5120xi32, #tpu.memory_space<hbm>>
      %dma_start3A_21 = tpu.memref_slice %arg3[%mul3A_2] : memref<163840xi32, #tpu.memory_space<hbm>> -> memref<5120xi32, #tpu.memory_space<hbm>>
      tpu.enqueue_dma source(%dma_start3A_21 : memref<5120xi32, #tpu.memory_space<hbm>>) target(%arg8 : memref<5120xi32, #tpu.memory_space<vmem>>) target_semaphore(%run_scoped3A : memref<!tpu.dma_semaphore, #tpu.memory_space<semaphore_mem>>)
      %dma_wait3A = tpu.memref_slice %arg3[%mul3A_2] : memref<163840xi32, #tpu.memory_space<hbm>> -> memref<5120xi32, #tpu.memory_space<hbm>>
      %dma_wait3A_22 = tpu.memref_slice %arg3[%mul3A_2] : memref<163840xi32, #tpu.memory_space<hbm>> -> memref<5120xi32, #tpu.memory_space<hbm>>
      tpu.wait_dma2 semaphore(%run_scoped3A : memref<!tpu.dma_semaphore, #tpu.memory_space<semaphore_mem>>) src(%dma_wait3A_22 : memref<5120xi32, #tpu.memory_space<hbm>>) dst(%arg8 : memref<5120xi32, #tpu.memory_space<vmem>>)
      tpu.yield
    }) : () -> ()
    "tpu.region"() ({
      %run_scoped3A = tpu.sem_alloc : memref<!tpu.dma_semaphore, #tpu.memory_space<semaphore_mem>>
      %dma_start3A = tpu.memref_slice %arg4[%mul3A_2] : memref<163840xi32, #tpu.memory_space<hbm>> -> memref<5120xi32, #tpu.memory_space<hbm>>
      %dma_start3A_21 = tpu.memref_slice %arg4[%mul3A_2] : memref<163840xi32, #tpu.memory_space<hbm>> -> memref<5120xi32, #tpu.memory_space<hbm>>
      tpu.enqueue_dma source(%dma_start3A_21 : memref<5120xi32, #tpu.memory_space<hbm>>) target(%arg9 : memref<5120xi32, #tpu.memory_space<vmem>>) target_semaphore(%run_scoped3A : memref<!tpu.dma_semaphore, #tpu.memory_space<semaphore_mem>>)
      %dma_wait3A = tpu.memref_slice %arg4[%mul3A_2] : memref<163840xi32, #tpu.memory_space<hbm>> -> memref<5120xi32, #tpu.memory_space<hbm>>
      %dma_wait3A_22 = tpu.memref_slice %arg4[%mul3A_2] : memref<163840xi32, #tpu.memory_space<hbm>> -> memref<5120xi32, #tpu.memory_space<hbm>>
      tpu.wait_dma2 semaphore(%run_scoped3A : memref<!tpu.dma_semaphore, #tpu.memory_space<semaphore_mem>>) src(%dma_wait3A_22 : memref<5120xi32, #tpu.memory_space<hbm>>) dst(%arg9 : memref<5120xi32, #tpu.memory_space<vmem>>)
      tpu.yield
    }) : () -> ()
    %mul3A_3 = arith.constant 640 : i32
    %mul3A_4 = arith.muli %arg1, %mul3A_3 : i32
    %add3A_5 = arith.constant 0 : i32
    %add3A_6 = arith.addi %mul3A_4, %add3A_5 : i32
    "tpu.region"() ({
      %run_scoped3A = tpu.sem_alloc : memref<!tpu.dma_semaphore, #tpu.memory_space<semaphore_mem>>
      %dma_start3A = arith.constant 0 : i32
      %dma_start3A_21 = tpu.memref_slice %arg7[%add3A_6, %dma_start3A] : memref<10248x128xf32, #tpu.memory_space<vmem_shared>> -> memref<128x128xf32, #tpu.memory_space<vmem_shared>>
      tpu.enqueue_dma source(%arg5 : memref<128x128xf32, #tpu.memory_space<hbm>>) target(%dma_start3A_21 : memref<128x128xf32, #tpu.memory_space<vmem_shared>>) target_semaphore(%run_scoped3A : memref<!tpu.dma_semaphore, #tpu.memory_space<semaphore_mem>>)
      %dma_wait3A = arith.constant 0 : i32
      %dma_wait3A_22 = tpu.memref_slice %arg7[%add3A_6, %dma_wait3A] : memref<10248x128xf32, #tpu.memory_space<vmem_shared>> -> memref<128x128xf32, #tpu.memory_space<vmem_shared>>
      tpu.wait_dma2 semaphore(%run_scoped3A : memref<!tpu.dma_semaphore, #tpu.memory_space<semaphore_mem>>) src(%arg5 : memref<128x128xf32, #tpu.memory_space<hbm>>) dst(%dma_wait3A_22 : memref<128x128xf32, #tpu.memory_space<vmem_shared>>)
      tpu.yield
    }) : () -> ()
    %add3A_7 = arith.constant 128 : i32
    %add3A_8 = arith.addi %mul3A_4, %add3A_7 : i32
    "tpu.region"() ({
      %run_scoped3A = tpu.sem_alloc : memref<!tpu.dma_semaphore, #tpu.memory_space<semaphore_mem>>
      %dma_start3A = arith.constant 0 : i32
      %dma_start3A_21 = tpu.memref_slice %arg7[%add3A_8, %dma_start3A] : memref<10248x128xf32, #tpu.memory_space<vmem_shared>> -> memref<128x128xf32, #tpu.memory_space<vmem_shared>>
      tpu.enqueue_dma source(%arg5 : memref<128x128xf32, #tpu.memory_space<hbm>>) target(%dma_start3A_21 : memref<128x128xf32, #tpu.memory_space<vmem_shared>>) target_semaphore(%run_scoped3A : memref<!tpu.dma_semaphore, #tpu.memory_space<semaphore_mem>>)
      %dma_wait3A = arith.constant 0 : i32
      %dma_wait3A_22 = tpu.memref_slice %arg7[%add3A_8, %dma_wait3A] : memref<10248x128xf32, #tpu.memory_space<vmem_shared>> -> memref<128x128xf32, #tpu.memory_space<vmem_shared>>
      tpu.wait_dma2 semaphore(%run_scoped3A : memref<!tpu.dma_semaphore, #tpu.memory_space<semaphore_mem>>) src(%arg5 : memref<128x128xf32, #tpu.memory_space<hbm>>) dst(%dma_wait3A_22 : memref<128x128xf32, #tpu.memory_space<vmem_shared>>)
      tpu.yield
    }) : () -> ()
    %add3A_9 = arith.constant 256 : i32
    %add3A_10 = arith.addi %mul3A_4, %add3A_9 : i32
    "tpu.region"() ({
      %run_scoped3A = tpu.sem_alloc : memref<!tpu.dma_semaphore, #tpu.memory_space<semaphore_mem>>
      %dma_start3A = arith.constant 0 : i32
      %dma_start3A_21 = tpu.memref_slice %arg7[%add3A_10, %dma_start3A] : memref<10248x128xf32, #tpu.memory_space<vmem_shared>> -> memref<128x128xf32, #tpu.memory_space<vmem_shared>>
      tpu.enqueue_dma source(%arg5 : memref<128x128xf32, #tpu.memory_space<hbm>>) target(%dma_start3A_21 : memref<128x128xf32, #tpu.memory_space<vmem_shared>>) target_semaphore(%run_scoped3A : memref<!tpu.dma_semaphore, #tpu.memory_space<semaphore_mem>>)
      %dma_wait3A = arith.constant 0 : i32
      %dma_wait3A_22 = tpu.memref_slice %arg7[%add3A_10, %dma_wait3A] : memref<10248x128xf32, #tpu.memory_space<vmem_shared>> -> memref<128x128xf32, #tpu.memory_space<vmem_shared>>
      tpu.wait_dma2 semaphore(%run_scoped3A : memref<!tpu.dma_semaphore, #tpu.memory_space<semaphore_mem>>) src(%arg5 : memref<128x128xf32, #tpu.memory_space<hbm>>) dst(%dma_wait3A_22 : memref<128x128xf32, #tpu.memory_space<vmem_shared>>)
      tpu.yield
    }) : () -> ()
    %add3A_11 = arith.constant 384 : i32
    %add3A_12 = arith.addi %mul3A_4, %add3A_11 : i32
    "tpu.region"() ({
      %run_scoped3A = tpu.sem_alloc : memref<!tpu.dma_semaphore, #tpu.memory_space<semaphore_mem>>
      %dma_start3A = arith.constant 0 : i32
      %dma_start3A_21 = tpu.memref_slice %arg7[%add3A_12, %dma_start3A] : memref<10248x128xf32, #tpu.memory_space<vmem_shared>> -> memref<128x128xf32, #tpu.memory_space<vmem_shared>>
      tpu.enqueue_dma source(%arg5 : memref<128x128xf32, #tpu.memory_space<hbm>>) target(%dma_start3A_21 : memref<128x128xf32, #tpu.memory_space<vmem_shared>>) target_semaphore(%run_scoped3A : memref<!tpu.dma_semaphore, #tpu.memory_space<semaphore_mem>>)
      %dma_wait3A = arith.constant 0 : i32
      %dma_wait3A_22 = tpu.memref_slice %arg7[%add3A_12, %dma_wait3A] : memref<10248x128xf32, #tpu.memory_space<vmem_shared>> -> memref<128x128xf32, #tpu.memory_space<vmem_shared>>
      tpu.wait_dma2 semaphore(%run_scoped3A : memref<!tpu.dma_semaphore, #tpu.memory_space<semaphore_mem>>) src(%arg5 : memref<128x128xf32, #tpu.memory_space<hbm>>) dst(%dma_wait3A_22 : memref<128x128xf32, #tpu.memory_space<vmem_shared>>)
      tpu.yield
    }) : () -> ()
    %add3A_13 = arith.constant 512 : i32
    %add3A_14 = arith.addi %mul3A_4, %add3A_13 : i32
    "tpu.region"() ({
      %run_scoped3A = tpu.sem_alloc : memref<!tpu.dma_semaphore, #tpu.memory_space<semaphore_mem>>
      %dma_start3A = arith.constant 0 : i32
      %dma_start3A_21 = tpu.memref_slice %arg7[%add3A_14, %dma_start3A] : memref<10248x128xf32, #tpu.memory_space<vmem_shared>> -> memref<128x128xf32, #tpu.memory_space<vmem_shared>>
      tpu.enqueue_dma source(%arg5 : memref<128x128xf32, #tpu.memory_space<hbm>>) target(%dma_start3A_21 : memref<128x128xf32, #tpu.memory_space<vmem_shared>>) target_semaphore(%run_scoped3A : memref<!tpu.dma_semaphore, #tpu.memory_space<semaphore_mem>>)
      %dma_wait3A = arith.constant 0 : i32
      %dma_wait3A_22 = tpu.memref_slice %arg7[%add3A_14, %dma_wait3A] : memref<10248x128xf32, #tpu.memory_space<vmem_shared>> -> memref<128x128xf32, #tpu.memory_space<vmem_shared>>
      tpu.wait_dma2 semaphore(%run_scoped3A : memref<!tpu.dma_semaphore, #tpu.memory_space<semaphore_mem>>) src(%arg5 : memref<128x128xf32, #tpu.memory_space<hbm>>) dst(%dma_wait3A_22 : memref<128x128xf32, #tpu.memory_space<vmem_shared>>)
      tpu.yield
    }) : () -> ()
    %barrier3A = arith.constant 0 : index
    tpu.barrier barrier_id(%barrier3A)
    %scan3A = arith.constant 0 : i32
    %scan3A_15 = arith.constant 0 : i32
    %scan3A_16 = arith.constant 40 : i32
    %scan3A_17 = arith.addi %scan3A_15, %scan3A_16 : i32
    %scan3A_18 = arith.constant 1 : i32
    scf.for %scan3A_21 = %scan3A_15 to %scan3A_17 step %scan3A_18  : i32 {
      %mul3A_22 = arith.constant 128 : i32
      %mul3A_23 = arith.muli %scan3A_21, %mul3A_22 : i32
      %add3A_24 = arith.constant 0 : i32
      %add3A_25 = arith.addi %mul3A_23, %add3A_24 : i32
      %get3A = arith.index_cast %add3A_25 : i32 to index
      %get3A_26 = tpu.vector_load %arg8[%get3A] {strides = array<i32>} : memref<5120xi32, #tpu.memory_space<vmem>>, vector<16xi32>,
      %get3A_27 = vector.shape_cast %get3A_26 : vector<16xi32> to vector<16xi32>
      %swap3A = arith.constant 0 : index
      %swap3A_28 = tpu.vector_load %arg10[%swap3A] {strides = array<i32>} : memref<128xi32, #tpu.memory_space<vmem>>, vector<16xi32>,
      %swap3A_29 = vector.shape_cast %swap3A_28 : vector<16xi32> to vector<16xi32>
      %swap3A_30 = vector.shape_cast %get3A_27 : vector<16xi32> to vector<16xi32>
      tpu.vector_store %arg10[%swap3A], %swap3A_30 {strides = array<i32>} : memref<128xi32, #tpu.memory_space<vmem>>, vector<16xi32>,
      %get3A_31 = arith.index_cast %add3A_25 : i32 to index
      %get3A_32 = tpu.vector_load %arg9[%get3A_31] {strides = array<i32>} : memref<5120xi32, #tpu.memory_space<vmem>>, vector<16xi32>,
      %get3A_33 = vector.shape_cast %get3A_32 : vector<16xi32> to vector<16xi32>
      %swap3A_34 = arith.constant 0 : index
      %swap3A_35 = tpu.vector_load %arg11[%swap3A_34] {strides = array<i32>} : memref<128xi32, #tpu.memory_space<vmem>>, vector<16xi32>,
      %swap3A_36 = vector.shape_cast %swap3A_35 : vector<16xi32> to vector<16xi32>
      %swap3A_37 = vector.shape_cast %get3A_33 : vector<16xi32> to vector<16xi32>
      tpu.vector_store %arg11[%swap3A_34], %swap3A_37 {strides = array<i32>} : memref<128xi32, #tpu.memory_space<vmem>>, vector<16xi32>,
      %mul3A_38 = arith.constant 128 : i32
      %mul3A_39 = arith.muli %scan3A_21, %mul3A_38 : i32
      %add3A_40 = arith.constant 16 : i32
      %add3A_41 = arith.addi %mul3A_39, %add3A_40 : i32
      %get3A_42 = arith.index_cast %add3A_41 : i32 to index
      %get3A_43 = tpu.vector_load %arg8[%get3A_42] {strides = array<i32>} : memref<5120xi32, #tpu.memory_space<vmem>>, vector<16xi32>,
      %get3A_44 = vector.shape_cast %get3A_43 : vector<16xi32> to vector<16xi32>
      %swap3A_45 = arith.constant 16 : index
      %swap3A_46 = tpu.vector_load %arg10[%swap3A_45] {strides = array<i32>} : memref<128xi32, #tpu.memory_space<vmem>>, vector<16xi32>,
      %swap3A_47 = vector.shape_cast %swap3A_46 : vector<16xi32> to vector<16xi32>
      %swap3A_48 = vector.shape_cast %get3A_44 : vector<16xi32> to vector<16xi32>
      tpu.vector_store %arg10[%swap3A_45], %swap3A_48 {strides = array<i32>} : memref<128xi32, #tpu.memory_space<vmem>>, vector<16xi32>,
      %get3A_49 = arith.index_cast %add3A_41 : i32 to index
      %get3A_50 = tpu.vector_load %arg9[%get3A_49] {strides = array<i32>} : memref<5120xi32, #tpu.memory_space<vmem>>, vector<16xi32>,
      %get3A_51 = vector.shape_cast %get3A_50 : vector<16xi32> to vector<16xi32>
      %swap3A_52 = arith.constant 16 : index
      %swap3A_53 = tpu.vector_load %arg11[%swap3A_52] {strides = array<i32>} : memref<128xi32, #tpu.memory_space<vmem>>, vector<16xi32>,
      %swap3A_54 = vector.shape_cast %swap3A_53 : vector<16xi32> to vector<16xi32>
      %swap3A_55 = vector.shape_cast %get3A_51 : vector<16xi32> to vector<16xi32>
      tpu.vector_store %arg11[%swap3A_52], %swap3A_55 {strides = array<i32>} : memref<128xi32, #tpu.memory_space<vmem>>, vector<16xi32>,
      %mul3A_56 = arith.constant 128 : i32
      %mul3A_57 = arith.muli %scan3A_21, %mul3A_56 : i32
      %add3A_58 = arith.constant 32 : i32
      %add3A_59 = arith.addi %mul3A_57, %add3A_58 : i32
      %get3A_60 = arith.index_cast %add3A_59 : i32 to index
      %get3A_61 = tpu.vector_load %arg8[%get3A_60] {strides = array<i32>} : memref<5120xi32, #tpu.memory_space<vmem>>, vector<16xi32>,
      %get3A_62 = vector.shape_cast %get3A_61 : vector<16xi32> to vector<16xi32>
      %swap3A_63 = arith.constant 32 : index
      %swap3A_64 = tpu.vector_load %arg10[%swap3A_63] {strides = array<i32>} : memref<128xi32, #tpu.memory_space<vmem>>, vector<16xi32>,
      %swap3A_65 = vector.shape_cast %swap3A_64 : vector<16xi32> to vector<16xi32>
      %swap3A_66 = vector.shape_cast %get3A_62 : vector<16xi32> to vector<16xi32>
      tpu.vector_store %arg10[%swap3A_63], %swap3A_66 {strides = array<i32>} : memref<128xi32, #tpu.memory_space<vmem>>, vector<16xi32>,
      %get3A_67 = arith.index_cast %add3A_59 : i32 to index
      %get3A_68 = tpu.vector_load %arg9[%get3A_67] {strides = array<i32>} : memref<5120xi32, #tpu.memory_space<vmem>>, vector<16xi32>,
      %get3A_69 = vector.shape_cast %get3A_68 : vector<16xi32> to vector<16xi32>
      %swap3A_70 = arith.constant 32 : index
      %swap3A_71 = tpu.vector_load %arg11[%swap3A_70] {strides = array<i32>} : memref<128xi32, #tpu.memory_space<vmem>>, vector<16xi32>,
      %swap3A_72 = vector.shape_cast %swap3A_71 : vector<16xi32> to vector<16xi32>
      %swap3A_73 = vector.shape_cast %get3A_69 : vector<16xi32> to vector<16xi32>
      tpu.vector_store %arg11[%swap3A_70], %swap3A_73 {strides = array<i32>} : memref<128xi32, #tpu.memory_space<vmem>>, vector<16xi32>,
      %mul3A_74 = arith.constant 128 : i32
      %mul3A_75 = arith.muli %scan3A_21, %mul3A_74 : i32
      %add3A_76 = arith.constant 48 : i32
      %add3A_77 = arith.addi %mul3A_75, %add3A_76 : i32
      %get3A_78 = arith.index_cast %add3A_77 : i32 to index
      %get3A_79 = tpu.vector_load %arg8[%get3A_78] {strides = array<i32>} : memref<5120xi32, #tpu.memory_space<vmem>>, vector<16xi32>,
      %get3A_80 = vector.shape_cast %get3A_79 : vector<16xi32> to vector<16xi32>
      %swap3A_81 = arith.constant 48 : index
      %swap3A_82 = tpu.vector_load %arg10[%swap3A_81] {strides = array<i32>} : memref<128xi32, #tpu.memory_space<vmem>>, vector<16xi32>,
      %swap3A_83 = vector.shape_cast %swap3A_82 : vector<16xi32> to vector<16xi32>
      %swap3A_84 = vector.shape_cast %get3A_80 : vector<16xi32> to vector<16xi32>
      tpu.vector_store %arg10[%swap3A_81], %swap3A_84 {strides = array<i32>} : memref<128xi32, #tpu.memory_space<vmem>>, vector<16xi32>,
      %get3A_85 = arith.index_cast %add3A_77 : i32 to index
      %get3A_86 = tpu.vector_load %arg9[%get3A_85] {strides = array<i32>} : memref<5120xi32, #tpu.memory_space<vmem>>, vector<16xi32>,
      %get3A_87 = vector.shape_cast %get3A_86 : vector<16xi32> to vector<16xi32>
      %swap3A_88 = arith.constant 48 : index
      %swap3A_89 = tpu.vector_load %arg11[%swap3A_88] {strides = array<i32>} : memref<128xi32, #tpu.memory_space<vmem>>, vector<16xi32>,
      %swap3A_90 = vector.shape_cast %swap3A_89 : vector<16xi32> to vector<16xi32>
      %swap3A_91 = vector.shape_cast %get3A_87 : vector<16xi32> to vector<16xi32>
      tpu.vector_store %arg11[%swap3A_88], %swap3A_91 {strides = array<i32>} : memref<128xi32, #tpu.memory_space<vmem>>, vector<16xi32>,
      %mul3A_92 = arith.constant 128 : i32
      %mul3A_93 = arith.muli %scan3A_21, %mul3A_92 : i32
      %add3A_94 = arith.constant 64 : i32
      %add3A_95 = arith.addi %mul3A_93, %add3A_94 : i32
      %get3A_96 = arith.index_cast %add3A_95 : i32 to index
      %get3A_97 = tpu.vector_load %arg8[%get3A_96] {strides = array<i32>} : memref<5120xi32, #tpu.memory_space<vmem>>, vector<16xi32>,
      %get3A_98 = vector.shape_cast %get3A_97 : vector<16xi32> to vector<16xi32>
      %swap3A_99 = arith.constant 64 : index
      %swap3A_100 = tpu.vector_load %arg10[%swap3A_99] {strides = array<i32>} : memref<128xi32, #tpu.memory_space<vmem>>, vector<16xi32>,
      %swap3A_101 = vector.shape_cast %swap3A_100 : vector<16xi32> to vector<16xi32>
      %swap3A_102 = vector.shape_cast %get3A_98 : vector<16xi32> to vector<16xi32>
      tpu.vector_store %arg10[%swap3A_99], %swap3A_102 {strides = array<i32>} : memref<128xi32, #tpu.memory_space<vmem>>, vector<16xi32>,
      %get3A_103 = arith.index_cast %add3A_95 : i32 to index
      %get3A_104 = tpu.vector_load %arg9[%get3A_103] {strides = array<i32>} : memref<5120xi32, #tpu.memory_space<vmem>>, vector<16xi32>,
      %get3A_105 = vector.shape_cast %get3A_104 : vector<16xi32> to vector<16xi32>
      %swap3A_106 = arith.constant 64 : index
      %swap3A_107 = tpu.vector_load %arg11[%swap3A_106] {strides = array<i32>} : memref<128xi32, #tpu.memory_space<vmem>>, vector<16xi32>,
      %swap3A_108 = vector.shape_cast %swap3A_107 : vector<16xi32> to vector<16xi32>
      %swap3A_109 = vector.shape_cast %get3A_105 : vector<16xi32> to vector<16xi32>
      tpu.vector_store %arg11[%swap3A_106], %swap3A_109 {strides = array<i32>} : memref<128xi32, #tpu.memory_space<vmem>>, vector<16xi32>,
      %mul3A_110 = arith.constant 128 : i32
      %mul3A_111 = arith.muli %scan3A_21, %mul3A_110 : i32
      %add3A_112 = arith.constant 80 : i32
      %add3A_113 = arith.addi %mul3A_111, %add3A_112 : i32
      %get3A_114 = arith.index_cast %add3A_113 : i32 to index
      %get3A_115 = tpu.vector_load %arg8[%get3A_114] {strides = array<i32>} : memref<5120xi32, #tpu.memory_space<vmem>>, vector<16xi32>,
      %get3A_116 = vector.shape_cast %get3A_115 : vector<16xi32> to vector<16xi32>
      %swap3A_117 = arith.constant 80 : index
      %swap3A_118 = tpu.vector_load %arg10[%swap3A_117] {strides = array<i32>} : memref<128xi32, #tpu.memory_space<vmem>>, vector<16xi32>,
      %swap3A_119 = vector.shape_cast %swap3A_118 : vector<16xi32> to vector<16xi32>
      %swap3A_120 = vector.shape_cast %get3A_116 : vector<16xi32> to vector<16xi32>
      tpu.vector_store %arg10[%swap3A_117], %swap3A_120 {strides = array<i32>} : memref<128xi32, #tpu.memory_space<vmem>>, vector<16xi32>,
      %get3A_121 = arith.index_cast %add3A_113 : i32 to index
      %get3A_122 = tpu.vector_load %arg9[%get3A_121] {strides = array<i32>} : memref<5120xi32, #tpu.memory_space<vmem>>, vector<16xi32>,
      %get3A_123 = vector.shape_cast %get3A_122 : vector<16xi32> to vector<16xi32>
      %swap3A_124 = arith.constant 80 : index
      %swap3A_125 = tpu.vector_load %arg11[%swap3A_124] {strides = array<i32>} : memref<128xi32, #tpu.memory_space<vmem>>, vector<16xi32>,
      %swap3A_126 = vector.shape_cast %swap3A_125 : vector<16xi32> to vector<16xi32>
      %swap3A_127 = vector.shape_cast %get3A_123 : vector<16xi32> to vector<16xi32>
      tpu.vector_store %arg11[%swap3A_124], %swap3A_127 {strides = array<i32>} : memref<128xi32, #tpu.memory_space<vmem>>, vector<16xi32>,
      %mul3A_128 = arith.constant 128 : i32
      %mul3A_129 = arith.muli %scan3A_21, %mul3A_128 : i32
      %add3A_130 = arith.constant 96 : i32
      %add3A_131 = arith.addi %mul3A_129, %add3A_130 : i32
      %get3A_132 = arith.index_cast %add3A_131 : i32 to index
      %get3A_133 = tpu.vector_load %arg8[%get3A_132] {strides = array<i32>} : memref<5120xi32, #tpu.memory_space<vmem>>, vector<16xi32>,
      %get3A_134 = vector.shape_cast %get3A_133 : vector<16xi32> to vector<16xi32>
      %swap3A_135 = arith.constant 96 : index
      %swap3A_136 = tpu.vector_load %arg10[%swap3A_135] {strides = array<i32>} : memref<128xi32, #tpu.memory_space<vmem>>, vector<16xi32>,
      %swap3A_137 = vector.shape_cast %swap3A_136 : vector<16xi32> to vector<16xi32>
      %swap3A_138 = vector.shape_cast %get3A_134 : vector<16xi32> to vector<16xi32>
      tpu.vector_store %arg10[%swap3A_135], %swap3A_138 {strides = array<i32>} : memref<128xi32, #tpu.memory_space<vmem>>, vector<16xi32>,
      %get3A_139 = arith.index_cast %add3A_131 : i32 to index
      %get3A_140 = tpu.vector_load %arg9[%get3A_139] {strides = array<i32>} : memref<5120xi32, #tpu.memory_space<vmem>>, vector<16xi32>,
      %get3A_141 = vector.shape_cast %get3A_140 : vector<16xi32> to vector<16xi32>
      %swap3A_142 = arith.constant 96 : index
      %swap3A_143 = tpu.vector_load %arg11[%swap3A_142] {strides = array<i32>} : memref<128xi32, #tpu.memory_space<vmem>>, vector<16xi32>,
      %swap3A_144 = vector.shape_cast %swap3A_143 : vector<16xi32> to vector<16xi32>
      %swap3A_145 = vector.shape_cast %get3A_141 : vector<16xi32> to vector<16xi32>
      tpu.vector_store %arg11[%swap3A_142], %swap3A_145 {strides = array<i32>} : memref<128xi32, #tpu.memory_space<vmem>>, vector<16xi32>,
      %mul3A_146 = arith.constant 128 : i32
      %mul3A_147 = arith.muli %scan3A_21, %mul3A_146 : i32
      %add3A_148 = arith.constant 112 : i32
      %add3A_149 = arith.addi %mul3A_147, %add3A_148 : i32
      %get3A_150 = arith.index_cast %add3A_149 : i32 to index
      %get3A_151 = tpu.vector_load %arg8[%get3A_150] {strides = array<i32>} : memref<5120xi32, #tpu.memory_space<vmem>>, vector<16xi32>,
      %get3A_152 = vector.shape_cast %get3A_151 : vector<16xi32> to vector<16xi32>
      %swap3A_153 = arith.constant 112 : index
      %swap3A_154 = tpu.vector_load %arg10[%swap3A_153] {strides = array<i32>} : memref<128xi32, #tpu.memory_space<vmem>>, vector<16xi32>,
      %swap3A_155 = vector.shape_cast %swap3A_154 : vector<16xi32> to vector<16xi32>
      %swap3A_156 = vector.shape_cast %get3A_152 : vector<16xi32> to vector<16xi32>
      tpu.vector_store %arg10[%swap3A_153], %swap3A_156 {strides = array<i32>} : memref<128xi32, #tpu.memory_space<vmem>>, vector<16xi32>,
      %get3A_157 = arith.index_cast %add3A_149 : i32 to index
      %get3A_158 = tpu.vector_load %arg9[%get3A_157] {strides = array<i32>} : memref<5120xi32, #tpu.memory_space<vmem>>, vector<16xi32>,
      %get3A_159 = vector.shape_cast %get3A_158 : vector<16xi32> to vector<16xi32>
      %swap3A_160 = arith.constant 112 : index
      %swap3A_161 = tpu.vector_load %arg11[%swap3A_160] {strides = array<i32>} : memref<128xi32, #tpu.memory_space<vmem>>, vector<16xi32>,
      %swap3A_162 = vector.shape_cast %swap3A_161 : vector<16xi32> to vector<16xi32>
      %swap3A_163 = vector.shape_cast %get3A_159 : vector<16xi32> to vector<16xi32>
      tpu.vector_store %arg11[%swap3A_160], %swap3A_163 {strides = array<i32>} : memref<128xi32, #tpu.memory_space<vmem>>, vector<16xi32>,
      %dma_start3A = arith.constant 0 : i32
      %dma_start3A_164 = arith.constant 0 : i32
      %dma_start3A_165 = tpu.memref_slice %arg2[%dma_start3A, %dma_start3A_164] : memref<16x128xf32, #tpu.memory_space<hbm>> -> memref<16x128xf32, #tpu.memory_space<hbm>>
      tpu.enqueue_indirect_dma source(%dma_start3A_165 : memref<16x128xf32, #tpu.memory_space<hbm>>) target(%arg12 : memref<128x128xf32, #tpu.memory_space<vmem>>) offsets(%arg10 : memref<128xi32, #tpu.memory_space<vmem>>) semaphore(%arg13 : memref<!tpu.dma_semaphore, #tpu.memory_space<semaphore_mem>>)
      %dma_wait3A = arith.constant 0 : i32
      %dma_wait3A_166 = arith.constant 0 : i32
      %dma_wait3A_167 = tpu.memref_slice %arg2[%dma_wait3A, %dma_wait3A_166] : memref<16x128xf32, #tpu.memory_space<hbm>> -> memref<16x128xf32, #tpu.memory_space<hbm>>
      tpu.wait_indirect_dma semaphore(%arg13 : memref<!tpu.dma_semaphore, #tpu.memory_space<semaphore_mem>>) src(%dma_wait3A_167 : memref<16x128xf32, #tpu.memory_space<hbm>>) dst(%arg12 : memref<128x128xf32, #tpu.memory_space<vmem>>)
      "tpu.region"() ({
        %run_scoped3A = tpu.sem_alloc : memref<!tpu.dma_semaphore, #tpu.memory_space<semaphore_mem>>
        %dma_start3A_168 = arith.constant 0 : i32
        %dma_start3A_169 = arith.constant 0 : i32
        %dma_start3A_170 = tpu.memref_slice %arg7[%dma_start3A_168, %dma_start3A_169] : memref<10248x128xf32, #tpu.memory_space<vmem_shared>> -> memref<10248x128xf32, #tpu.memory_space<vmem_shared>>
        tpu.enqueue_indirect_dma source(%arg12 : memref<128x128xf32, #tpu.memory_space<vmem>>) target(%dma_start3A_170 : memref<10248x128xf32, #tpu.memory_space<vmem_shared>>) offsets(%arg11 : memref<128xi32, #tpu.memory_space<vmem>>) semaphore(%run_scoped3A : memref<!tpu.dma_semaphore, #tpu.memory_space<semaphore_mem>>) {add = true}
        %dma_wait3A_171 = arith.constant 0 : i32
        %dma_wait3A_172 = arith.constant 0 : i32
        %dma_wait3A_173 = tpu.memref_slice %arg7[%dma_wait3A_171, %dma_wait3A_172] : memref<10248x128xf32, #tpu.memory_space<vmem_shared>> -> memref<10248x128xf32, #tpu.memory_space<vmem_shared>>
        tpu.wait_indirect_dma semaphore(%run_scoped3A : memref<!tpu.dma_semaphore, #tpu.memory_space<semaphore_mem>>) src(%arg12 : memref<128x128xf32, #tpu.memory_space<vmem>>) dst(%dma_wait3A_173 : memref<10248x128xf32, #tpu.memory_space<vmem_shared>>)
        tpu.yield
      }) : () -> ()
    }
    %scan3A_19 = arith.constant 40 : i32
    %barrier3A_20 = arith.constant 0 : index
    tpu.barrier barrier_id(%barrier3A_20)
    "tpu.region"() ({
      %run_scoped3A = tpu.sem_alloc : memref<!tpu.dma_semaphore, #tpu.memory_space<semaphore_mem>>
      %dma_start3A = arith.constant 0 : i32
      %dma_start3A_21 = tpu.memref_slice %arg6[%arg0, %mul3A_4, %dma_start3A] : memref<2x10240x128xf32, #tpu.memory_space<hbm>> -> memref<1x640x128xf32, #tpu.memory_space<hbm>>
      %dma_start3A_22 = tpu.memref_squeeze %dma_start3A_21 : memref<1x640x128xf32, #tpu.memory_space<hbm>> -> memref<640x128xf32, #tpu.memory_space<hbm>>
      %dma_start3A_23 = arith.constant 0 : i32
      %dma_start3A_24 = tpu.memref_slice %arg7[%mul3A_4, %dma_start3A_23] : memref<10248x128xf32, #tpu.memory_space<vmem_shared>> -> memref<640x128xf32, #tpu.memory_space<vmem_shared>>
      tpu.enqueue_dma source(%dma_start3A_24 : memref<640x128xf32, #tpu.memory_space<vmem_shared>>) target(%dma_start3A_22 : memref<640x128xf32, #tpu.memory_space<hbm>>) target_semaphore(%run_scoped3A : memref<!tpu.dma_semaphore, #tpu.memory_space<semaphore_mem>>)
      %dma_wait3A = arith.constant 0 : i32
      %dma_wait3A_25 = tpu.memref_slice %arg6[%arg0, %mul3A_4, %dma_wait3A] : memref<2x10240x128xf32, #tpu.memory_space<hbm>> -> memref<1x640x128xf32, #tpu.memory_space<hbm>>
      %dma_wait3A_26 = tpu.memref_squeeze %dma_wait3A_25 : memref<1x640x128xf32, #tpu.memory_space<hbm>> -> memref<640x128xf32, #tpu.memory_space<hbm>>
      %dma_wait3A_27 = arith.constant 0 : i32
      %dma_wait3A_28 = tpu.memref_slice %arg7[%mul3A_4, %dma_wait3A_27] : memref<10248x128xf32, #tpu.memory_space<vmem_shared>> -> memref<640x128xf32, #tpu.memory_space<vmem_shared>>
      tpu.wait_dma2 semaphore(%run_scoped3A : memref<!tpu.dma_semaphore, #tpu.memory_space<semaphore_mem>>) src(%dma_wait3A_28 : memref<640x128xf32, #tpu.memory_space<vmem_shared>>) dst(%dma_wait3A_26 : memref<640x128xf32, #tpu.memory_space<hbm>>)
      tpu.yield
    }) : () -> ()
    return
  }
}

#map = affine_map<(d0, d1) -> (0, 0)>
#map1 = affine_map<(d0, d1) -> (0)>
module attributes {stable_mosaic.version = 14 : i64} {
  func.func @_pair_body(%arg0: i32, %arg1: i32, %arg2: memref<10240x128xf32, #tpu.memory_space<hbm>>, %arg3: memref<163840xi32, #tpu.memory_space<hbm>>, %arg4: memref<163840xi32, #tpu.memory_space<hbm>>, %arg5: memref<163840x128xf32, #tpu.memory_space<hbm>>, %arg6: memref<163840x128xf32, #tpu.memory_space<hbm>>, %arg7: memref<5120xi32, #tpu.memory_space<vmem>>, %arg8: memref<128x128xf32, #tpu.memory_space<vmem>>, %arg9: memref<!tpu.dma_semaphore, #tpu.memory_space<semaphore_mem>>) attributes {dimension_semantics = [#tpu.dimension_semantics<core_parallel>, #tpu.dimension_semantics<subcore_parallel>], iteration_bounds = array<i64: 2, 16>, scalar_prefetch = 0 : i64, scratch_operands = 3 : i64, tpu.core_type = #tpu.core_type<sc_vector_subcore>, window_params = [{transform_indices = #map}, {transform_indices = #map1}, {transform_indices = #map1}, {transform_indices = #map}, {transform_indices = #map}]} {
    %mul3A = arith.constant 2 : i32
    %mul3A_0 = arith.muli %arg1, %mul3A : i32
    %add3A = arith.addi %mul3A_0, %arg0 : i32
    %mul3A_1 = arith.constant 5120 : i32
    %mul3A_2 = arith.muli %add3A, %mul3A_1 : i32
    "tpu.region"() ({
      %run_scoped3A = tpu.sem_alloc : memref<!tpu.dma_semaphore, #tpu.memory_space<semaphore_mem>>
      %dma_start3A = arith.constant 0 : i32
      %dma_start3A_14 = tpu.memref_slice %arg7[%dma_start3A] : memref<5120xi32, #tpu.memory_space<vmem>> -> memref<5120xi32, #tpu.memory_space<vmem>>
      %dma_start3A_15 = tpu.memref_slice %arg3[%mul3A_2] : memref<163840xi32, #tpu.memory_space<hbm>> -> memref<5120xi32, #tpu.memory_space<hbm>>
      %dma_start3A_16 = arith.constant 0 : i32
      %dma_start3A_17 = tpu.memref_slice %arg7[%dma_start3A_16] : memref<5120xi32, #tpu.memory_space<vmem>> -> memref<5120xi32, #tpu.memory_space<vmem>>
      %dma_start3A_18 = tpu.memref_slice %arg3[%mul3A_2] : memref<163840xi32, #tpu.memory_space<hbm>> -> memref<5120xi32, #tpu.memory_space<hbm>>
      tpu.enqueue_dma source(%dma_start3A_18 : memref<5120xi32, #tpu.memory_space<hbm>>) target(%dma_start3A_17 : memref<5120xi32, #tpu.memory_space<vmem>>) target_semaphore(%run_scoped3A : memref<!tpu.dma_semaphore, #tpu.memory_space<semaphore_mem>>)
      %dma_wait3A = arith.constant 0 : i32
      %dma_wait3A_19 = tpu.memref_slice %arg7[%dma_wait3A] : memref<5120xi32, #tpu.memory_space<vmem>> -> memref<5120xi32, #tpu.memory_space<vmem>>
      %dma_wait3A_20 = tpu.memref_slice %arg3[%mul3A_2] : memref<163840xi32, #tpu.memory_space<hbm>> -> memref<5120xi32, #tpu.memory_space<hbm>>
      %dma_wait3A_21 = arith.constant 0 : i32
      %dma_wait3A_22 = tpu.memref_slice %arg7[%dma_wait3A_21] : memref<5120xi32, #tpu.memory_space<vmem>> -> memref<5120xi32, #tpu.memory_space<vmem>>
      %dma_wait3A_23 = tpu.memref_slice %arg3[%mul3A_2] : memref<163840xi32, #tpu.memory_space<hbm>> -> memref<5120xi32, #tpu.memory_space<hbm>>
      tpu.wait_dma2 semaphore(%run_scoped3A : memref<!tpu.dma_semaphore, #tpu.memory_space<semaphore_mem>>) src(%dma_wait3A_23 : memref<5120xi32, #tpu.memory_space<hbm>>) dst(%dma_wait3A_22 : memref<5120xi32, #tpu.memory_space<vmem>>)
      tpu.yield
    }) : () -> ()
    %scan3A = arith.constant 0 : i32
    %scan3A_3 = arith.constant 0 : i32
    %scan3A_4 = arith.constant 40 : i32
    %scan3A_5 = arith.addi %scan3A_3, %scan3A_4 : i32
    %scan3A_6 = arith.constant 1 : i32
    scf.for %scan3A_14 = %scan3A_3 to %scan3A_5 step %scan3A_6  : i32 {
      %mul3A_15 = arith.constant 128 : i32
      %mul3A_16 = arith.muli %scan3A_14, %mul3A_15 : i32
      %dma_start3A = tpu.memref_slice %arg7[%mul3A_16] : memref<5120xi32, #tpu.memory_space<vmem>> -> memref<128xi32, #tpu.memory_space<vmem>>
      %dma_start3A_17 = arith.constant 0 : i32
      %dma_start3A_18 = arith.constant 0 : i32
      %dma_start3A_19 = tpu.memref_slice %arg2[%dma_start3A_17, %dma_start3A_18] : memref<10240x128xf32, #tpu.memory_space<hbm>> -> memref<10240x128xf32, #tpu.memory_space<hbm>>
      tpu.enqueue_indirect_dma source(%dma_start3A_19 : memref<10240x128xf32, #tpu.memory_space<hbm>>) target(%arg8 : memref<128x128xf32, #tpu.memory_space<vmem>>) offsets(%dma_start3A : memref<128xi32, #tpu.memory_space<vmem>>) semaphore(%arg9 : memref<!tpu.dma_semaphore, #tpu.memory_space<semaphore_mem>>)
      %dma_wait3A = tpu.memref_slice %arg7[%mul3A_16] : memref<5120xi32, #tpu.memory_space<vmem>> -> memref<128xi32, #tpu.memory_space<vmem>>
      %dma_wait3A_20 = arith.constant 0 : i32
      %dma_wait3A_21 = arith.constant 0 : i32
      %dma_wait3A_22 = tpu.memref_slice %arg2[%dma_wait3A_20, %dma_wait3A_21] : memref<10240x128xf32, #tpu.memory_space<hbm>> -> memref<10240x128xf32, #tpu.memory_space<hbm>>
      tpu.wait_indirect_dma semaphore(%arg9 : memref<!tpu.dma_semaphore, #tpu.memory_space<semaphore_mem>>) src(%dma_wait3A_22 : memref<10240x128xf32, #tpu.memory_space<hbm>>) dst(%arg8 : memref<128x128xf32, #tpu.memory_space<vmem>>)
      %mul3A_23 = arith.constant 128 : i32
      %mul3A_24 = arith.muli %scan3A_14, %mul3A_23 : i32
      %add3A_25 = arith.addi %mul3A_2, %mul3A_24 : i32
      "tpu.region"() ({
        %run_scoped3A = tpu.sem_alloc : memref<!tpu.dma_semaphore, #tpu.memory_space<semaphore_mem>>
        %dma_start3A_26 = arith.constant 0 : i32
        %dma_start3A_27 = tpu.memref_slice %arg5[%add3A_25, %dma_start3A_26] : memref<163840x128xf32, #tpu.memory_space<hbm>> -> memref<128x128xf32, #tpu.memory_space<hbm>>
        %dma_start3A_28 = arith.constant 0 : i32
        %dma_start3A_29 = tpu.memref_slice %arg5[%add3A_25, %dma_start3A_28] : memref<163840x128xf32, #tpu.memory_space<hbm>> -> memref<128x128xf32, #tpu.memory_space<hbm>>
        tpu.enqueue_dma source(%arg8 : memref<128x128xf32, #tpu.memory_space<vmem>>) target(%dma_start3A_29 : memref<128x128xf32, #tpu.memory_space<hbm>>) target_semaphore(%run_scoped3A : memref<!tpu.dma_semaphore, #tpu.memory_space<semaphore_mem>>)
        %dma_wait3A_30 = arith.constant 0 : i32
        %dma_wait3A_31 = tpu.memref_slice %arg5[%add3A_25, %dma_wait3A_30] : memref<163840x128xf32, #tpu.memory_space<hbm>> -> memref<128x128xf32, #tpu.memory_space<hbm>>
        %dma_wait3A_32 = arith.constant 0 : i32
        %dma_wait3A_33 = tpu.memref_slice %arg5[%add3A_25, %dma_wait3A_32] : memref<163840x128xf32, #tpu.memory_space<hbm>> -> memref<128x128xf32, #tpu.memory_space<hbm>>
        tpu.wait_dma2 semaphore(%run_scoped3A : memref<!tpu.dma_semaphore, #tpu.memory_space<semaphore_mem>>) src(%arg8 : memref<128x128xf32, #tpu.memory_space<vmem>>) dst(%dma_wait3A_33 : memref<128x128xf32, #tpu.memory_space<hbm>>)
        tpu.yield
      }) : () -> ()
    }
    %scan3A_7 = arith.constant 40 : i32
    "tpu.region"() ({
      %run_scoped3A = tpu.sem_alloc : memref<!tpu.dma_semaphore, #tpu.memory_space<semaphore_mem>>
      %dma_start3A = arith.constant 0 : i32
      %dma_start3A_14 = tpu.memref_slice %arg7[%dma_start3A] : memref<5120xi32, #tpu.memory_space<vmem>> -> memref<5120xi32, #tpu.memory_space<vmem>>
      %dma_start3A_15 = tpu.memref_slice %arg4[%mul3A_2] : memref<163840xi32, #tpu.memory_space<hbm>> -> memref<5120xi32, #tpu.memory_space<hbm>>
      %dma_start3A_16 = arith.constant 0 : i32
      %dma_start3A_17 = tpu.memref_slice %arg7[%dma_start3A_16] : memref<5120xi32, #tpu.memory_space<vmem>> -> memref<5120xi32, #tpu.memory_space<vmem>>
      %dma_start3A_18 = tpu.memref_slice %arg4[%mul3A_2] : memref<163840xi32, #tpu.memory_space<hbm>> -> memref<5120xi32, #tpu.memory_space<hbm>>
      tpu.enqueue_dma source(%dma_start3A_18 : memref<5120xi32, #tpu.memory_space<hbm>>) target(%dma_start3A_17 : memref<5120xi32, #tpu.memory_space<vmem>>) target_semaphore(%run_scoped3A : memref<!tpu.dma_semaphore, #tpu.memory_space<semaphore_mem>>)
      %dma_wait3A = arith.constant 0 : i32
      %dma_wait3A_19 = tpu.memref_slice %arg7[%dma_wait3A] : memref<5120xi32, #tpu.memory_space<vmem>> -> memref<5120xi32, #tpu.memory_space<vmem>>
      %dma_wait3A_20 = tpu.memref_slice %arg4[%mul3A_2] : memref<163840xi32, #tpu.memory_space<hbm>> -> memref<5120xi32, #tpu.memory_space<hbm>>
      %dma_wait3A_21 = arith.constant 0 : i32
      %dma_wait3A_22 = tpu.memref_slice %arg7[%dma_wait3A_21] : memref<5120xi32, #tpu.memory_space<vmem>> -> memref<5120xi32, #tpu.memory_space<vmem>>
      %dma_wait3A_23 = tpu.memref_slice %arg4[%mul3A_2] : memref<163840xi32, #tpu.memory_space<hbm>> -> memref<5120xi32, #tpu.memory_space<hbm>>
      tpu.wait_dma2 semaphore(%run_scoped3A : memref<!tpu.dma_semaphore, #tpu.memory_space<semaphore_mem>>) src(%dma_wait3A_23 : memref<5120xi32, #tpu.memory_space<hbm>>) dst(%dma_wait3A_22 : memref<5120xi32, #tpu.memory_space<vmem>>)
      tpu.yield
    }) : () -> ()
    %scan3A_8 = arith.constant 0 : i32
    %scan3A_9 = arith.constant 0 : i32
    %scan3A_10 = arith.constant 40 : i32
    %scan3A_11 = arith.addi %scan3A_9, %scan3A_10 : i32
    %scan3A_12 = arith.constant 1 : i32
    scf.for %scan3A_14 = %scan3A_9 to %scan3A_11 step %scan3A_12  : i32 {
      %mul3A_15 = arith.constant 128 : i32
      %mul3A_16 = arith.muli %scan3A_14, %mul3A_15 : i32
      %dma_start3A = tpu.memref_slice %arg7[%mul3A_16] : memref<5120xi32, #tpu.memory_space<vmem>> -> memref<128xi32, #tpu.memory_space<vmem>>
      %dma_start3A_17 = arith.constant 0 : i32
      %dma_start3A_18 = arith.constant 0 : i32
      %dma_start3A_19 = tpu.memref_slice %arg2[%dma_start3A_17, %dma_start3A_18] : memref<10240x128xf32, #tpu.memory_space<hbm>> -> memref<10240x128xf32, #tpu.memory_space<hbm>>
      tpu.enqueue_indirect_dma source(%dma_start3A_19 : memref<10240x128xf32, #tpu.memory_space<hbm>>) target(%arg8 : memref<128x128xf32, #tpu.memory_space<vmem>>) offsets(%dma_start3A : memref<128xi32, #tpu.memory_space<vmem>>) semaphore(%arg9 : memref<!tpu.dma_semaphore, #tpu.memory_space<semaphore_mem>>)
      %dma_wait3A = tpu.memref_slice %arg7[%mul3A_16] : memref<5120xi32, #tpu.memory_space<vmem>> -> memref<128xi32, #tpu.memory_space<vmem>>
      %dma_wait3A_20 = arith.constant 0 : i32
      %dma_wait3A_21 = arith.constant 0 : i32
      %dma_wait3A_22 = tpu.memref_slice %arg2[%dma_wait3A_20, %dma_wait3A_21] : memref<10240x128xf32, #tpu.memory_space<hbm>> -> memref<10240x128xf32, #tpu.memory_space<hbm>>
      tpu.wait_indirect_dma semaphore(%arg9 : memref<!tpu.dma_semaphore, #tpu.memory_space<semaphore_mem>>) src(%dma_wait3A_22 : memref<10240x128xf32, #tpu.memory_space<hbm>>) dst(%arg8 : memref<128x128xf32, #tpu.memory_space<vmem>>)
      %mul3A_23 = arith.constant 128 : i32
      %mul3A_24 = arith.muli %scan3A_14, %mul3A_23 : i32
      %add3A_25 = arith.addi %mul3A_2, %mul3A_24 : i32
      "tpu.region"() ({
        %run_scoped3A = tpu.sem_alloc : memref<!tpu.dma_semaphore, #tpu.memory_space<semaphore_mem>>
        %dma_start3A_26 = arith.constant 0 : i32
        %dma_start3A_27 = tpu.memref_slice %arg6[%add3A_25, %dma_start3A_26] : memref<163840x128xf32, #tpu.memory_space<hbm>> -> memref<128x128xf32, #tpu.memory_space<hbm>>
        %dma_start3A_28 = arith.constant 0 : i32
        %dma_start3A_29 = tpu.memref_slice %arg6[%add3A_25, %dma_start3A_28] : memref<163840x128xf32, #tpu.memory_space<hbm>> -> memref<128x128xf32, #tpu.memory_space<hbm>>
        tpu.enqueue_dma source(%arg8 : memref<128x128xf32, #tpu.memory_space<vmem>>) target(%dma_start3A_29 : memref<128x128xf32, #tpu.memory_space<hbm>>) target_semaphore(%run_scoped3A : memref<!tpu.dma_semaphore, #tpu.memory_space<semaphore_mem>>)
        %dma_wait3A_30 = arith.constant 0 : i32
        %dma_wait3A_31 = tpu.memref_slice %arg6[%add3A_25, %dma_wait3A_30] : memref<163840x128xf32, #tpu.memory_space<hbm>> -> memref<128x128xf32, #tpu.memory_space<hbm>>
        %dma_wait3A_32 = arith.constant 0 : i32
        %dma_wait3A_33 = tpu.memref_slice %arg6[%add3A_25, %dma_wait3A_32] : memref<163840x128xf32, #tpu.memory_space<hbm>> -> memref<128x128xf32, #tpu.memory_space<hbm>>
        tpu.wait_dma2 semaphore(%run_scoped3A : memref<!tpu.dma_semaphore, #tpu.memory_space<semaphore_mem>>) src(%arg8 : memref<128x128xf32, #tpu.memory_space<vmem>>) dst(%dma_wait3A_33 : memref<128x128xf32, #tpu.memory_space<hbm>>)
        tpu.yield
      }) : () -> ()
    }
    %scan3A_13 = arith.constant 40 : i32
    return
  }
}

#map = affine_map<(d0, d1) -> (0, 0)>
#map1 = affine_map<(d0, d1) -> (0)>
#map2 = affine_map<(d0, d1) -> (0, 0, 0)>
module attributes {stable_mosaic.version = 14 : i64} {
  func.func @_agg_body(%arg0: i32, %arg1: i32, %arg2: memref<10240x128xf32, #tpu.memory_space<hbm>>, %arg3: memref<163840xi32, #tpu.memory_space<hbm>>, %arg4: memref<163840xi32, #tpu.memory_space<hbm>>, %arg5: memref<128x128xf32, #tpu.memory_space<hbm>>, %arg6: memref<16x10240x128xf32, #tpu.memory_space<hbm>>, %arg7: memref<10248x128xf32, #tpu.memory_space<vmem_shared>>, %arg8: memref<5120xi32, #tpu.memory_space<vmem>>, %arg9: memref<5120xi32, #tpu.memory_space<vmem>>, %arg10: memref<128xi32, #tpu.memory_space<vmem>>, %arg11: memref<128xi32, #tpu.memory_space<vmem>>, %arg12: memref<128x128xf32, #tpu.memory_space<vmem>>, %arg13: memref<!tpu.dma_semaphore, #tpu.memory_space<semaphore_mem>>) attributes {dimension_semantics = [#tpu.dimension_semantics<core_parallel>, #tpu.dimension_semantics<subcore_parallel>], iteration_bounds = array<i64: 2, 16>, scalar_prefetch = 0 : i64, scratch_operands = 7 : i64, tpu.core_type = #tpu.core_type<sc_vector_subcore>, window_params = [{transform_indices = #map}, {transform_indices = #map1}, {transform_indices = #map1}, {transform_indices = #map}, {transform_indices = #map2}]} {
    %mul3A = arith.constant 2 : i32
    %mul3A_0 = arith.muli %arg1, %mul3A : i32
    %add3A = arith.addi %mul3A_0, %arg0 : i32
    %mul3A_1 = arith.constant 5120 : i32
    %mul3A_2 = arith.muli %add3A, %mul3A_1 : i32
    "tpu.region"() ({
      %run_scoped3A = tpu.sem_alloc : memref<!tpu.dma_semaphore, #tpu.memory_space<semaphore_mem>>
      %dma_start3A = tpu.memref_slice %arg3[%mul3A_2] : memref<163840xi32, #tpu.memory_space<hbm>> -> memref<5120xi32, #tpu.memory_space<hbm>>
      %dma_start3A_20 = tpu.memref_slice %arg3[%mul3A_2] : memref<163840xi32, #tpu.memory_space<hbm>> -> memref<5120xi32, #tpu.memory_space<hbm>>
      tpu.enqueue_dma source(%dma_start3A_20 : memref<5120xi32, #tpu.memory_space<hbm>>) target(%arg8 : memref<5120xi32, #tpu.memory_space<vmem>>) target_semaphore(%run_scoped3A : memref<!tpu.dma_semaphore, #tpu.memory_space<semaphore_mem>>)
      %dma_wait3A = tpu.memref_slice %arg3[%mul3A_2] : memref<163840xi32, #tpu.memory_space<hbm>> -> memref<5120xi32, #tpu.memory_space<hbm>>
      %dma_wait3A_21 = tpu.memref_slice %arg3[%mul3A_2] : memref<163840xi32, #tpu.memory_space<hbm>> -> memref<5120xi32, #tpu.memory_space<hbm>>
      tpu.wait_dma2 semaphore(%run_scoped3A : memref<!tpu.dma_semaphore, #tpu.memory_space<semaphore_mem>>) src(%dma_wait3A_21 : memref<5120xi32, #tpu.memory_space<hbm>>) dst(%arg8 : memref<5120xi32, #tpu.memory_space<vmem>>)
      tpu.yield
    }) : () -> ()
    "tpu.region"() ({
      %run_scoped3A = tpu.sem_alloc : memref<!tpu.dma_semaphore, #tpu.memory_space<semaphore_mem>>
      %dma_start3A = tpu.memref_slice %arg4[%mul3A_2] : memref<163840xi32, #tpu.memory_space<hbm>> -> memref<5120xi32, #tpu.memory_space<hbm>>
      %dma_start3A_20 = tpu.memref_slice %arg4[%mul3A_2] : memref<163840xi32, #tpu.memory_space<hbm>> -> memref<5120xi32, #tpu.memory_space<hbm>>
      tpu.enqueue_dma source(%dma_start3A_20 : memref<5120xi32, #tpu.memory_space<hbm>>) target(%arg9 : memref<5120xi32, #tpu.memory_space<vmem>>) target_semaphore(%run_scoped3A : memref<!tpu.dma_semaphore, #tpu.memory_space<semaphore_mem>>)
      %dma_wait3A = tpu.memref_slice %arg4[%mul3A_2] : memref<163840xi32, #tpu.memory_space<hbm>> -> memref<5120xi32, #tpu.memory_space<hbm>>
      %dma_wait3A_21 = tpu.memref_slice %arg4[%mul3A_2] : memref<163840xi32, #tpu.memory_space<hbm>> -> memref<5120xi32, #tpu.memory_space<hbm>>
      tpu.wait_dma2 semaphore(%run_scoped3A : memref<!tpu.dma_semaphore, #tpu.memory_space<semaphore_mem>>) src(%dma_wait3A_21 : memref<5120xi32, #tpu.memory_space<hbm>>) dst(%arg9 : memref<5120xi32, #tpu.memory_space<vmem>>)
      tpu.yield
    }) : () -> ()
    %mul3A_3 = arith.constant 640 : i32
    %mul3A_4 = arith.muli %arg1, %mul3A_3 : i32
    %add3A_5 = arith.constant 0 : i32
    %add3A_6 = arith.addi %mul3A_4, %add3A_5 : i32
    "tpu.region"() ({
      %run_scoped3A = tpu.sem_alloc : memref<!tpu.dma_semaphore, #tpu.memory_space<semaphore_mem>>
      %dma_start3A = arith.constant 0 : i32
      %dma_start3A_20 = tpu.memref_slice %arg7[%add3A_6, %dma_start3A] : memref<10248x128xf32, #tpu.memory_space<vmem_shared>> -> memref<128x128xf32, #tpu.memory_space<vmem_shared>>
      tpu.enqueue_dma source(%arg5 : memref<128x128xf32, #tpu.memory_space<hbm>>) target(%dma_start3A_20 : memref<128x128xf32, #tpu.memory_space<vmem_shared>>) target_semaphore(%run_scoped3A : memref<!tpu.dma_semaphore, #tpu.memory_space<semaphore_mem>>)
      %dma_wait3A = arith.constant 0 : i32
      %dma_wait3A_21 = tpu.memref_slice %arg7[%add3A_6, %dma_wait3A] : memref<10248x128xf32, #tpu.memory_space<vmem_shared>> -> memref<128x128xf32, #tpu.memory_space<vmem_shared>>
      tpu.wait_dma2 semaphore(%run_scoped3A : memref<!tpu.dma_semaphore, #tpu.memory_space<semaphore_mem>>) src(%arg5 : memref<128x128xf32, #tpu.memory_space<hbm>>) dst(%dma_wait3A_21 : memref<128x128xf32, #tpu.memory_space<vmem_shared>>)
      tpu.yield
    }) : () -> ()
    %add3A_7 = arith.constant 128 : i32
    %add3A_8 = arith.addi %mul3A_4, %add3A_7 : i32
    "tpu.region"() ({
      %run_scoped3A = tpu.sem_alloc : memref<!tpu.dma_semaphore, #tpu.memory_space<semaphore_mem>>
      %dma_start3A = arith.constant 0 : i32
      %dma_start3A_20 = tpu.memref_slice %arg7[%add3A_8, %dma_start3A] : memref<10248x128xf32, #tpu.memory_space<vmem_shared>> -> memref<128x128xf32, #tpu.memory_space<vmem_shared>>
      tpu.enqueue_dma source(%arg5 : memref<128x128xf32, #tpu.memory_space<hbm>>) target(%dma_start3A_20 : memref<128x128xf32, #tpu.memory_space<vmem_shared>>) target_semaphore(%run_scoped3A : memref<!tpu.dma_semaphore, #tpu.memory_space<semaphore_mem>>)
      %dma_wait3A = arith.constant 0 : i32
      %dma_wait3A_21 = tpu.memref_slice %arg7[%add3A_8, %dma_wait3A] : memref<10248x128xf32, #tpu.memory_space<vmem_shared>> -> memref<128x128xf32, #tpu.memory_space<vmem_shared>>
      tpu.wait_dma2 semaphore(%run_scoped3A : memref<!tpu.dma_semaphore, #tpu.memory_space<semaphore_mem>>) src(%arg5 : memref<128x128xf32, #tpu.memory_space<hbm>>) dst(%dma_wait3A_21 : memref<128x128xf32, #tpu.memory_space<vmem_shared>>)
      tpu.yield
    }) : () -> ()
    %add3A_9 = arith.constant 256 : i32
    %add3A_10 = arith.addi %mul3A_4, %add3A_9 : i32
    "tpu.region"() ({
      %run_scoped3A = tpu.sem_alloc : memref<!tpu.dma_semaphore, #tpu.memory_space<semaphore_mem>>
      %dma_start3A = arith.constant 0 : i32
      %dma_start3A_20 = tpu.memref_slice %arg7[%add3A_10, %dma_start3A] : memref<10248x128xf32, #tpu.memory_space<vmem_shared>> -> memref<128x128xf32, #tpu.memory_space<vmem_shared>>
      tpu.enqueue_dma source(%arg5 : memref<128x128xf32, #tpu.memory_space<hbm>>) target(%dma_start3A_20 : memref<128x128xf32, #tpu.memory_space<vmem_shared>>) target_semaphore(%run_scoped3A : memref<!tpu.dma_semaphore, #tpu.memory_space<semaphore_mem>>)
      %dma_wait3A = arith.constant 0 : i32
      %dma_wait3A_21 = tpu.memref_slice %arg7[%add3A_10, %dma_wait3A] : memref<10248x128xf32, #tpu.memory_space<vmem_shared>> -> memref<128x128xf32, #tpu.memory_space<vmem_shared>>
      tpu.wait_dma2 semaphore(%run_scoped3A : memref<!tpu.dma_semaphore, #tpu.memory_space<semaphore_mem>>) src(%arg5 : memref<128x128xf32, #tpu.memory_space<hbm>>) dst(%dma_wait3A_21 : memref<128x128xf32, #tpu.memory_space<vmem_shared>>)
      tpu.yield
    }) : () -> ()
    %add3A_11 = arith.constant 384 : i32
    %add3A_12 = arith.addi %mul3A_4, %add3A_11 : i32
    "tpu.region"() ({
      %run_scoped3A = tpu.sem_alloc : memref<!tpu.dma_semaphore, #tpu.memory_space<semaphore_mem>>
      %dma_start3A = arith.constant 0 : i32
      %dma_start3A_20 = tpu.memref_slice %arg7[%add3A_12, %dma_start3A] : memref<10248x128xf32, #tpu.memory_space<vmem_shared>> -> memref<128x128xf32, #tpu.memory_space<vmem_shared>>
      tpu.enqueue_dma source(%arg5 : memref<128x128xf32, #tpu.memory_space<hbm>>) target(%dma_start3A_20 : memref<128x128xf32, #tpu.memory_space<vmem_shared>>) target_semaphore(%run_scoped3A : memref<!tpu.dma_semaphore, #tpu.memory_space<semaphore_mem>>)
      %dma_wait3A = arith.constant 0 : i32
      %dma_wait3A_21 = tpu.memref_slice %arg7[%add3A_12, %dma_wait3A] : memref<10248x128xf32, #tpu.memory_space<vmem_shared>> -> memref<128x128xf32, #tpu.memory_space<vmem_shared>>
      tpu.wait_dma2 semaphore(%run_scoped3A : memref<!tpu.dma_semaphore, #tpu.memory_space<semaphore_mem>>) src(%arg5 : memref<128x128xf32, #tpu.memory_space<hbm>>) dst(%dma_wait3A_21 : memref<128x128xf32, #tpu.memory_space<vmem_shared>>)
      tpu.yield
    }) : () -> ()
    %add3A_13 = arith.constant 512 : i32
    %add3A_14 = arith.addi %mul3A_4, %add3A_13 : i32
    "tpu.region"() ({
      %run_scoped3A = tpu.sem_alloc : memref<!tpu.dma_semaphore, #tpu.memory_space<semaphore_mem>>
      %dma_start3A = arith.constant 0 : i32
      %dma_start3A_20 = tpu.memref_slice %arg7[%add3A_14, %dma_start3A] : memref<10248x128xf32, #tpu.memory_space<vmem_shared>> -> memref<128x128xf32, #tpu.memory_space<vmem_shared>>
      tpu.enqueue_dma source(%arg5 : memref<128x128xf32, #tpu.memory_space<hbm>>) target(%dma_start3A_20 : memref<128x128xf32, #tpu.memory_space<vmem_shared>>) target_semaphore(%run_scoped3A : memref<!tpu.dma_semaphore, #tpu.memory_space<semaphore_mem>>)
      %dma_wait3A = arith.constant 0 : i32
      %dma_wait3A_21 = tpu.memref_slice %arg7[%add3A_14, %dma_wait3A] : memref<10248x128xf32, #tpu.memory_space<vmem_shared>> -> memref<128x128xf32, #tpu.memory_space<vmem_shared>>
      tpu.wait_dma2 semaphore(%run_scoped3A : memref<!tpu.dma_semaphore, #tpu.memory_space<semaphore_mem>>) src(%arg5 : memref<128x128xf32, #tpu.memory_space<hbm>>) dst(%dma_wait3A_21 : memref<128x128xf32, #tpu.memory_space<vmem_shared>>)
      tpu.yield
    }) : () -> ()
    %barrier3A = arith.constant 0 : index
    tpu.barrier barrier_id(%barrier3A)
    %scan3A = arith.constant 0 : i32
    %scan3A_15 = arith.constant 0 : i32
    %scan3A_16 = arith.constant 8 : i32
    %scan3A_17 = arith.addi %scan3A_15, %scan3A_16 : i32
    %scan3A_18 = arith.constant 1 : i32
    scf.for %scan3A_20 = %scan3A_15 to %scan3A_17 step %scan3A_18  : i32 {
      %scan3A_21 = arith.constant 0 : i32
      %scan3A_22 = arith.constant 0 : i32
      %scan3A_23 = arith.constant 40 : i32
      %scan3A_24 = arith.addi %scan3A_22, %scan3A_23 : i32
      %scan3A_25 = arith.constant 1 : i32
      scf.for %scan3A_32 = %scan3A_22 to %scan3A_24 step %scan3A_25  : i32 {
        %mul3A_33 = arith.constant 128 : i32
        %mul3A_34 = arith.muli %scan3A_32, %mul3A_33 : i32
        %add3A_35 = arith.constant 0 : i32
        %add3A_36 = arith.addi %mul3A_34, %add3A_35 : i32
        %get3A = arith.index_cast %add3A_36 : i32 to index
        %get3A_37 = tpu.vector_load %arg8[%get3A] {strides = array<i32>} : memref<5120xi32, #tpu.memory_space<vmem>>, vector<16xi32>,
        %get3A_38 = vector.shape_cast %get3A_37 : vector<16xi32> to vector<16xi32>
        %get3A_39 = arith.index_cast %add3A_36 : i32 to index
        %get3A_40 = tpu.vector_load %arg9[%get3A_39] {strides = array<i32>} : memref<5120xi32, #tpu.memory_space<vmem>>, vector<16xi32>,
        %get3A_41 = vector.shape_cast %get3A_40 : vector<16xi32> to vector<16xi32>
        %swap3A = arith.constant 0 : index
        %swap3A_42 = tpu.vector_load %arg10[%swap3A] {strides = array<i32>} : memref<128xi32, #tpu.memory_space<vmem>>, vector<16xi32>,
        %swap3A_43 = vector.shape_cast %swap3A_42 : vector<16xi32> to vector<16xi32>
        %swap3A_44 = vector.shape_cast %get3A_38 : vector<16xi32> to vector<16xi32>
        tpu.vector_store %arg10[%swap3A], %swap3A_44 {strides = array<i32>} : memref<128xi32, #tpu.memory_space<vmem>>, vector<16xi32>,
        %mul3A_45 = arith.constant 10248 : i32
        %mul3A_46 = arith.muli %scan3A_20, %mul3A_45 : i32
        %sub3A = vector.broadcast %mul3A_46 : i32 to vector<16xi32>
        %sub3A_47 = arith.subi %get3A_41, %sub3A : vector<16xi32>
        %ge3A = arith.constant 0 : i32
        %ge3A_48 = vector.broadcast %ge3A : i32 to vector<16xi32>
        %ge3A_49 = arith.cmpi sge, %sub3A_47, %ge3A_48 : vector<16xi32>
        %lt3A = arith.constant 10248 : i32
        %lt3A_50 = vector.broadcast %lt3A : i32 to vector<16xi32>
        %lt3A_51 = arith.cmpi slt, %sub3A_47, %lt3A_50 : vector<16xi32>
        %and3A = arith.andi %ge3A_49, %lt3A_51 : vector<16xi1>
        %jit3A = arith.constant 10240 : i32
        %broadcast_in_dim3A = vector.broadcast %jit3A : i32 to vector<16xi32>
        %select_n3A = arith.select %and3A, %sub3A_47, %broadcast_in_dim3A : vector<16xi1>, vector<16xi32>
        %swap3A_52 = arith.constant 0 : index
        %swap3A_53 = tpu.vector_load %arg11[%swap3A_52] {strides = array<i32>} : memref<128xi32, #tpu.memory_space<vmem>>, vector<16xi32>,
        %swap3A_54 = vector.shape_cast %swap3A_53 : vector<16xi32> to vector<16xi32>
        %swap3A_55 = vector.shape_cast %select_n3A : vector<16xi32> to vector<16xi32>
        tpu.vector_store %arg11[%swap3A_52], %swap3A_55 {strides = array<i32>} : memref<128xi32, #tpu.memory_space<vmem>>, vector<16xi32>,
        %mul3A_56 = arith.constant 128 : i32
        %mul3A_57 = arith.muli %scan3A_32, %mul3A_56 : i32
        %add3A_58 = arith.constant 16 : i32
        %add3A_59 = arith.addi %mul3A_57, %add3A_58 : i32
        %get3A_60 = arith.index_cast %add3A_59 : i32 to index
        %get3A_61 = tpu.vector_load %arg8[%get3A_60] {strides = array<i32>} : memref<5120xi32, #tpu.memory_space<vmem>>, vector<16xi32>,
        %get3A_62 = vector.shape_cast %get3A_61 : vector<16xi32> to vector<16xi32>
        %get3A_63 = arith.index_cast %add3A_59 : i32 to index
        %get3A_64 = tpu.vector_load %arg9[%get3A_63] {strides = array<i32>} : memref<5120xi32, #tpu.memory_space<vmem>>, vector<16xi32>,
        %get3A_65 = vector.shape_cast %get3A_64 : vector<16xi32> to vector<16xi32>
        %swap3A_66 = arith.constant 16 : index
        %swap3A_67 = tpu.vector_load %arg10[%swap3A_66] {strides = array<i32>} : memref<128xi32, #tpu.memory_space<vmem>>, vector<16xi32>,
        %swap3A_68 = vector.shape_cast %swap3A_67 : vector<16xi32> to vector<16xi32>
        %swap3A_69 = vector.shape_cast %get3A_62 : vector<16xi32> to vector<16xi32>
        tpu.vector_store %arg10[%swap3A_66], %swap3A_69 {strides = array<i32>} : memref<128xi32, #tpu.memory_space<vmem>>, vector<16xi32>,
        %mul3A_70 = arith.constant 10248 : i32
        %mul3A_71 = arith.muli %scan3A_20, %mul3A_70 : i32
        %sub3A_72 = vector.broadcast %mul3A_71 : i32 to vector<16xi32>
        %sub3A_73 = arith.subi %get3A_65, %sub3A_72 : vector<16xi32>
        %ge3A_74 = arith.constant 0 : i32
        %ge3A_75 = vector.broadcast %ge3A_74 : i32 to vector<16xi32>
        %ge3A_76 = arith.cmpi sge, %sub3A_73, %ge3A_75 : vector<16xi32>
        %lt3A_77 = arith.constant 10248 : i32
        %lt3A_78 = vector.broadcast %lt3A_77 : i32 to vector<16xi32>
        %lt3A_79 = arith.cmpi slt, %sub3A_73, %lt3A_78 : vector<16xi32>
        %and3A_80 = arith.andi %ge3A_76, %lt3A_79 : vector<16xi1>
        %jit3A_81 = arith.constant 10240 : i32
        %broadcast_in_dim3A_82 = vector.broadcast %jit3A_81 : i32 to vector<16xi32>
        %select_n3A_83 = arith.select %and3A_80, %sub3A_73, %broadcast_in_dim3A_82 : vector<16xi1>, vector<16xi32>
        %swap3A_84 = arith.constant 16 : index
        %swap3A_85 = tpu.vector_load %arg11[%swap3A_84] {strides = array<i32>} : memref<128xi32, #tpu.memory_space<vmem>>, vector<16xi32>,
        %swap3A_86 = vector.shape_cast %swap3A_85 : vector<16xi32> to vector<16xi32>
        %swap3A_87 = vector.shape_cast %select_n3A_83 : vector<16xi32> to vector<16xi32>
        tpu.vector_store %arg11[%swap3A_84], %swap3A_87 {strides = array<i32>} : memref<128xi32, #tpu.memory_space<vmem>>, vector<16xi32>,
        %mul3A_88 = arith.constant 128 : i32
        %mul3A_89 = arith.muli %scan3A_32, %mul3A_88 : i32
        %add3A_90 = arith.constant 32 : i32
        %add3A_91 = arith.addi %mul3A_89, %add3A_90 : i32
        %get3A_92 = arith.index_cast %add3A_91 : i32 to index
        %get3A_93 = tpu.vector_load %arg8[%get3A_92] {strides = array<i32>} : memref<5120xi32, #tpu.memory_space<vmem>>, vector<16xi32>,
        %get3A_94 = vector.shape_cast %get3A_93 : vector<16xi32> to vector<16xi32>
        %get3A_95 = arith.index_cast %add3A_91 : i32 to index
        %get3A_96 = tpu.vector_load %arg9[%get3A_95] {strides = array<i32>} : memref<5120xi32, #tpu.memory_space<vmem>>, vector<16xi32>,
        %get3A_97 = vector.shape_cast %get3A_96 : vector<16xi32> to vector<16xi32>
        %swap3A_98 = arith.constant 32 : index
        %swap3A_99 = tpu.vector_load %arg10[%swap3A_98] {strides = array<i32>} : memref<128xi32, #tpu.memory_space<vmem>>, vector<16xi32>,
        %swap3A_100 = vector.shape_cast %swap3A_99 : vector<16xi32> to vector<16xi32>
        %swap3A_101 = vector.shape_cast %get3A_94 : vector<16xi32> to vector<16xi32>
        tpu.vector_store %arg10[%swap3A_98], %swap3A_101 {strides = array<i32>} : memref<128xi32, #tpu.memory_space<vmem>>, vector<16xi32>,
        %mul3A_102 = arith.constant 10248 : i32
        %mul3A_103 = arith.muli %scan3A_20, %mul3A_102 : i32
        %sub3A_104 = vector.broadcast %mul3A_103 : i32 to vector<16xi32>
        %sub3A_105 = arith.subi %get3A_97, %sub3A_104 : vector<16xi32>
        %ge3A_106 = arith.constant 0 : i32
        %ge3A_107 = vector.broadcast %ge3A_106 : i32 to vector<16xi32>
        %ge3A_108 = arith.cmpi sge, %sub3A_105, %ge3A_107 : vector<16xi32>
        %lt3A_109 = arith.constant 10248 : i32
        %lt3A_110 = vector.broadcast %lt3A_109 : i32 to vector<16xi32>
        %lt3A_111 = arith.cmpi slt, %sub3A_105, %lt3A_110 : vector<16xi32>
        %and3A_112 = arith.andi %ge3A_108, %lt3A_111 : vector<16xi1>
        %jit3A_113 = arith.constant 10240 : i32
        %broadcast_in_dim3A_114 = vector.broadcast %jit3A_113 : i32 to vector<16xi32>
        %select_n3A_115 = arith.select %and3A_112, %sub3A_105, %broadcast_in_dim3A_114 : vector<16xi1>, vector<16xi32>
        %swap3A_116 = arith.constant 32 : index
        %swap3A_117 = tpu.vector_load %arg11[%swap3A_116] {strides = array<i32>} : memref<128xi32, #tpu.memory_space<vmem>>, vector<16xi32>,
        %swap3A_118 = vector.shape_cast %swap3A_117 : vector<16xi32> to vector<16xi32>
        %swap3A_119 = vector.shape_cast %select_n3A_115 : vector<16xi32> to vector<16xi32>
        tpu.vector_store %arg11[%swap3A_116], %swap3A_119 {strides = array<i32>} : memref<128xi32, #tpu.memory_space<vmem>>, vector<16xi32>,
        %mul3A_120 = arith.constant 128 : i32
        %mul3A_121 = arith.muli %scan3A_32, %mul3A_120 : i32
        %add3A_122 = arith.constant 48 : i32
        %add3A_123 = arith.addi %mul3A_121, %add3A_122 : i32
        %get3A_124 = arith.index_cast %add3A_123 : i32 to index
        %get3A_125 = tpu.vector_load %arg8[%get3A_124] {strides = array<i32>} : memref<5120xi32, #tpu.memory_space<vmem>>, vector<16xi32>,
        %get3A_126 = vector.shape_cast %get3A_125 : vector<16xi32> to vector<16xi32>
        %get3A_127 = arith.index_cast %add3A_123 : i32 to index
        %get3A_128 = tpu.vector_load %arg9[%get3A_127] {strides = array<i32>} : memref<5120xi32, #tpu.memory_space<vmem>>, vector<16xi32>,
        %get3A_129 = vector.shape_cast %get3A_128 : vector<16xi32> to vector<16xi32>
        %swap3A_130 = arith.constant 48 : index
        %swap3A_131 = tpu.vector_load %arg10[%swap3A_130] {strides = array<i32>} : memref<128xi32, #tpu.memory_space<vmem>>, vector<16xi32>,
        %swap3A_132 = vector.shape_cast %swap3A_131 : vector<16xi32> to vector<16xi32>
        %swap3A_133 = vector.shape_cast %get3A_126 : vector<16xi32> to vector<16xi32>
        tpu.vector_store %arg10[%swap3A_130], %swap3A_133 {strides = array<i32>} : memref<128xi32, #tpu.memory_space<vmem>>, vector<16xi32>,
        %mul3A_134 = arith.constant 10248 : i32
        %mul3A_135 = arith.muli %scan3A_20, %mul3A_134 : i32
        %sub3A_136 = vector.broadcast %mul3A_135 : i32 to vector<16xi32>
        %sub3A_137 = arith.subi %get3A_129, %sub3A_136 : vector<16xi32>
        %ge3A_138 = arith.constant 0 : i32
        %ge3A_139 = vector.broadcast %ge3A_138 : i32 to vector<16xi32>
        %ge3A_140 = arith.cmpi sge, %sub3A_137, %ge3A_139 : vector<16xi32>
        %lt3A_141 = arith.constant 10248 : i32
        %lt3A_142 = vector.broadcast %lt3A_141 : i32 to vector<16xi32>
        %lt3A_143 = arith.cmpi slt, %sub3A_137, %lt3A_142 : vector<16xi32>
        %and3A_144 = arith.andi %ge3A_140, %lt3A_143 : vector<16xi1>
        %jit3A_145 = arith.constant 10240 : i32
        %broadcast_in_dim3A_146 = vector.broadcast %jit3A_145 : i32 to vector<16xi32>
        %select_n3A_147 = arith.select %and3A_144, %sub3A_137, %broadcast_in_dim3A_146 : vector<16xi1>, vector<16xi32>
        %swap3A_148 = arith.constant 48 : index
        %swap3A_149 = tpu.vector_load %arg11[%swap3A_148] {strides = array<i32>} : memref<128xi32, #tpu.memory_space<vmem>>, vector<16xi32>,
        %swap3A_150 = vector.shape_cast %swap3A_149 : vector<16xi32> to vector<16xi32>
        %swap3A_151 = vector.shape_cast %select_n3A_147 : vector<16xi32> to vector<16xi32>
        tpu.vector_store %arg11[%swap3A_148], %swap3A_151 {strides = array<i32>} : memref<128xi32, #tpu.memory_space<vmem>>, vector<16xi32>,
        %mul3A_152 = arith.constant 128 : i32
        %mul3A_153 = arith.muli %scan3A_32, %mul3A_152 : i32
        %add3A_154 = arith.constant 64 : i32
        %add3A_155 = arith.addi %mul3A_153, %add3A_154 : i32
        %get3A_156 = arith.index_cast %add3A_155 : i32 to index
        %get3A_157 = tpu.vector_load %arg8[%get3A_156] {strides = array<i32>} : memref<5120xi32, #tpu.memory_space<vmem>>, vector<16xi32>,
        %get3A_158 = vector.shape_cast %get3A_157 : vector<16xi32> to vector<16xi32>
        %get3A_159 = arith.index_cast %add3A_155 : i32 to index
        %get3A_160 = tpu.vector_load %arg9[%get3A_159] {strides = array<i32>} : memref<5120xi32, #tpu.memory_space<vmem>>, vector<16xi32>,
        %get3A_161 = vector.shape_cast %get3A_160 : vector<16xi32> to vector<16xi32>
        %swap3A_162 = arith.constant 64 : index
        %swap3A_163 = tpu.vector_load %arg10[%swap3A_162] {strides = array<i32>} : memref<128xi32, #tpu.memory_space<vmem>>, vector<16xi32>,
        %swap3A_164 = vector.shape_cast %swap3A_163 : vector<16xi32> to vector<16xi32>
        %swap3A_165 = vector.shape_cast %get3A_158 : vector<16xi32> to vector<16xi32>
        tpu.vector_store %arg10[%swap3A_162], %swap3A_165 {strides = array<i32>} : memref<128xi32, #tpu.memory_space<vmem>>, vector<16xi32>,
        %mul3A_166 = arith.constant 10248 : i32
        %mul3A_167 = arith.muli %scan3A_20, %mul3A_166 : i32
        %sub3A_168 = vector.broadcast %mul3A_167 : i32 to vector<16xi32>
        %sub3A_169 = arith.subi %get3A_161, %sub3A_168 : vector<16xi32>
        %ge3A_170 = arith.constant 0 : i32
        %ge3A_171 = vector.broadcast %ge3A_170 : i32 to vector<16xi32>
        %ge3A_172 = arith.cmpi sge, %sub3A_169, %ge3A_171 : vector<16xi32>
        %lt3A_173 = arith.constant 10248 : i32
        %lt3A_174 = vector.broadcast %lt3A_173 : i32 to vector<16xi32>
        %lt3A_175 = arith.cmpi slt, %sub3A_169, %lt3A_174 : vector<16xi32>
        %and3A_176 = arith.andi %ge3A_172, %lt3A_175 : vector<16xi1>
        %jit3A_177 = arith.constant 10240 : i32
        %broadcast_in_dim3A_178 = vector.broadcast %jit3A_177 : i32 to vector<16xi32>
        %select_n3A_179 = arith.select %and3A_176, %sub3A_169, %broadcast_in_dim3A_178 : vector<16xi1>, vector<16xi32>
        %swap3A_180 = arith.constant 64 : index
        %swap3A_181 = tpu.vector_load %arg11[%swap3A_180] {strides = array<i32>} : memref<128xi32, #tpu.memory_space<vmem>>, vector<16xi32>,
        %swap3A_182 = vector.shape_cast %swap3A_181 : vector<16xi32> to vector<16xi32>
        %swap3A_183 = vector.shape_cast %select_n3A_179 : vector<16xi32> to vector<16xi32>
        tpu.vector_store %arg11[%swap3A_180], %swap3A_183 {strides = array<i32>} : memref<128xi32, #tpu.memory_space<vmem>>, vector<16xi32>,
        %mul3A_184 = arith.constant 128 : i32
        %mul3A_185 = arith.muli %scan3A_32, %mul3A_184 : i32
        %add3A_186 = arith.constant 80 : i32
        %add3A_187 = arith.addi %mul3A_185, %add3A_186 : i32
        %get3A_188 = arith.index_cast %add3A_187 : i32 to index
        %get3A_189 = tpu.vector_load %arg8[%get3A_188] {strides = array<i32>} : memref<5120xi32, #tpu.memory_space<vmem>>, vector<16xi32>,
        %get3A_190 = vector.shape_cast %get3A_189 : vector<16xi32> to vector<16xi32>
        %get3A_191 = arith.index_cast %add3A_187 : i32 to index
        %get3A_192 = tpu.vector_load %arg9[%get3A_191] {strides = array<i32>} : memref<5120xi32, #tpu.memory_space<vmem>>, vector<16xi32>,
        %get3A_193 = vector.shape_cast %get3A_192 : vector<16xi32> to vector<16xi32>
        %swap3A_194 = arith.constant 80 : index
        %swap3A_195 = tpu.vector_load %arg10[%swap3A_194] {strides = array<i32>} : memref<128xi32, #tpu.memory_space<vmem>>, vector<16xi32>,
        %swap3A_196 = vector.shape_cast %swap3A_195 : vector<16xi32> to vector<16xi32>
        %swap3A_197 = vector.shape_cast %get3A_190 : vector<16xi32> to vector<16xi32>
        tpu.vector_store %arg10[%swap3A_194], %swap3A_197 {strides = array<i32>} : memref<128xi32, #tpu.memory_space<vmem>>, vector<16xi32>,
        %mul3A_198 = arith.constant 10248 : i32
        %mul3A_199 = arith.muli %scan3A_20, %mul3A_198 : i32
        %sub3A_200 = vector.broadcast %mul3A_199 : i32 to vector<16xi32>
        %sub3A_201 = arith.subi %get3A_193, %sub3A_200 : vector<16xi32>
        %ge3A_202 = arith.constant 0 : i32
        %ge3A_203 = vector.broadcast %ge3A_202 : i32 to vector<16xi32>
        %ge3A_204 = arith.cmpi sge, %sub3A_201, %ge3A_203 : vector<16xi32>
        %lt3A_205 = arith.constant 10248 : i32
        %lt3A_206 = vector.broadcast %lt3A_205 : i32 to vector<16xi32>
        %lt3A_207 = arith.cmpi slt, %sub3A_201, %lt3A_206 : vector<16xi32>
        %and3A_208 = arith.andi %ge3A_204, %lt3A_207 : vector<16xi1>
        %jit3A_209 = arith.constant 10240 : i32
        %broadcast_in_dim3A_210 = vector.broadcast %jit3A_209 : i32 to vector<16xi32>
        %select_n3A_211 = arith.select %and3A_208, %sub3A_201, %broadcast_in_dim3A_210 : vector<16xi1>, vector<16xi32>
        %swap3A_212 = arith.constant 80 : index
        %swap3A_213 = tpu.vector_load %arg11[%swap3A_212] {strides = array<i32>} : memref<128xi32, #tpu.memory_space<vmem>>, vector<16xi32>,
        %swap3A_214 = vector.shape_cast %swap3A_213 : vector<16xi32> to vector<16xi32>
        %swap3A_215 = vector.shape_cast %select_n3A_211 : vector<16xi32> to vector<16xi32>
        tpu.vector_store %arg11[%swap3A_212], %swap3A_215 {strides = array<i32>} : memref<128xi32, #tpu.memory_space<vmem>>, vector<16xi32>,
        %mul3A_216 = arith.constant 128 : i32
        %mul3A_217 = arith.muli %scan3A_32, %mul3A_216 : i32
        %add3A_218 = arith.constant 96 : i32
        %add3A_219 = arith.addi %mul3A_217, %add3A_218 : i32
        %get3A_220 = arith.index_cast %add3A_219 : i32 to index
        %get3A_221 = tpu.vector_load %arg8[%get3A_220] {strides = array<i32>} : memref<5120xi32, #tpu.memory_space<vmem>>, vector<16xi32>,
        %get3A_222 = vector.shape_cast %get3A_221 : vector<16xi32> to vector<16xi32>
        %get3A_223 = arith.index_cast %add3A_219 : i32 to index
        %get3A_224 = tpu.vector_load %arg9[%get3A_223] {strides = array<i32>} : memref<5120xi32, #tpu.memory_space<vmem>>, vector<16xi32>,
        %get3A_225 = vector.shape_cast %get3A_224 : vector<16xi32> to vector<16xi32>
        %swap3A_226 = arith.constant 96 : index
        %swap3A_227 = tpu.vector_load %arg10[%swap3A_226] {strides = array<i32>} : memref<128xi32, #tpu.memory_space<vmem>>, vector<16xi32>,
        %swap3A_228 = vector.shape_cast %swap3A_227 : vector<16xi32> to vector<16xi32>
        %swap3A_229 = vector.shape_cast %get3A_222 : vector<16xi32> to vector<16xi32>
        tpu.vector_store %arg10[%swap3A_226], %swap3A_229 {strides = array<i32>} : memref<128xi32, #tpu.memory_space<vmem>>, vector<16xi32>,
        %mul3A_230 = arith.constant 10248 : i32
        %mul3A_231 = arith.muli %scan3A_20, %mul3A_230 : i32
        %sub3A_232 = vector.broadcast %mul3A_231 : i32 to vector<16xi32>
        %sub3A_233 = arith.subi %get3A_225, %sub3A_232 : vector<16xi32>
        %ge3A_234 = arith.constant 0 : i32
        %ge3A_235 = vector.broadcast %ge3A_234 : i32 to vector<16xi32>
        %ge3A_236 = arith.cmpi sge, %sub3A_233, %ge3A_235 : vector<16xi32>
        %lt3A_237 = arith.constant 10248 : i32
        %lt3A_238 = vector.broadcast %lt3A_237 : i32 to vector<16xi32>
        %lt3A_239 = arith.cmpi slt, %sub3A_233, %lt3A_238 : vector<16xi32>
        %and3A_240 = arith.andi %ge3A_236, %lt3A_239 : vector<16xi1>
        %jit3A_241 = arith.constant 10240 : i32
        %broadcast_in_dim3A_242 = vector.broadcast %jit3A_241 : i32 to vector<16xi32>
        %select_n3A_243 = arith.select %and3A_240, %sub3A_233, %broadcast_in_dim3A_242 : vector<16xi1>, vector<16xi32>
        %swap3A_244 = arith.constant 96 : index
        %swap3A_245 = tpu.vector_load %arg11[%swap3A_244] {strides = array<i32>} : memref<128xi32, #tpu.memory_space<vmem>>, vector<16xi32>,
        %swap3A_246 = vector.shape_cast %swap3A_245 : vector<16xi32> to vector<16xi32>
        %swap3A_247 = vector.shape_cast %select_n3A_243 : vector<16xi32> to vector<16xi32>
        tpu.vector_store %arg11[%swap3A_244], %swap3A_247 {strides = array<i32>} : memref<128xi32, #tpu.memory_space<vmem>>, vector<16xi32>,
        %mul3A_248 = arith.constant 128 : i32
        %mul3A_249 = arith.muli %scan3A_32, %mul3A_248 : i32
        %add3A_250 = arith.constant 112 : i32
        %add3A_251 = arith.addi %mul3A_249, %add3A_250 : i32
        %get3A_252 = arith.index_cast %add3A_251 : i32 to index
        %get3A_253 = tpu.vector_load %arg8[%get3A_252] {strides = array<i32>} : memref<5120xi32, #tpu.memory_space<vmem>>, vector<16xi32>,
        %get3A_254 = vector.shape_cast %get3A_253 : vector<16xi32> to vector<16xi32>
        %get3A_255 = arith.index_cast %add3A_251 : i32 to index
        %get3A_256 = tpu.vector_load %arg9[%get3A_255] {strides = array<i32>} : memref<5120xi32, #tpu.memory_space<vmem>>, vector<16xi32>,
        %get3A_257 = vector.shape_cast %get3A_256 : vector<16xi32> to vector<16xi32>
        %swap3A_258 = arith.constant 112 : index
        %swap3A_259 = tpu.vector_load %arg10[%swap3A_258] {strides = array<i32>} : memref<128xi32, #tpu.memory_space<vmem>>, vector<16xi32>,
        %swap3A_260 = vector.shape_cast %swap3A_259 : vector<16xi32> to vector<16xi32>
        %swap3A_261 = vector.shape_cast %get3A_254 : vector<16xi32> to vector<16xi32>
        tpu.vector_store %arg10[%swap3A_258], %swap3A_261 {strides = array<i32>} : memref<128xi32, #tpu.memory_space<vmem>>, vector<16xi32>,
        %mul3A_262 = arith.constant 10248 : i32
        %mul3A_263 = arith.muli %scan3A_20, %mul3A_262 : i32
        %sub3A_264 = vector.broadcast %mul3A_263 : i32 to vector<16xi32>
        %sub3A_265 = arith.subi %get3A_257, %sub3A_264 : vector<16xi32>
        %ge3A_266 = arith.constant 0 : i32
        %ge3A_267 = vector.broadcast %ge3A_266 : i32 to vector<16xi32>
        %ge3A_268 = arith.cmpi sge, %sub3A_265, %ge3A_267 : vector<16xi32>
        %lt3A_269 = arith.constant 10248 : i32
        %lt3A_270 = vector.broadcast %lt3A_269 : i32 to vector<16xi32>
        %lt3A_271 = arith.cmpi slt, %sub3A_265, %lt3A_270 : vector<16xi32>
        %and3A_272 = arith.andi %ge3A_268, %lt3A_271 : vector<16xi1>
        %jit3A_273 = arith.constant 10240 : i32
        %broadcast_in_dim3A_274 = vector.broadcast %jit3A_273 : i32 to vector<16xi32>
        %select_n3A_275 = arith.select %and3A_272, %sub3A_265, %broadcast_in_dim3A_274 : vector<16xi1>, vector<16xi32>
        %swap3A_276 = arith.constant 112 : index
        %swap3A_277 = tpu.vector_load %arg11[%swap3A_276] {strides = array<i32>} : memref<128xi32, #tpu.memory_space<vmem>>, vector<16xi32>,
        %swap3A_278 = vector.shape_cast %swap3A_277 : vector<16xi32> to vector<16xi32>
        %swap3A_279 = vector.shape_cast %select_n3A_275 : vector<16xi32> to vector<16xi32>
        tpu.vector_store %arg11[%swap3A_276], %swap3A_279 {strides = array<i32>} : memref<128xi32, #tpu.memory_space<vmem>>, vector<16xi32>,
        %dma_start3A = arith.constant 0 : i32
        %dma_start3A_280 = arith.constant 0 : i32
        %dma_start3A_281 = tpu.memref_slice %arg2[%dma_start3A, %dma_start3A_280] : memref<10240x128xf32, #tpu.memory_space<hbm>> -> memref<10240x128xf32, #tpu.memory_space<hbm>>
        tpu.enqueue_indirect_dma source(%dma_start3A_281 : memref<10240x128xf32, #tpu.memory_space<hbm>>) target(%arg12 : memref<128x128xf32, #tpu.memory_space<vmem>>) offsets(%arg10 : memref<128xi32, #tpu.memory_space<vmem>>) semaphore(%arg13 : memref<!tpu.dma_semaphore, #tpu.memory_space<semaphore_mem>>)
        %dma_wait3A = arith.constant 0 : i32
        %dma_wait3A_282 = arith.constant 0 : i32
        %dma_wait3A_283 = tpu.memref_slice %arg2[%dma_wait3A, %dma_wait3A_282] : memref<10240x128xf32, #tpu.memory_space<hbm>> -> memref<10240x128xf32, #tpu.memory_space<hbm>>
        tpu.wait_indirect_dma semaphore(%arg13 : memref<!tpu.dma_semaphore, #tpu.memory_space<semaphore_mem>>) src(%dma_wait3A_283 : memref<10240x128xf32, #tpu.memory_space<hbm>>) dst(%arg12 : memref<128x128xf32, #tpu.memory_space<vmem>>)
        "tpu.region"() ({
          %run_scoped3A = tpu.sem_alloc : memref<!tpu.dma_semaphore, #tpu.memory_space<semaphore_mem>>
          %dma_start3A_284 = arith.constant 0 : i32
          %dma_start3A_285 = arith.constant 0 : i32
          %dma_start3A_286 = tpu.memref_slice %arg7[%dma_start3A_284, %dma_start3A_285] : memref<10248x128xf32, #tpu.memory_space<vmem_shared>> -> memref<10248x128xf32, #tpu.memory_space<vmem_shared>>
          tpu.enqueue_indirect_dma source(%arg12 : memref<128x128xf32, #tpu.memory_space<vmem>>) target(%dma_start3A_286 : memref<10248x128xf32, #tpu.memory_space<vmem_shared>>) offsets(%arg11 : memref<128xi32, #tpu.memory_space<vmem>>) semaphore(%run_scoped3A : memref<!tpu.dma_semaphore, #tpu.memory_space<semaphore_mem>>) {add = true}
          %dma_wait3A_287 = arith.constant 0 : i32
          %dma_wait3A_288 = arith.constant 0 : i32
          %dma_wait3A_289 = tpu.memref_slice %arg7[%dma_wait3A_287, %dma_wait3A_288] : memref<10248x128xf32, #tpu.memory_space<vmem_shared>> -> memref<10248x128xf32, #tpu.memory_space<vmem_shared>>
          tpu.wait_indirect_dma semaphore(%run_scoped3A : memref<!tpu.dma_semaphore, #tpu.memory_space<semaphore_mem>>) src(%arg12 : memref<128x128xf32, #tpu.memory_space<vmem>>) dst(%dma_wait3A_289 : memref<10248x128xf32, #tpu.memory_space<vmem_shared>>)
          tpu.yield
        }) : () -> ()
      }
      %scan3A_26 = arith.constant 40 : i32
      %barrier3A_27 = arith.constant 0 : index
      tpu.barrier barrier_id(%barrier3A_27)
      %mul3A_28 = arith.constant 8 : i32
      %mul3A_29 = arith.muli %arg0, %mul3A_28 : i32
      %add3A_30 = arith.addi %mul3A_29, %scan3A_20 : i32
      "tpu.region"() ({
        %run_scoped3A = tpu.sem_alloc : memref<!tpu.dma_semaphore, #tpu.memory_space<semaphore_mem>>
        %dma_start3A = arith.constant 0 : i32
        %dma_start3A_32 = tpu.memref_slice %arg6[%add3A_30, %mul3A_4, %dma_start3A] : memref<16x10240x128xf32, #tpu.memory_space<hbm>> -> memref<1x640x128xf32, #tpu.memory_space<hbm>>
        %dma_start3A_33 = tpu.memref_squeeze %dma_start3A_32 : memref<1x640x128xf32, #tpu.memory_space<hbm>> -> memref<640x128xf32, #tpu.memory_space<hbm>>
        %dma_start3A_34 = arith.constant 0 : i32
        %dma_start3A_35 = tpu.memref_slice %arg7[%mul3A_4, %dma_start3A_34] : memref<10248x128xf32, #tpu.memory_space<vmem_shared>> -> memref<640x128xf32, #tpu.memory_space<vmem_shared>>
        tpu.enqueue_dma source(%dma_start3A_35 : memref<640x128xf32, #tpu.memory_space<vmem_shared>>) target(%dma_start3A_33 : memref<640x128xf32, #tpu.memory_space<hbm>>) target_semaphore(%run_scoped3A : memref<!tpu.dma_semaphore, #tpu.memory_space<semaphore_mem>>)
        %dma_wait3A = arith.constant 0 : i32
        %dma_wait3A_36 = tpu.memref_slice %arg6[%add3A_30, %mul3A_4, %dma_wait3A] : memref<16x10240x128xf32, #tpu.memory_space<hbm>> -> memref<1x640x128xf32, #tpu.memory_space<hbm>>
        %dma_wait3A_37 = tpu.memref_squeeze %dma_wait3A_36 : memref<1x640x128xf32, #tpu.memory_space<hbm>> -> memref<640x128xf32, #tpu.memory_space<hbm>>
        %dma_wait3A_38 = arith.constant 0 : i32
        %dma_wait3A_39 = tpu.memref_slice %arg7[%mul3A_4, %dma_wait3A_38] : memref<10248x128xf32, #tpu.memory_space<vmem_shared>> -> memref<640x128xf32, #tpu.memory_space<vmem_shared>>
        tpu.wait_dma2 semaphore(%run_scoped3A : memref<!tpu.dma_semaphore, #tpu.memory_space<semaphore_mem>>) src(%dma_wait3A_39 : memref<640x128xf32, #tpu.memory_space<vmem_shared>>) dst(%dma_wait3A_37 : memref<640x128xf32, #tpu.memory_space<hbm>>)
        tpu.yield
      }) : () -> ()
      %barrier3A_31 = arith.constant 0 : index
      tpu.barrier barrier_id(%barrier3A_31)
    }
    %scan3A_19 = arith.constant 8 : i32
    return
  }
}

module attributes {stable_mosaic.version = 14 : i64} {
  func.func @_t1_body(%arg0: i32, %arg1: memref<640x128xf32, #tpu.memory_space<vmem>>, %arg2: memref<128x128xf32, #tpu.memory_space<vmem>>, %arg3: memref<1x128xf32, #tpu.memory_space<vmem>>, %arg4: memref<640x128xf32, #tpu.memory_space<vmem>>) attributes {dimension_semantics = [#tpu.dimension_semantics<arbitrary>], iteration_bounds = array<i64: 16>, scalar_prefetch = 0 : i64, scratch_operands = 0 : i64, tpu.core_type = #tpu.core_type<tc>, window_params = [{transform_indices = @transform_0, window_bounds = array<i64: 640, 128>}, {pipeline_mode = #tpu.pipeline_mode<synchronous>, transform_indices = @transform_1, window_bounds = array<i64: 128, 128>}, {pipeline_mode = #tpu.pipeline_mode<synchronous>, transform_indices = @transform_2, window_bounds = array<i64: 1, 128>}, {transform_indices = @transform_3, window_bounds = array<i64: 640, 128>}]} {
    %get3A = arith.constant 0 : index
    %get3A_0 = arith.constant 0 : index
    %get3A_1 = vector.load %arg1[%get3A, %get3A_0] : memref<640x128xf32, #tpu.memory_space<vmem>>, vector<640x128xf32>
    %get3A_2 = arith.constant 0 : index
    %get3A_3 = arith.constant 0 : index
    %get3A_4 = vector.load %arg2[%get3A_2, %get3A_3] : memref<128x128xf32, #tpu.memory_space<vmem>>, vector<128x128xf32>
    %dot_general3A = arith.constant dense<0.000000e+00> : vector<640x128xf32>
    %dot_general3A_5 = tpu.matmul %get3A_1, %get3A_4, %dot_general3A {dimension_numbers = #tpu.dot_dimension_numbers<[1], [0], [0], [1], [0, 0, 1, 1], [], []>, transpose_lhs_hint = false} : vector<640x128xf32>, vector<128x128xf32>, vector<640x128xf32> -> vector<640x128xf32>
    %get3A_6 = arith.constant 0 : index
    %get3A_7 = arith.constant 0 : index
    %get3A_8 = vector.load %arg3[%get3A_6, %get3A_7] : memref<1x128xf32, #tpu.memory_space<vmem>>, vector<1x128xf32>
    %add3A = vector.broadcast %get3A_8 : vector<1x128xf32> to vector<640x128xf32>
    %add3A_9 = arith.addf %dot_general3A_5, %add3A : vector<640x128xf32>
    %swap3A = arith.constant 0 : index
    %swap3A_10 = arith.constant 0 : index
    %swap3A_11 = vector.load %arg4[%swap3A, %swap3A_10] : memref<640x128xf32, #tpu.memory_space<vmem>>, vector<640x128xf32>
    tpu.vector_store %arg4[%swap3A, %swap3A_10], %add3A_9 {strides = array<i32>} : memref<640x128xf32, #tpu.memory_space<vmem>>, vector<640x128xf32>,
    return
  }
  func.func @transform_0(%arg0: i32) -> (i32, i32) {
    %c0_i32 = arith.constant 0 : i32
    %c0_i32_0 = arith.constant 0 : i32
    return %arg0, %c0_i32 : i32, i32
  }
  func.func @transform_1(%arg0: i32) -> (i32, i32) {
    %c0_i32 = arith.constant 0 : i32
    %c0_i32_0 = arith.constant 0 : i32
    %c0_i32_1 = arith.constant 0 : i32
    return %c0_i32, %c0_i32_0 : i32, i32
  }
  func.func @transform_2(%arg0: i32) -> (i32, i32) {
    %c0_i32 = arith.constant 0 : i32
    %c0_i32_0 = arith.constant 0 : i32
    %c0_i32_1 = arith.constant 0 : i32
    return %c0_i32, %c0_i32_0 : i32, i32
  }
  func.func @transform_3(%arg0: i32) -> (i32, i32) {
    %c0_i32 = arith.constant 0 : i32
    %c0_i32_0 = arith.constant 0 : i32
    return %arg0, %c0_i32 : i32, i32
  }
}

module attributes {stable_mosaic.version = 14 : i64} {
  func.func @_t2_body(%arg0: i32, %arg1: memref<640x128xf32, #tpu.memory_space<vmem>>, %arg2: memref<2x8x640x128xf32, #tpu.memory_space<vmem>>, %arg3: memref<2x640x128xf32, #tpu.memory_space<vmem>>, %arg4: memref<128x128xf32, #tpu.memory_space<vmem>>, %arg5: memref<8x128x128xf32, #tpu.memory_space<vmem>>, %arg6: memref<1x128xf32, #tpu.memory_space<vmem>>, %arg7: memref<640x128xf32, #tpu.memory_space<vmem>>, %arg8: memref<1x8x128xf32, #tpu.memory_space<vmem>>) attributes {dimension_semantics = [#tpu.dimension_semantics<arbitrary>], iteration_bounds = array<i64: 16>, scalar_prefetch = 0 : i64, scratch_operands = 0 : i64, tpu.core_type = #tpu.core_type<tc>, window_params = [{transform_indices = @transform_0, window_bounds = array<i64: 640, 128>}, {transform_indices = @transform_1, window_bounds = array<i64: 2, 8, 640, 128>}, {transform_indices = @transform_2, window_bounds = array<i64: 2, 640, 128>}, {pipeline_mode = #tpu.pipeline_mode<synchronous>, transform_indices = @transform_3, window_bounds = array<i64: 128, 128>}, {pipeline_mode = #tpu.pipeline_mode<synchronous>, transform_indices = @transform_4, window_bounds = array<i64: 8, 128, 128>}, {pipeline_mode = #tpu.pipeline_mode<synchronous>, transform_indices = @transform_5, window_bounds = array<i64: 1, 128>}, {transform_indices = @transform_6, window_bounds = array<i64: 640, 128>}, {transform_indices = @transform_7, window_bounds = array<i64: 1, 8, 128>}]} {
    %get3A = arith.constant 0 : index
    %get3A_0 = arith.constant 0 : index
    %get3A_1 = vector.load %arg1[%get3A, %get3A_0] : memref<640x128xf32, #tpu.memory_space<vmem>>, vector<640x128xf32>
    %get3A_2 = arith.constant 0 : index
    %get3A_3 = arith.constant 0 : index
    %get3A_4 = vector.load %arg4[%get3A_2, %get3A_3] : memref<128x128xf32, #tpu.memory_space<vmem>>, vector<128x128xf32>
    %dot_general3A = arith.constant dense<0.000000e+00> : vector<640x128xf32>
    %dot_general3A_5 = tpu.matmul %get3A_1, %get3A_4, %dot_general3A {dimension_numbers = #tpu.dot_dimension_numbers<[1], [0], [0], [1], [0, 0, 1, 1], [], []>, transpose_lhs_hint = false} : vector<640x128xf32>, vector<128x128xf32>, vector<640x128xf32> -> vector<640x128xf32>
    %get3A_6 = arith.constant 0 : index
    %get3A_7 = arith.constant 0 : index
    %get3A_8 = vector.load %arg6[%get3A_6, %get3A_7] : memref<1x128xf32, #tpu.memory_space<vmem>>, vector<1x128xf32>
    %add3A = vector.broadcast %get3A_8 : vector<1x128xf32> to vector<640x128xf32>
    %add3A_9 = arith.addf %dot_general3A_5, %add3A : vector<640x128xf32>
    %get3A_10 = arith.constant 0 : index
    %get3A_11 = arith.constant 0 : index
    %get3A_12 = arith.constant 0 : index
    %get3A_13 = arith.constant 0 : index
    %get3A_14 = vector.load %arg2[%get3A_10, %get3A_11, %get3A_12, %get3A_13] : memref<2x8x640x128xf32, #tpu.memory_space<vmem>>, vector<1x1x640x128xf32>
    %get3A_15 = vector.shape_cast %get3A_14 : vector<1x1x640x128xf32> to vector<640x128xf32>
    %get3A_16 = arith.constant 1 : index
    %get3A_17 = arith.constant 0 : index
    %get3A_18 = arith.constant 0 : index
    %get3A_19 = arith.constant 0 : index
    %get3A_20 = vector.load %arg2[%get3A_16, %get3A_17, %get3A_18, %get3A_19] : memref<2x8x640x128xf32, #tpu.memory_space<vmem>>, vector<1x1x640x128xf32>
    %get3A_21 = vector.shape_cast %get3A_20 : vector<1x1x640x128xf32> to vector<640x128xf32>
    %add3A_22 = arith.addf %get3A_15, %get3A_21 : vector<640x128xf32>
    %sub3A = arith.constant 0.000000e+00 : f32
    %sub3A_23 = vector.broadcast %sub3A : f32 to vector<640x128xf32>
    %sub3A_24 = arith.subf %add3A_22, %sub3A_23 : vector<640x128xf32>
    %get3A_25 = arith.constant 0 : index
    %get3A_26 = arith.constant 0 : index
    %get3A_27 = arith.constant 0 : index
    %get3A_28 = vector.load %arg3[%get3A_25, %get3A_26, %get3A_27] : memref<2x640x128xf32, #tpu.memory_space<vmem>>, vector<1x640x1xf32>
    %get3A_29 = vector.shape_cast %get3A_28 : vector<1x640x1xf32> to vector<640xf32>
    %get3A_30 = arith.constant 1 : index
    %get3A_31 = arith.constant 0 : index
    %get3A_32 = arith.constant 0 : index
    %get3A_33 = vector.load %arg3[%get3A_30, %get3A_31, %get3A_32] : memref<2x640x128xf32, #tpu.memory_space<vmem>>, vector<1x640x1xf32>
    %get3A_34 = vector.shape_cast %get3A_33 : vector<1x640x1xf32> to vector<640xf32>
    %add3A_35 = arith.addf %get3A_29, %get3A_34 : vector<640xf32>
    %max3A = arith.constant 1.000000e+00 : f32
    %max3A_36 = vector.broadcast %max3A : f32 to vector<640xf32>
    %max3A_37 = arith.maximumf %add3A_35, %max3A_36 : vector<640xf32>
    %broadcast_in_dim3A = vector.shape_cast %max3A_37 : vector<640xf32> to vector<640x1xf32>
    %div3A = vector.broadcast %broadcast_in_dim3A : vector<640x1xf32> to vector<640x128xf32>
    %div3A_38 = arith.divf %sub3A_24, %div3A : vector<640x128xf32>
    %get3A_39 = arith.constant 0 : index
    %get3A_40 = arith.constant 0 : index
    %get3A_41 = arith.constant 0 : index
    %get3A_42 = vector.load %arg5[%get3A_39, %get3A_40, %get3A_41] : memref<8x128x128xf32, #tpu.memory_space<vmem>>, vector<1x128x128xf32>
    %get3A_43 = vector.shape_cast %get3A_42 : vector<1x128x128xf32> to vector<128x128xf32>
    %dot_general3A_44 = arith.constant dense<0.000000e+00> : vector<640x128xf32>
    %dot_general3A_45 = tpu.matmul %div3A_38, %get3A_43, %dot_general3A_44 {dimension_numbers = #tpu.dot_dimension_numbers<[1], [0], [0], [1], [0, 0, 1, 1], [], []>, transpose_lhs_hint = false} : vector<640x128xf32>, vector<128x128xf32>, vector<640x128xf32> -> vector<640x128xf32>
    %add3A_46 = arith.addf %add3A_9, %dot_general3A_45 : vector<640x128xf32>
    %get3A_47 = arith.constant 0 : index
    %get3A_48 = arith.constant 1 : index
    %get3A_49 = arith.constant 0 : index
    %get3A_50 = arith.constant 0 : index
    %get3A_51 = vector.load %arg2[%get3A_47, %get3A_48, %get3A_49, %get3A_50] : memref<2x8x640x128xf32, #tpu.memory_space<vmem>>, vector<1x1x640x128xf32>
    %get3A_52 = vector.shape_cast %get3A_51 : vector<1x1x640x128xf32> to vector<640x128xf32>
    %get3A_53 = arith.constant 1 : index
    %get3A_54 = arith.constant 1 : index
    %get3A_55 = arith.constant 0 : index
    %get3A_56 = arith.constant 0 : index
    %get3A_57 = vector.load %arg2[%get3A_53, %get3A_54, %get3A_55, %get3A_56] : memref<2x8x640x128xf32, #tpu.memory_space<vmem>>, vector<1x1x640x128xf32>
    %get3A_58 = vector.shape_cast %get3A_57 : vector<1x1x640x128xf32> to vector<640x128xf32>
    %add3A_59 = arith.addf %get3A_52, %get3A_58 : vector<640x128xf32>
    %sub3A_60 = arith.subf %add3A_59, %add3A_22 : vector<640x128xf32>
    %get3A_61 = arith.constant 0 : index
    %get3A_62 = arith.constant 0 : index
    %get3A_63 = arith.constant 1 : index
    %get3A_64 = vector.load %arg3[%get3A_61, %get3A_62, %get3A_63] : memref<2x640x128xf32, #tpu.memory_space<vmem>>, vector<1x640x1xf32>
    %get3A_65 = vector.shape_cast %get3A_64 : vector<1x640x1xf32> to vector<640xf32>
    %get3A_66 = arith.constant 1 : index
    %get3A_67 = arith.constant 0 : index
    %get3A_68 = arith.constant 1 : index
    %get3A_69 = vector.load %arg3[%get3A_66, %get3A_67, %get3A_68] : memref<2x640x128xf32, #tpu.memory_space<vmem>>, vector<1x640x1xf32>
    %get3A_70 = vector.shape_cast %get3A_69 : vector<1x640x1xf32> to vector<640xf32>
    %add3A_71 = arith.addf %get3A_65, %get3A_70 : vector<640xf32>
    %max3A_72 = arith.constant 1.000000e+00 : f32
    %max3A_73 = vector.broadcast %max3A_72 : f32 to vector<640xf32>
    %max3A_74 = arith.maximumf %add3A_71, %max3A_73 : vector<640xf32>
    %broadcast_in_dim3A_75 = vector.shape_cast %max3A_74 : vector<640xf32> to vector<640x1xf32>
    %div3A_76 = vector.broadcast %broadcast_in_dim3A_75 : vector<640x1xf32> to vector<640x128xf32>
    %div3A_77 = arith.divf %sub3A_60, %div3A_76 : vector<640x128xf32>
    %get3A_78 = arith.constant 1 : index
    %get3A_79 = arith.constant 0 : index
    %get3A_80 = arith.constant 0 : index
    %get3A_81 = vector.load %arg5[%get3A_78, %get3A_79, %get3A_80] : memref<8x128x128xf32, #tpu.memory_space<vmem>>, vector<1x128x128xf32>
    %get3A_82 = vector.shape_cast %get3A_81 : vector<1x128x128xf32> to vector<128x128xf32>
    %dot_general3A_83 = arith.constant dense<0.000000e+00> : vector<640x128xf32>
    %dot_general3A_84 = tpu.matmul %div3A_77, %get3A_82, %dot_general3A_83 {dimension_numbers = #tpu.dot_dimension_numbers<[1], [0], [0], [1], [0, 0, 1, 1], [], []>, transpose_lhs_hint = false} : vector<640x128xf32>, vector<128x128xf32>, vector<640x128xf32> -> vector<640x128xf32>
    %add3A_85 = arith.addf %add3A_46, %dot_general3A_84 : vector<640x128xf32>
    %get3A_86 = arith.constant 0 : index
    %get3A_87 = arith.constant 2 : index
    %get3A_88 = arith.constant 0 : index
    %get3A_89 = arith.constant 0 : index
    %get3A_90 = vector.load %arg2[%get3A_86, %get3A_87, %get3A_88, %get3A_89] : memref<2x8x640x128xf32, #tpu.memory_space<vmem>>, vector<1x1x640x128xf32>
    %get3A_91 = vector.shape_cast %get3A_90 : vector<1x1x640x128xf32> to vector<640x128xf32>
    %get3A_92 = arith.constant 1 : index
    %get3A_93 = arith.constant 2 : index
    %get3A_94 = arith.constant 0 : index
    %get3A_95 = arith.constant 0 : index
    %get3A_96 = vector.load %arg2[%get3A_92, %get3A_93, %get3A_94, %get3A_95] : memref<2x8x640x128xf32, #tpu.memory_space<vmem>>, vector<1x1x640x128xf32>
    %get3A_97 = vector.shape_cast %get3A_96 : vector<1x1x640x128xf32> to vector<640x128xf32>
    %add3A_98 = arith.addf %get3A_91, %get3A_97 : vector<640x128xf32>
    %sub3A_99 = arith.subf %add3A_98, %add3A_59 : vector<640x128xf32>
    %get3A_100 = arith.constant 0 : index
    %get3A_101 = arith.constant 0 : index
    %get3A_102 = arith.constant 2 : index
    %get3A_103 = vector.load %arg3[%get3A_100, %get3A_101, %get3A_102] : memref<2x640x128xf32, #tpu.memory_space<vmem>>, vector<1x640x1xf32>
    %get3A_104 = vector.shape_cast %get3A_103 : vector<1x640x1xf32> to vector<640xf32>
    %get3A_105 = arith.constant 1 : index
    %get3A_106 = arith.constant 0 : index
    %get3A_107 = arith.constant 2 : index
    %get3A_108 = vector.load %arg3[%get3A_105, %get3A_106, %get3A_107] : memref<2x640x128xf32, #tpu.memory_space<vmem>>, vector<1x640x1xf32>
    %get3A_109 = vector.shape_cast %get3A_108 : vector<1x640x1xf32> to vector<640xf32>
    %add3A_110 = arith.addf %get3A_104, %get3A_109 : vector<640xf32>
    %max3A_111 = arith.constant 1.000000e+00 : f32
    %max3A_112 = vector.broadcast %max3A_111 : f32 to vector<640xf32>
    %max3A_113 = arith.maximumf %add3A_110, %max3A_112 : vector<640xf32>
    %broadcast_in_dim3A_114 = vector.shape_cast %max3A_113 : vector<640xf32> to vector<640x1xf32>
    %div3A_115 = vector.broadcast %broadcast_in_dim3A_114 : vector<640x1xf32> to vector<640x128xf32>
    %div3A_116 = arith.divf %sub3A_99, %div3A_115 : vector<640x128xf32>
    %get3A_117 = arith.constant 2 : index
    %get3A_118 = arith.constant 0 : index
    %get3A_119 = arith.constant 0 : index
    %get3A_120 = vector.load %arg5[%get3A_117, %get3A_118, %get3A_119] : memref<8x128x128xf32, #tpu.memory_space<vmem>>, vector<1x128x128xf32>
    %get3A_121 = vector.shape_cast %get3A_120 : vector<1x128x128xf32> to vector<128x128xf32>
    %dot_general3A_122 = arith.constant dense<0.000000e+00> : vector<640x128xf32>
    %dot_general3A_123 = tpu.matmul %div3A_116, %get3A_121, %dot_general3A_122 {dimension_numbers = #tpu.dot_dimension_numbers<[1], [0], [0], [1], [0, 0, 1, 1], [], []>, transpose_lhs_hint = false} : vector<640x128xf32>, vector<128x128xf32>, vector<640x128xf32> -> vector<640x128xf32>
    %add3A_124 = arith.addf %add3A_85, %dot_general3A_123 : vector<640x128xf32>
    %get3A_125 = arith.constant 0 : index
    %get3A_126 = arith.constant 3 : index
    %get3A_127 = arith.constant 0 : index
    %get3A_128 = arith.constant 0 : index
    %get3A_129 = vector.load %arg2[%get3A_125, %get3A_126, %get3A_127, %get3A_128] : memref<2x8x640x128xf32, #tpu.memory_space<vmem>>, vector<1x1x640x128xf32>
    %get3A_130 = vector.shape_cast %get3A_129 : vector<1x1x640x128xf32> to vector<640x128xf32>
    %get3A_131 = arith.constant 1 : index
    %get3A_132 = arith.constant 3 : index
    %get3A_133 = arith.constant 0 : index
    %get3A_134 = arith.constant 0 : index
    %get3A_135 = vector.load %arg2[%get3A_131, %get3A_132, %get3A_133, %get3A_134] : memref<2x8x640x128xf32, #tpu.memory_space<vmem>>, vector<1x1x640x128xf32>
    %get3A_136 = vector.shape_cast %get3A_135 : vector<1x1x640x128xf32> to vector<640x128xf32>
    %add3A_137 = arith.addf %get3A_130, %get3A_136 : vector<640x128xf32>
    %sub3A_138 = arith.subf %add3A_137, %add3A_98 : vector<640x128xf32>
    %get3A_139 = arith.constant 0 : index
    %get3A_140 = arith.constant 0 : index
    %get3A_141 = arith.constant 3 : index
    %get3A_142 = vector.load %arg3[%get3A_139, %get3A_140, %get3A_141] : memref<2x640x128xf32, #tpu.memory_space<vmem>>, vector<1x640x1xf32>
    %get3A_143 = vector.shape_cast %get3A_142 : vector<1x640x1xf32> to vector<640xf32>
    %get3A_144 = arith.constant 1 : index
    %get3A_145 = arith.constant 0 : index
    %get3A_146 = arith.constant 3 : index
    %get3A_147 = vector.load %arg3[%get3A_144, %get3A_145, %get3A_146] : memref<2x640x128xf32, #tpu.memory_space<vmem>>, vector<1x640x1xf32>
    %get3A_148 = vector.shape_cast %get3A_147 : vector<1x640x1xf32> to vector<640xf32>
    %add3A_149 = arith.addf %get3A_143, %get3A_148 : vector<640xf32>
    %max3A_150 = arith.constant 1.000000e+00 : f32
    %max3A_151 = vector.broadcast %max3A_150 : f32 to vector<640xf32>
    %max3A_152 = arith.maximumf %add3A_149, %max3A_151 : vector<640xf32>
    %broadcast_in_dim3A_153 = vector.shape_cast %max3A_152 : vector<640xf32> to vector<640x1xf32>
    %div3A_154 = vector.broadcast %broadcast_in_dim3A_153 : vector<640x1xf32> to vector<640x128xf32>
    %div3A_155 = arith.divf %sub3A_138, %div3A_154 : vector<640x128xf32>
    %get3A_156 = arith.constant 3 : index
    %get3A_157 = arith.constant 0 : index
    %get3A_158 = arith.constant 0 : index
    %get3A_159 = vector.load %arg5[%get3A_156, %get3A_157, %get3A_158] : memref<8x128x128xf32, #tpu.memory_space<vmem>>, vector<1x128x128xf32>
    %get3A_160 = vector.shape_cast %get3A_159 : vector<1x128x128xf32> to vector<128x128xf32>
    %dot_general3A_161 = arith.constant dense<0.000000e+00> : vector<640x128xf32>
    %dot_general3A_162 = tpu.matmul %div3A_155, %get3A_160, %dot_general3A_161 {dimension_numbers = #tpu.dot_dimension_numbers<[1], [0], [0], [1], [0, 0, 1, 1], [], []>, transpose_lhs_hint = false} : vector<640x128xf32>, vector<128x128xf32>, vector<640x128xf32> -> vector<640x128xf32>
    %add3A_163 = arith.addf %add3A_124, %dot_general3A_162 : vector<640x128xf32>
    %get3A_164 = arith.constant 0 : index
    %get3A_165 = arith.constant 4 : index
    %get3A_166 = arith.constant 0 : index
    %get3A_167 = arith.constant 0 : index
    %get3A_168 = vector.load %arg2[%get3A_164, %get3A_165, %get3A_166, %get3A_167] : memref<2x8x640x128xf32, #tpu.memory_space<vmem>>, vector<1x1x640x128xf32>
    %get3A_169 = vector.shape_cast %get3A_168 : vector<1x1x640x128xf32> to vector<640x128xf32>
    %get3A_170 = arith.constant 1 : index
    %get3A_171 = arith.constant 4 : index
    %get3A_172 = arith.constant 0 : index
    %get3A_173 = arith.constant 0 : index
    %get3A_174 = vector.load %arg2[%get3A_170, %get3A_171, %get3A_172, %get3A_173] : memref<2x8x640x128xf32, #tpu.memory_space<vmem>>, vector<1x1x640x128xf32>
    %get3A_175 = vector.shape_cast %get3A_174 : vector<1x1x640x128xf32> to vector<640x128xf32>
    %add3A_176 = arith.addf %get3A_169, %get3A_175 : vector<640x128xf32>
    %sub3A_177 = arith.subf %add3A_176, %add3A_137 : vector<640x128xf32>
    %get3A_178 = arith.constant 0 : index
    %get3A_179 = arith.constant 0 : index
    %get3A_180 = arith.constant 4 : index
    %get3A_181 = vector.load %arg3[%get3A_178, %get3A_179, %get3A_180] : memref<2x640x128xf32, #tpu.memory_space<vmem>>, vector<1x640x1xf32>
    %get3A_182 = vector.shape_cast %get3A_181 : vector<1x640x1xf32> to vector<640xf32>
    %get3A_183 = arith.constant 1 : index
    %get3A_184 = arith.constant 0 : index
    %get3A_185 = arith.constant 4 : index
    %get3A_186 = vector.load %arg3[%get3A_183, %get3A_184, %get3A_185] : memref<2x640x128xf32, #tpu.memory_space<vmem>>, vector<1x640x1xf32>
    %get3A_187 = vector.shape_cast %get3A_186 : vector<1x640x1xf32> to vector<640xf32>
    %add3A_188 = arith.addf %get3A_182, %get3A_187 : vector<640xf32>
    %max3A_189 = arith.constant 1.000000e+00 : f32
    %max3A_190 = vector.broadcast %max3A_189 : f32 to vector<640xf32>
    %max3A_191 = arith.maximumf %add3A_188, %max3A_190 : vector<640xf32>
    %broadcast_in_dim3A_192 = vector.shape_cast %max3A_191 : vector<640xf32> to vector<640x1xf32>
    %div3A_193 = vector.broadcast %broadcast_in_dim3A_192 : vector<640x1xf32> to vector<640x128xf32>
    %div3A_194 = arith.divf %sub3A_177, %div3A_193 : vector<640x128xf32>
    %get3A_195 = arith.constant 4 : index
    %get3A_196 = arith.constant 0 : index
    %get3A_197 = arith.constant 0 : index
    %get3A_198 = vector.load %arg5[%get3A_195, %get3A_196, %get3A_197] : memref<8x128x128xf32, #tpu.memory_space<vmem>>, vector<1x128x128xf32>
    %get3A_199 = vector.shape_cast %get3A_198 : vector<1x128x128xf32> to vector<128x128xf32>
    %dot_general3A_200 = arith.constant dense<0.000000e+00> : vector<640x128xf32>
    %dot_general3A_201 = tpu.matmul %div3A_194, %get3A_199, %dot_general3A_200 {dimension_numbers = #tpu.dot_dimension_numbers<[1], [0], [0], [1], [0, 0, 1, 1], [], []>, transpose_lhs_hint = false} : vector<640x128xf32>, vector<128x128xf32>, vector<640x128xf32> -> vector<640x128xf32>
    %add3A_202 = arith.addf %add3A_163, %dot_general3A_201 : vector<640x128xf32>
    %get3A_203 = arith.constant 0 : index
    %get3A_204 = arith.constant 5 : index
    %get3A_205 = arith.constant 0 : index
    %get3A_206 = arith.constant 0 : index
    %get3A_207 = vector.load %arg2[%get3A_203, %get3A_204, %get3A_205, %get3A_206] : memref<2x8x640x128xf32, #tpu.memory_space<vmem>>, vector<1x1x640x128xf32>
    %get3A_208 = vector.shape_cast %get3A_207 : vector<1x1x640x128xf32> to vector<640x128xf32>
    %get3A_209 = arith.constant 1 : index
    %get3A_210 = arith.constant 5 : index
    %get3A_211 = arith.constant 0 : index
    %get3A_212 = arith.constant 0 : index
    %get3A_213 = vector.load %arg2[%get3A_209, %get3A_210, %get3A_211, %get3A_212] : memref<2x8x640x128xf32, #tpu.memory_space<vmem>>, vector<1x1x640x128xf32>
    %get3A_214 = vector.shape_cast %get3A_213 : vector<1x1x640x128xf32> to vector<640x128xf32>
    %add3A_215 = arith.addf %get3A_208, %get3A_214 : vector<640x128xf32>
    %sub3A_216 = arith.subf %add3A_215, %add3A_176 : vector<640x128xf32>
    %get3A_217 = arith.constant 0 : index
    %get3A_218 = arith.constant 0 : index
    %get3A_219 = arith.constant 5 : index
    %get3A_220 = vector.load %arg3[%get3A_217, %get3A_218, %get3A_219] : memref<2x640x128xf32, #tpu.memory_space<vmem>>, vector<1x640x1xf32>
    %get3A_221 = vector.shape_cast %get3A_220 : vector<1x640x1xf32> to vector<640xf32>
    %get3A_222 = arith.constant 1 : index
    %get3A_223 = arith.constant 0 : index
    %get3A_224 = arith.constant 5 : index
    %get3A_225 = vector.load %arg3[%get3A_222, %get3A_223, %get3A_224] : memref<2x640x128xf32, #tpu.memory_space<vmem>>, vector<1x640x1xf32>
    %get3A_226 = vector.shape_cast %get3A_225 : vector<1x640x1xf32> to vector<640xf32>
    %add3A_227 = arith.addf %get3A_221, %get3A_226 : vector<640xf32>
    %max3A_228 = arith.constant 1.000000e+00 : f32
    %max3A_229 = vector.broadcast %max3A_228 : f32 to vector<640xf32>
    %max3A_230 = arith.maximumf %add3A_227, %max3A_229 : vector<640xf32>
    %broadcast_in_dim3A_231 = vector.shape_cast %max3A_230 : vector<640xf32> to vector<640x1xf32>
    %div3A_232 = vector.broadcast %broadcast_in_dim3A_231 : vector<640x1xf32> to vector<640x128xf32>
    %div3A_233 = arith.divf %sub3A_216, %div3A_232 : vector<640x128xf32>
    %get3A_234 = arith.constant 5 : index
    %get3A_235 = arith.constant 0 : index
    %get3A_236 = arith.constant 0 : index
    %get3A_237 = vector.load %arg5[%get3A_234, %get3A_235, %get3A_236] : memref<8x128x128xf32, #tpu.memory_space<vmem>>, vector<1x128x128xf32>
    %get3A_238 = vector.shape_cast %get3A_237 : vector<1x128x128xf32> to vector<128x128xf32>
    %dot_general3A_239 = arith.constant dense<0.000000e+00> : vector<640x128xf32>
    %dot_general3A_240 = tpu.matmul %div3A_233, %get3A_238, %dot_general3A_239 {dimension_numbers = #tpu.dot_dimension_numbers<[1], [0], [0], [1], [0, 0, 1, 1], [], []>, transpose_lhs_hint = false} : vector<640x128xf32>, vector<128x128xf32>, vector<640x128xf32> -> vector<640x128xf32>
    %add3A_241 = arith.addf %add3A_202, %dot_general3A_240 : vector<640x128xf32>
    %get3A_242 = arith.constant 0 : index
    %get3A_243 = arith.constant 6 : index
    %get3A_244 = arith.constant 0 : index
    %get3A_245 = arith.constant 0 : index
    %get3A_246 = vector.load %arg2[%get3A_242, %get3A_243, %get3A_244, %get3A_245] : memref<2x8x640x128xf32, #tpu.memory_space<vmem>>, vector<1x1x640x128xf32>
    %get3A_247 = vector.shape_cast %get3A_246 : vector<1x1x640x128xf32> to vector<640x128xf32>
    %get3A_248 = arith.constant 1 : index
    %get3A_249 = arith.constant 6 : index
    %get3A_250 = arith.constant 0 : index
    %get3A_251 = arith.constant 0 : index
    %get3A_252 = vector.load %arg2[%get3A_248, %get3A_249, %get3A_250, %get3A_251] : memref<2x8x640x128xf32, #tpu.memory_space<vmem>>, vector<1x1x640x128xf32>
    %get3A_253 = vector.shape_cast %get3A_252 : vector<1x1x640x128xf32> to vector<640x128xf32>
    %add3A_254 = arith.addf %get3A_247, %get3A_253 : vector<640x128xf32>
    %sub3A_255 = arith.subf %add3A_254, %add3A_215 : vector<640x128xf32>
    %get3A_256 = arith.constant 0 : index
    %get3A_257 = arith.constant 0 : index
    %get3A_258 = arith.constant 6 : index
    %get3A_259 = vector.load %arg3[%get3A_256, %get3A_257, %get3A_258] : memref<2x640x128xf32, #tpu.memory_space<vmem>>, vector<1x640x1xf32>
    %get3A_260 = vector.shape_cast %get3A_259 : vector<1x640x1xf32> to vector<640xf32>
    %get3A_261 = arith.constant 1 : index
    %get3A_262 = arith.constant 0 : index
    %get3A_263 = arith.constant 6 : index
    %get3A_264 = vector.load %arg3[%get3A_261, %get3A_262, %get3A_263] : memref<2x640x128xf32, #tpu.memory_space<vmem>>, vector<1x640x1xf32>
    %get3A_265 = vector.shape_cast %get3A_264 : vector<1x640x1xf32> to vector<640xf32>
    %add3A_266 = arith.addf %get3A_260, %get3A_265 : vector<640xf32>
    %max3A_267 = arith.constant 1.000000e+00 : f32
    %max3A_268 = vector.broadcast %max3A_267 : f32 to vector<640xf32>
    %max3A_269 = arith.maximumf %add3A_266, %max3A_268 : vector<640xf32>
    %broadcast_in_dim3A_270 = vector.shape_cast %max3A_269 : vector<640xf32> to vector<640x1xf32>
    %div3A_271 = vector.broadcast %broadcast_in_dim3A_270 : vector<640x1xf32> to vector<640x128xf32>
    %div3A_272 = arith.divf %sub3A_255, %div3A_271 : vector<640x128xf32>
    %get3A_273 = arith.constant 6 : index
    %get3A_274 = arith.constant 0 : index
    %get3A_275 = arith.constant 0 : index
    %get3A_276 = vector.load %arg5[%get3A_273, %get3A_274, %get3A_275] : memref<8x128x128xf32, #tpu.memory_space<vmem>>, vector<1x128x128xf32>
    %get3A_277 = vector.shape_cast %get3A_276 : vector<1x128x128xf32> to vector<128x128xf32>
    %dot_general3A_278 = arith.constant dense<0.000000e+00> : vector<640x128xf32>
    %dot_general3A_279 = tpu.matmul %div3A_272, %get3A_277, %dot_general3A_278 {dimension_numbers = #tpu.dot_dimension_numbers<[1], [0], [0], [1], [0, 0, 1, 1], [], []>, transpose_lhs_hint = false} : vector<640x128xf32>, vector<128x128xf32>, vector<640x128xf32> -> vector<640x128xf32>
    %add3A_280 = arith.addf %add3A_241, %dot_general3A_279 : vector<640x128xf32>
    %get3A_281 = arith.constant 0 : index
    %get3A_282 = arith.constant 7 : index
    %get3A_283 = arith.constant 0 : index
    %get3A_284 = arith.constant 0 : index
    %get3A_285 = vector.load %arg2[%get3A_281, %get3A_282, %get3A_283, %get3A_284] : memref<2x8x640x128xf32, #tpu.memory_space<vmem>>, vector<1x1x640x128xf32>
    %get3A_286 = vector.shape_cast %get3A_285 : vector<1x1x640x128xf32> to vector<640x128xf32>
    %get3A_287 = arith.constant 1 : index
    %get3A_288 = arith.constant 7 : index
    %get3A_289 = arith.constant 0 : index
    %get3A_290 = arith.constant 0 : index
    %get3A_291 = vector.load %arg2[%get3A_287, %get3A_288, %get3A_289, %get3A_290] : memref<2x8x640x128xf32, #tpu.memory_space<vmem>>, vector<1x1x640x128xf32>
    %get3A_292 = vector.shape_cast %get3A_291 : vector<1x1x640x128xf32> to vector<640x128xf32>
    %add3A_293 = arith.addf %get3A_286, %get3A_292 : vector<640x128xf32>
    %sub3A_294 = arith.subf %add3A_293, %add3A_254 : vector<640x128xf32>
    %get3A_295 = arith.constant 0 : index
    %get3A_296 = arith.constant 0 : index
    %get3A_297 = arith.constant 7 : index
    %get3A_298 = vector.load %arg3[%get3A_295, %get3A_296, %get3A_297] : memref<2x640x128xf32, #tpu.memory_space<vmem>>, vector<1x640x1xf32>
    %get3A_299 = vector.shape_cast %get3A_298 : vector<1x640x1xf32> to vector<640xf32>
    %get3A_300 = arith.constant 1 : index
    %get3A_301 = arith.constant 0 : index
    %get3A_302 = arith.constant 7 : index
    %get3A_303 = vector.load %arg3[%get3A_300, %get3A_301, %get3A_302] : memref<2x640x128xf32, #tpu.memory_space<vmem>>, vector<1x640x1xf32>
    %get3A_304 = vector.shape_cast %get3A_303 : vector<1x640x1xf32> to vector<640xf32>
    %add3A_305 = arith.addf %get3A_299, %get3A_304 : vector<640xf32>
    %max3A_306 = arith.constant 1.000000e+00 : f32
    %max3A_307 = vector.broadcast %max3A_306 : f32 to vector<640xf32>
    %max3A_308 = arith.maximumf %add3A_305, %max3A_307 : vector<640xf32>
    %broadcast_in_dim3A_309 = vector.shape_cast %max3A_308 : vector<640xf32> to vector<640x1xf32>
    %div3A_310 = vector.broadcast %broadcast_in_dim3A_309 : vector<640x1xf32> to vector<640x128xf32>
    %div3A_311 = arith.divf %sub3A_294, %div3A_310 : vector<640x128xf32>
    %get3A_312 = arith.constant 7 : index
    %get3A_313 = arith.constant 0 : index
    %get3A_314 = arith.constant 0 : index
    %get3A_315 = vector.load %arg5[%get3A_312, %get3A_313, %get3A_314] : memref<8x128x128xf32, #tpu.memory_space<vmem>>, vector<1x128x128xf32>
    %get3A_316 = vector.shape_cast %get3A_315 : vector<1x128x128xf32> to vector<128x128xf32>
    %dot_general3A_317 = arith.constant dense<0.000000e+00> : vector<640x128xf32>
    %dot_general3A_318 = tpu.matmul %div3A_311, %get3A_316, %dot_general3A_317 {dimension_numbers = #tpu.dot_dimension_numbers<[1], [0], [0], [1], [0, 0, 1, 1], [], []>, transpose_lhs_hint = false} : vector<640x128xf32>, vector<128x128xf32>, vector<640x128xf32> -> vector<640x128xf32>
    %add3A_319 = arith.addf %add3A_280, %dot_general3A_318 : vector<640x128xf32>
    %swap3A = arith.constant 0 : index
    %swap3A_320 = arith.constant 0 : index
    %swap3A_321 = vector.load %arg7[%swap3A, %swap3A_320] : memref<640x128xf32, #tpu.memory_space<vmem>>, vector<640x128xf32>
    tpu.vector_store %arg7[%swap3A, %swap3A_320], %add3A_319 {strides = array<i32>} : memref<640x128xf32, #tpu.memory_space<vmem>>, vector<640x128xf32>,
    %iota3A = tpu.iota {dimensions = array<i32: 0>} : vector<640x1xi32>
    %mul3A = arith.constant 640 : i32
    %mul3A_322 = arith.muli %arg0, %mul3A : i32
    %add3A_323 = vector.broadcast %mul3A_322 : i32 to vector<640x1xi32>
    %add3A_324 = arith.addi %iota3A, %add3A_323 : vector<640x1xi32>
    %lt3A = arith.constant 10000 : i32
    %lt3A_325 = vector.broadcast %lt3A : i32 to vector<640x1xi32>
    %lt3A_326 = arith.cmpi slt, %add3A_324, %lt3A_325 : vector<640x1xi32>
    %jit3A = arith.constant 0.000000e+00 : f32
    %broadcast_in_dim3A_327 = vector.shape_cast %lt3A_326 : vector<640x1xi1> to vector<640x1xi1>
    %broadcast_in_dim3A_328 = vector.broadcast %broadcast_in_dim3A_327 : vector<640x1xi1> to vector<640x128xi1>
    %broadcast_in_dim3A_329 = vector.broadcast %jit3A : f32 to vector<640x128xf32>
    %select_n3A = arith.select %broadcast_in_dim3A_328, %add3A_319, %broadcast_in_dim3A_329 : vector<640x128xi1>, vector<640x128xf32>
    %reduce_sum3A = arith.constant dense<0.000000e+00> : vector<128xf32>
    %reduce_sum3A_330 = vector.multi_reduction <add>, %select_n3A, %reduce_sum3A [0] : vector<640x128xf32> to vector<128xf32>
    %broadcast_in_dim3A_331 = vector.shape_cast %reduce_sum3A_330 : vector<128xf32> to vector<1x128xf32>
    %mul3A_332 = arith.mulf %select_n3A, %select_n3A : vector<640x128xf32>
    %reduce_sum3A_333 = arith.constant dense<0.000000e+00> : vector<128xf32>
    %reduce_sum3A_334 = vector.multi_reduction <add>, %mul3A_332, %reduce_sum3A_333 [0] : vector<640x128xf32> to vector<128xf32>
    %broadcast_in_dim3A_335 = vector.shape_cast %reduce_sum3A_334 : vector<128xf32> to vector<1x128xf32>
    %broadcast_in_dim3A_336 = arith.constant 0.000000e+00 : f32
    %broadcast_in_dim3A_337 = vector.broadcast %broadcast_in_dim3A_336 : f32 to vector<6x128xf32>
    %concatenate3A = tpu.concatenate %broadcast_in_dim3A_331, %broadcast_in_dim3A_335, %broadcast_in_dim3A_337 in 0 : vector<1x128xf32>, vector<1x128xf32>, vector<6x128xf32> -> vector<8x128xf32>
    %broadcast_in_dim3A_338 = vector.shape_cast %concatenate3A : vector<8x128xf32> to vector<1x8x128xf32>
    %swap3A_339 = arith.constant 0 : index
    %swap3A_340 = arith.constant 0 : index
    %swap3A_341 = arith.constant 0 : index
    %swap3A_342 = vector.load %arg8[%swap3A_339, %swap3A_340, %swap3A_341] : memref<1x8x128xf32, #tpu.memory_space<vmem>>, vector<1x8x128xf32>
    tpu.vector_store %arg8[%swap3A_339, %swap3A_340, %swap3A_341], %broadcast_in_dim3A_338 {strides = array<i32>} : memref<1x8x128xf32, #tpu.memory_space<vmem>>, vector<1x8x128xf32>,
    return
  }
  func.func @transform_0(%arg0: i32) -> (i32, i32) {
    %c0_i32 = arith.constant 0 : i32
    %c0_i32_0 = arith.constant 0 : i32
    return %arg0, %c0_i32 : i32, i32
  }
  func.func @transform_1(%arg0: i32) -> (i32, i32, i32, i32) {
    %c0_i32 = arith.constant 0 : i32
    %c0_i32_0 = arith.constant 0 : i32
    %c0_i32_1 = arith.constant 0 : i32
    %c0_i32_2 = arith.constant 0 : i32
    return %c0_i32, %c0_i32_0, %arg0, %c0_i32_1 : i32, i32, i32, i32
  }
  func.func @transform_2(%arg0: i32) -> (i32, i32, i32) {
    %c0_i32 = arith.constant 0 : i32
    %c0_i32_0 = arith.constant 0 : i32
    %c0_i32_1 = arith.constant 0 : i32
    return %c0_i32, %arg0, %c0_i32_0 : i32, i32, i32
  }
  func.func @transform_3(%arg0: i32) -> (i32, i32) {
    %c0_i32 = arith.constant 0 : i32
    %c0_i32_0 = arith.constant 0 : i32
    %c0_i32_1 = arith.constant 0 : i32
    return %c0_i32, %c0_i32_0 : i32, i32
  }
  func.func @transform_4(%arg0: i32) -> (i32, i32, i32) {
    %c0_i32 = arith.constant 0 : i32
    %c0_i32_0 = arith.constant 0 : i32
    %c0_i32_1 = arith.constant 0 : i32
    %c0_i32_2 = arith.constant 0 : i32
    return %c0_i32, %c0_i32_0, %c0_i32_1 : i32, i32, i32
  }
  func.func @transform_5(%arg0: i32) -> (i32, i32) {
    %c0_i32 = arith.constant 0 : i32
    %c0_i32_0 = arith.constant 0 : i32
    %c0_i32_1 = arith.constant 0 : i32
    return %c0_i32, %c0_i32_0 : i32, i32
  }
  func.func @transform_6(%arg0: i32) -> (i32, i32) {
    %c0_i32 = arith.constant 0 : i32
    %c0_i32_0 = arith.constant 0 : i32
    return %arg0, %c0_i32 : i32, i32
  }
  func.func @transform_7(%arg0: i32) -> (i32, i32, i32) {
    %c0_i32 = arith.constant 0 : i32
    %c0_i32_0 = arith.constant 0 : i32
    %c0_i32_1 = arith.constant 0 : i32
    return %arg0, %c0_i32, %c0_i32_0 : i32, i32, i32
  }
}

module attributes {stable_mosaic.version = 14 : i64} {
  func.func @_t3_body(%arg0: i32, %arg1: memref<640x128xf32, #tpu.memory_space<vmem>>, %arg2: memref<16x8x128xf32, #tpu.memory_space<vmem>>, %arg3: memref<640x128xf32, #tpu.memory_space<vmem>>, %arg4: memref<1x128xf32, #tpu.memory_space<vmem>>, %arg5: memref<1x128xf32, #tpu.memory_space<vmem>>, %arg6: memref<640x128xf32, #tpu.memory_space<vmem>>) attributes {dimension_semantics = [#tpu.dimension_semantics<arbitrary>], iteration_bounds = array<i64: 16>, scalar_prefetch = 0 : i64, scratch_operands = 0 : i64, tpu.core_type = #tpu.core_type<tc>, window_params = [{transform_indices = @transform_0, window_bounds = array<i64: 640, 128>}, {pipeline_mode = #tpu.pipeline_mode<synchronous>, transform_indices = @transform_1, window_bounds = array<i64: 16, 8, 128>}, {transform_indices = @transform_2, window_bounds = array<i64: 640, 128>}, {pipeline_mode = #tpu.pipeline_mode<synchronous>, transform_indices = @transform_3, window_bounds = array<i64: 1, 128>}, {pipeline_mode = #tpu.pipeline_mode<synchronous>, transform_indices = @transform_4, window_bounds = array<i64: 1, 128>}, {transform_indices = @transform_5, window_bounds = array<i64: 640, 128>}]} {
    %get3A = arith.constant 0 : index
    %get3A_0 = arith.constant 0 : index
    %get3A_1 = arith.constant 0 : index
    %get3A_2 = vector.load %arg2[%get3A, %get3A_0, %get3A_1] : memref<16x8x128xf32, #tpu.memory_space<vmem>>, vector<16x1x128xf32>
    %get3A_3 = vector.shape_cast %get3A_2 : vector<16x1x128xf32> to vector<16x128xf32>
    %reduce_sum3A = arith.constant dense<0.000000e+00> : vector<128xf32>
    %reduce_sum3A_4 = vector.multi_reduction <add>, %get3A_3, %reduce_sum3A [0] : vector<16x128xf32> to vector<128xf32>
    %div3A = arith.constant 1.000000e+04 : f32
    %div3A_5 = vector.broadcast %div3A : f32 to vector<128xf32>
    %div3A_6 = arith.divf %reduce_sum3A_4, %div3A_5 : vector<128xf32>
    %get3A_7 = arith.constant 0 : index
    %get3A_8 = arith.constant 1 : index
    %get3A_9 = arith.constant 0 : index
    %get3A_10 = vector.load %arg2[%get3A_7, %get3A_8, %get3A_9] : memref<16x8x128xf32, #tpu.memory_space<vmem>>, vector<16x1x128xf32>
    %get3A_11 = vector.shape_cast %get3A_10 : vector<16x1x128xf32> to vector<16x128xf32>
    %reduce_sum3A_12 = arith.constant dense<0.000000e+00> : vector<128xf32>
    %reduce_sum3A_13 = vector.multi_reduction <add>, %get3A_11, %reduce_sum3A_12 [0] : vector<16x128xf32> to vector<128xf32>
    %div3A_14 = arith.constant 1.000000e+04 : f32
    %div3A_15 = vector.broadcast %div3A_14 : f32 to vector<128xf32>
    %div3A_16 = arith.divf %reduce_sum3A_13, %div3A_15 : vector<128xf32>
    %mul3A = arith.mulf %div3A_6, %div3A_6 : vector<128xf32>
    %sub3A = arith.subf %div3A_16, %mul3A : vector<128xf32>
    %get3A_17 = arith.constant 0 : index
    %get3A_18 = arith.constant 0 : index
    %get3A_19 = vector.load %arg1[%get3A_17, %get3A_18] : memref<640x128xf32, #tpu.memory_space<vmem>>, vector<640x128xf32>
    %broadcast_in_dim3A = vector.shape_cast %div3A_6 : vector<128xf32> to vector<1x128xf32>
    %sub3A_20 = vector.broadcast %broadcast_in_dim3A : vector<1x128xf32> to vector<640x128xf32>
    %sub3A_21 = arith.subf %get3A_19, %sub3A_20 : vector<640x128xf32>
    %add3A = arith.constant 9.99999974E-6 : f32
    %add3A_22 = vector.broadcast %add3A : f32 to vector<128xf32>
    %add3A_23 = arith.addf %sub3A, %add3A_22 : vector<128xf32>
    %rsqrt3A = math.rsqrt %add3A_23 : vector<128xf32>
    %broadcast_in_dim3A_24 = vector.shape_cast %rsqrt3A : vector<128xf32> to vector<1x128xf32>
    %mul3A_25 = vector.broadcast %broadcast_in_dim3A_24 : vector<1x128xf32> to vector<640x128xf32>
    %mul3A_26 = arith.mulf %sub3A_21, %mul3A_25 : vector<640x128xf32>
    %get3A_27 = arith.constant 0 : index
    %get3A_28 = arith.constant 0 : index
    %get3A_29 = vector.load %arg4[%get3A_27, %get3A_28] : memref<1x128xf32, #tpu.memory_space<vmem>>, vector<1x128xf32>
    %mul3A_30 = vector.broadcast %get3A_29 : vector<1x128xf32> to vector<640x128xf32>
    %mul3A_31 = arith.mulf %mul3A_26, %mul3A_30 : vector<640x128xf32>
    %get3A_32 = arith.constant 0 : index
    %get3A_33 = arith.constant 0 : index
    %get3A_34 = vector.load %arg5[%get3A_32, %get3A_33] : memref<1x128xf32, #tpu.memory_space<vmem>>, vector<1x128xf32>
    %add3A_35 = vector.broadcast %get3A_34 : vector<1x128xf32> to vector<640x128xf32>
    %add3A_36 = arith.addf %mul3A_31, %add3A_35 : vector<640x128xf32>
    %get3A_37 = arith.constant 0 : index
    %get3A_38 = arith.constant 0 : index
    %get3A_39 = vector.load %arg3[%get3A_37, %get3A_38] : memref<640x128xf32, #tpu.memory_space<vmem>>, vector<640x128xf32>
    %max3A = arith.constant 0.000000e+00 : f32
    %max3A_40 = vector.broadcast %max3A : f32 to vector<640x128xf32>
    %max3A_41 = arith.maximumf %add3A_36, %max3A_40 : vector<640x128xf32>
    %add3A_42 = arith.addf %get3A_39, %max3A_41 : vector<640x128xf32>
    %div3A_43 = arith.constant 2.000000e+00 : f32
    %div3A_44 = vector.broadcast %div3A_43 : f32 to vector<640x128xf32>
    %div3A_45 = arith.divf %add3A_42, %div3A_44 : vector<640x128xf32>
    %swap3A = arith.constant 0 : index
    %swap3A_46 = arith.constant 0 : index
    %swap3A_47 = vector.load %arg6[%swap3A, %swap3A_46] : memref<640x128xf32, #tpu.memory_space<vmem>>, vector<640x128xf32>
    tpu.vector_store %arg6[%swap3A, %swap3A_46], %div3A_45 {strides = array<i32>} : memref<640x128xf32, #tpu.memory_space<vmem>>, vector<640x128xf32>,
    return
  }
  func.func @transform_0(%arg0: i32) -> (i32, i32) {
    %c0_i32 = arith.constant 0 : i32
    %c0_i32_0 = arith.constant 0 : i32
    return %arg0, %c0_i32 : i32, i32
  }
  func.func @transform_1(%arg0: i32) -> (i32, i32, i32) {
    %c0_i32 = arith.constant 0 : i32
    %c0_i32_0 = arith.constant 0 : i32
    %c0_i32_1 = arith.constant 0 : i32
    %c0_i32_2 = arith.constant 0 : i32
    return %c0_i32, %c0_i32_0, %c0_i32_1 : i32, i32, i32
  }
  func.func @transform_2(%arg0: i32) -> (i32, i32) {
    %c0_i32 = arith.constant 0 : i32
    %c0_i32_0 = arith.constant 0 : i32
    return %arg0, %c0_i32 : i32, i32
  }
  func.func @transform_3(%arg0: i32) -> (i32, i32) {
    %c0_i32 = arith.constant 0 : i32
    %c0_i32_0 = arith.constant 0 : i32
    %c0_i32_1 = arith.constant 0 : i32
    return %c0_i32, %c0_i32_0 : i32, i32
  }
  func.func @transform_4(%arg0: i32) -> (i32, i32) {
    %c0_i32 = arith.constant 0 : i32
    %c0_i32_0 = arith.constant 0 : i32
    %c0_i32_1 = arith.constant 0 : i32
    return %c0_i32, %c0_i32_0 : i32, i32
  }
  func.func @transform_5(%arg0: i32) -> (i32, i32) {
    %c0_i32 = arith.constant 0 : i32
    %c0_i32_0 = arith.constant 0 : i32
    return %arg0, %c0_i32 : i32, i32
  }
}

module attributes {stable_mosaic.version = 14 : i64} {
  func.func @_t4_body(%arg0: i32, %arg1: memref<2048x128xf32, #tpu.memory_space<vmem>>, %arg2: memref<2048x128xf32, #tpu.memory_space<vmem>>, %arg3: memref<2048x16xf32, #tpu.memory_space<vmem>>, %arg4: memref<16x128xf32, #tpu.memory_space<vmem>>, %arg5: memref<1x128xf32, #tpu.memory_space<vmem>>, %arg6: memref<128x50xf32, #tpu.memory_space<vmem>>, %arg7: memref<128x50xf32, #tpu.memory_space<vmem>>, %arg8: memref<128x50xf32, #tpu.memory_space<vmem>>, %arg9: memref<1x50xf32, #tpu.memory_space<vmem>>, %arg10: memref<50x25xf32, #tpu.memory_space<vmem>>, %arg11: memref<1x25xf32, #tpu.memory_space<vmem>>, %arg12: memref<25x2xf32, #tpu.memory_space<vmem>>, %arg13: memref<1x2xf32, #tpu.memory_space<vmem>>, %arg14: memref<2048x2xf32, #tpu.memory_space<vmem>>) attributes {dimension_semantics = [#tpu.dimension_semantics<arbitrary>], iteration_bounds = array<i64: 80>, scalar_prefetch = 0 : i64, scratch_operands = 0 : i64, tpu.core_type = #tpu.core_type<tc>, window_params = [{transform_indices = @transform_0, window_bounds = array<i64: 2048, 128>}, {transform_indices = @transform_1, window_bounds = array<i64: 2048, 128>}, {transform_indices = @transform_2, window_bounds = array<i64: 2048, 16>}, {pipeline_mode = #tpu.pipeline_mode<synchronous>, transform_indices = @transform_3, window_bounds = array<i64: 16, 128>}, {pipeline_mode = #tpu.pipeline_mode<synchronous>, transform_indices = @transform_4, window_bounds = array<i64: 1, 128>}, {pipeline_mode = #tpu.pipeline_mode<synchronous>, transform_indices = @transform_5, window_bounds = array<i64: 128, 50>}, {pipeline_mode = #tpu.pipeline_mode<synchronous>, transform_indices = @transform_6, window_bounds = array<i64: 128, 50>}, {pipeline_mode = #tpu.pipeline_mode<synchronous>, transform_indices = @transform_7, window_bounds = array<i64: 128, 50>}, {pipeline_mode = #tpu.pipeline_mode<synchronous>, transform_indices = @transform_8, window_bounds = array<i64: 1, 50>}, {pipeline_mode = #tpu.pipeline_mode<synchronous>, transform_indices = @transform_9, window_bounds = array<i64: 50, 25>}, {pipeline_mode = #tpu.pipeline_mode<synchronous>, transform_indices = @transform_10, window_bounds = array<i64: 1, 25>}, {pipeline_mode = #tpu.pipeline_mode<synchronous>, transform_indices = @transform_11, window_bounds = array<i64: 25, 2>}, {pipeline_mode = #tpu.pipeline_mode<synchronous>, transform_indices = @transform_12, window_bounds = array<i64: 1, 2>}, {transform_indices = @transform_13, window_bounds = array<i64: 2048, 2>}]} {
    %get3A = arith.constant 0 : index
    %get3A_0 = arith.constant 0 : index
    %get3A_1 = vector.load %arg3[%get3A, %get3A_0] : memref<2048x16xf32, #tpu.memory_space<vmem>>, vector<2048x16xf32>
    %get3A_2 = arith.constant 0 : index
    %get3A_3 = arith.constant 0 : index
    %get3A_4 = vector.load %arg4[%get3A_2, %get3A_3] : memref<16x128xf32, #tpu.memory_space<vmem>>, vector<16x128xf32>
    %dot_general3A = arith.constant dense<0.000000e+00> : vector<2048x128xf32>
    %dot_general3A_5 = tpu.matmul %get3A_1, %get3A_4, %dot_general3A {dimension_numbers = #tpu.dot_dimension_numbers<[1], [0], [0], [1], [0, 0, 1, 1], [], []>, transpose_lhs_hint = false} : vector<2048x16xf32>, vector<16x128xf32>, vector<2048x128xf32> -> vector<2048x128xf32>
    %get3A_6 = arith.constant 0 : index
    %get3A_7 = arith.constant 0 : index
    %get3A_8 = vector.load %arg5[%get3A_6, %get3A_7] : memref<1x128xf32, #tpu.memory_space<vmem>>, vector<1x128xf32>
    %add3A = vector.broadcast %get3A_8 : vector<1x128xf32> to vector<2048x128xf32>
    %add3A_9 = arith.addf %dot_general3A_5, %add3A : vector<2048x128xf32>
    %get3A_10 = arith.constant 0 : index
    %get3A_11 = arith.constant 0 : index
    %get3A_12 = vector.load %arg1[%get3A_10, %get3A_11] : memref<2048x128xf32, #tpu.memory_space<vmem>>, vector<2048x128xf32>
    %max3A = arith.constant 0.000000e+00 : f32
    %max3A_13 = vector.broadcast %max3A : f32 to vector<2048x128xf32>
    %max3A_14 = arith.maximumf %get3A_12, %max3A_13 : vector<2048x128xf32>
    %get3A_15 = arith.constant 0 : index
    %get3A_16 = arith.constant 0 : index
    %get3A_17 = vector.load %arg6[%get3A_15, %get3A_16] : memref<128x50xf32, #tpu.memory_space<vmem>>, vector<128x50xf32>
    %dot_general3A_18 = arith.constant dense<0.000000e+00> : vector<2048x50xf32>
    %dot_general3A_19 = tpu.matmul %max3A_14, %get3A_17, %dot_general3A_18 {dimension_numbers = #tpu.dot_dimension_numbers<[1], [0], [0], [1], [0, 0, 1, 1], [], []>, transpose_lhs_hint = false} : vector<2048x128xf32>, vector<128x50xf32>, vector<2048x50xf32> -> vector<2048x50xf32>
    %get3A_20 = arith.constant 0 : index
    %get3A_21 = arith.constant 0 : index
    %get3A_22 = vector.load %arg2[%get3A_20, %get3A_21] : memref<2048x128xf32, #tpu.memory_space<vmem>>, vector<2048x128xf32>
    %max3A_23 = arith.constant 0.000000e+00 : f32
    %max3A_24 = vector.broadcast %max3A_23 : f32 to vector<2048x128xf32>
    %max3A_25 = arith.maximumf %get3A_22, %max3A_24 : vector<2048x128xf32>
    %get3A_26 = arith.constant 0 : index
    %get3A_27 = arith.constant 0 : index
    %get3A_28 = vector.load %arg7[%get3A_26, %get3A_27] : memref<128x50xf32, #tpu.memory_space<vmem>>, vector<128x50xf32>
    %dot_general3A_29 = arith.constant dense<0.000000e+00> : vector<2048x50xf32>
    %dot_general3A_30 = tpu.matmul %max3A_25, %get3A_28, %dot_general3A_29 {dimension_numbers = #tpu.dot_dimension_numbers<[1], [0], [0], [1], [0, 0, 1, 1], [], []>, transpose_lhs_hint = false} : vector<2048x128xf32>, vector<128x50xf32>, vector<2048x50xf32> -> vector<2048x50xf32>
    %add3A_31 = arith.addf %dot_general3A_19, %dot_general3A_30 : vector<2048x50xf32>
    %get3A_32 = arith.constant 0 : index
    %get3A_33 = arith.constant 0 : index
    %get3A_34 = vector.load %arg8[%get3A_32, %get3A_33] : memref<128x50xf32, #tpu.memory_space<vmem>>, vector<128x50xf32>
    %dot_general3A_35 = arith.constant dense<0.000000e+00> : vector<2048x50xf32>
    %dot_general3A_36 = tpu.matmul %add3A_9, %get3A_34, %dot_general3A_35 {dimension_numbers = #tpu.dot_dimension_numbers<[1], [0], [0], [1], [0, 0, 1, 1], [], []>, transpose_lhs_hint = false} : vector<2048x128xf32>, vector<128x50xf32>, vector<2048x50xf32> -> vector<2048x50xf32>
    %add3A_37 = arith.addf %add3A_31, %dot_general3A_36 : vector<2048x50xf32>
    %get3A_38 = arith.constant 0 : index
    %get3A_39 = arith.constant 0 : index
    %get3A_40 = vector.load %arg9[%get3A_38, %get3A_39] : memref<1x50xf32, #tpu.memory_space<vmem>>, vector<1x50xf32>
    %add3A_41 = vector.broadcast %get3A_40 : vector<1x50xf32> to vector<2048x50xf32>
    %add3A_42 = arith.addf %add3A_37, %add3A_41 : vector<2048x50xf32>
    %max3A_43 = arith.constant 0.000000e+00 : f32
    %max3A_44 = vector.broadcast %max3A_43 : f32 to vector<2048x50xf32>
    %max3A_45 = arith.maximumf %add3A_42, %max3A_44 : vector<2048x50xf32>
    %get3A_46 = arith.constant 0 : index
    %get3A_47 = arith.constant 0 : index
    %get3A_48 = vector.load %arg10[%get3A_46, %get3A_47] : memref<50x25xf32, #tpu.memory_space<vmem>>, vector<50x25xf32>
    %dot_general3A_49 = arith.constant dense<0.000000e+00> : vector<2048x25xf32>
    %dot_general3A_50 = tpu.matmul %max3A_45, %get3A_48, %dot_general3A_49 {dimension_numbers = #tpu.dot_dimension_numbers<[1], [0], [0], [1], [0, 0, 1, 1], [], []>, transpose_lhs_hint = false} : vector<2048x50xf32>, vector<50x25xf32>, vector<2048x25xf32> -> vector<2048x25xf32>
    %get3A_51 = arith.constant 0 : index
    %get3A_52 = arith.constant 0 : index
    %get3A_53 = vector.load %arg11[%get3A_51, %get3A_52] : memref<1x25xf32, #tpu.memory_space<vmem>>, vector<1x25xf32>
    %add3A_54 = vector.broadcast %get3A_53 : vector<1x25xf32> to vector<2048x25xf32>
    %add3A_55 = arith.addf %dot_general3A_50, %add3A_54 : vector<2048x25xf32>
    %max3A_56 = arith.constant 0.000000e+00 : f32
    %max3A_57 = vector.broadcast %max3A_56 : f32 to vector<2048x25xf32>
    %max3A_58 = arith.maximumf %add3A_55, %max3A_57 : vector<2048x25xf32>
    %get3A_59 = arith.constant 0 : index
    %get3A_60 = arith.constant 0 : index
    %get3A_61 = vector.load %arg12[%get3A_59, %get3A_60] : memref<25x2xf32, #tpu.memory_space<vmem>>, vector<25x2xf32>
    %dot_general3A_62 = arith.constant dense<0.000000e+00> : vector<2048x2xf32>
    %dot_general3A_63 = tpu.matmul %max3A_58, %get3A_61, %dot_general3A_62 {dimension_numbers = #tpu.dot_dimension_numbers<[1], [0], [0], [1], [0, 0, 1, 1], [], []>, transpose_lhs_hint = false} : vector<2048x25xf32>, vector<25x2xf32>, vector<2048x2xf32> -> vector<2048x2xf32>
    %get3A_64 = arith.constant 0 : index
    %get3A_65 = arith.constant 0 : index
    %get3A_66 = vector.load %arg13[%get3A_64, %get3A_65] : memref<1x2xf32, #tpu.memory_space<vmem>>, vector<1x2xf32>
    %add3A_67 = vector.broadcast %get3A_66 : vector<1x2xf32> to vector<2048x2xf32>
    %add3A_68 = arith.addf %dot_general3A_63, %add3A_67 : vector<2048x2xf32>
    %swap3A = arith.constant 0 : index
    %swap3A_69 = arith.constant 0 : index
    %swap3A_70 = vector.load %arg14[%swap3A, %swap3A_69] : memref<2048x2xf32, #tpu.memory_space<vmem>>, vector<2048x2xf32>
    tpu.vector_store %arg14[%swap3A, %swap3A_69], %add3A_68 {strides = array<i32>} : memref<2048x2xf32, #tpu.memory_space<vmem>>, vector<2048x2xf32>,
    return
  }
  func.func @transform_0(%arg0: i32) -> (i32, i32) {
    %c0_i32 = arith.constant 0 : i32
    %c0_i32_0 = arith.constant 0 : i32
    return %arg0, %c0_i32 : i32, i32
  }
  func.func @transform_1(%arg0: i32) -> (i32, i32) {
    %c0_i32 = arith.constant 0 : i32
    %c0_i32_0 = arith.constant 0 : i32
    return %arg0, %c0_i32 : i32, i32
  }
  func.func @transform_2(%arg0: i32) -> (i32, i32) {
    %c0_i32 = arith.constant 0 : i32
    %c0_i32_0 = arith.constant 0 : i32
    return %arg0, %c0_i32 : i32, i32
  }
  func.func @transform_3(%arg0: i32) -> (i32, i32) {
    %c0_i32 = arith.constant 0 : i32
    %c0_i32_0 = arith.constant 0 : i32
    %c0_i32_1 = arith.constant 0 : i32
    return %c0_i32, %c0_i32_0 : i32, i32
  }
  func.func @transform_4(%arg0: i32) -> (i32, i32) {
    %c0_i32 = arith.constant 0 : i32
    %c0_i32_0 = arith.constant 0 : i32
    %c0_i32_1 = arith.constant 0 : i32
    return %c0_i32, %c0_i32_0 : i32, i32
  }
  func.func @transform_5(%arg0: i32) -> (i32, i32) {
    %c0_i32 = arith.constant 0 : i32
    %c0_i32_0 = arith.constant 0 : i32
    %c0_i32_1 = arith.constant 0 : i32
    return %c0_i32, %c0_i32_0 : i32, i32
  }
  func.func @transform_6(%arg0: i32) -> (i32, i32) {
    %c0_i32 = arith.constant 0 : i32
    %c0_i32_0 = arith.constant 0 : i32
    %c0_i32_1 = arith.constant 0 : i32
    return %c0_i32, %c0_i32_0 : i32, i32
  }
  func.func @transform_7(%arg0: i32) -> (i32, i32) {
    %c0_i32 = arith.constant 0 : i32
    %c0_i32_0 = arith.constant 0 : i32
    %c0_i32_1 = arith.constant 0 : i32
    return %c0_i32, %c0_i32_0 : i32, i32
  }
  func.func @transform_8(%arg0: i32) -> (i32, i32) {
    %c0_i32 = arith.constant 0 : i32
    %c0_i32_0 = arith.constant 0 : i32
    %c0_i32_1 = arith.constant 0 : i32
    return %c0_i32, %c0_i32_0 : i32, i32
  }
  func.func @transform_9(%arg0: i32) -> (i32, i32) {
    %c0_i32 = arith.constant 0 : i32
    %c0_i32_0 = arith.constant 0 : i32
    %c0_i32_1 = arith.constant 0 : i32
    return %c0_i32, %c0_i32_0 : i32, i32
  }
  func.func @transform_10(%arg0: i32) -> (i32, i32) {
    %c0_i32 = arith.constant 0 : i32
    %c0_i32_0 = arith.constant 0 : i32
    %c0_i32_1 = arith.constant 0 : i32
    return %c0_i32, %c0_i32_0 : i32, i32
  }
  func.func @transform_11(%arg0: i32) -> (i32, i32) {
    %c0_i32 = arith.constant 0 : i32
    %c0_i32_0 = arith.constant 0 : i32
    %c0_i32_1 = arith.constant 0 : i32
    return %c0_i32, %c0_i32_0 : i32, i32
  }
  func.func @transform_12(%arg0: i32) -> (i32, i32) {
    %c0_i32 = arith.constant 0 : i32
    %c0_i32_0 = arith.constant 0 : i32
    %c0_i32_1 = arith.constant 0 : i32
    return %c0_i32, %c0_i32_0 : i32, i32
  }
  func.func @transform_13(%arg0: i32) -> (i32, i32) {
    %c0_i32 = arith.constant 0 : i32
    %c0_i32_0 = arith.constant 0 : i32
    return %arg0, %c0_i32 : i32, i32
  }
}

</mosaic_0001>

<sc_bundles>
// kernel: kernel.12.cloned.1.call-start
scs
__scs_entry_jumppad:
0x0: {  	(pc) =	sbr.rel $0x88, $3  }
0x1: {  	(tag) =	ssettag $0x0;
	lr =	simm.s32 $0x1  }
0x2: {  	[smem:$0x3F8A] =	sst lr;
	_ =	strace $0xD0000000  }
0x3: {  	_ = 	snop  }
0x4: {  	_ = 	snop  }
0x5: {  	_ = 	snop  }
0x6: {  	_ = 	snop  }
0x7: {  	_ = 	snop  }
__scs_overlays_trampoline_lowered:
0x8: {  	[smem:$0x3F99] =	sst s0  }
0x9: {  	[smem:$0x3F9A] =	sst s1  }
0xa: {  	[smem:$0x3F9B] =	sst s2  }
0xb: {  	[smem:$0x3F9C] =	sst s3  }
0xc: {  	[smem:$0x3F9D] =	sst s4  }
0xd: {  	[smem:$0x3F9E] =	sst s5  }
0xe: {  	[smem:$0x3F9F] =	sst s6  }
0xf: {  	[smem:$0x3FA0] =	sst s7  }
0x10: {  	[smem:$0x3FA1] =	sst s8  }
0x11: {  	[smem:$0x3FA2] =	sst s9;
	s0 =	simm.s32 @!p0 $0x0  }
0x12: {  	s1 =	sld [smem:$0x3F88];
	s0 =	simm.s32 @p0 $0x1  }
0x13: {  	[smem:$0x3FA3] =	sst s0;
	s0 =	simm.s32 @!p1 $0x0  }
0x14: {  	s2 =	sld [smem:$0x3F87];
	s0 =	simm.s32 @p1 $0x1  }
0x15: {  	[smem:$0x3FA4] =	sst s0;
	s0 =	simm.s32 @!p2 $0x0  }
0x16: {  	s3 =	sld [smem:$0x3FDB];
	s0 =	simm.s32 @p2 $0x1  }
0x17: {  	s4 =	simm.s32 $0x1BF5;
	[smem:$0x3FA6] =	sst s0  }
0x18: {  	s0 =	sld [smem:$0x3F89];
	_ =	swait.ge [sflag:s4], $0x0  }
0x19: {  	s7 =	sld [smem:$0x3F8A]  }
0x1a: {  	s8 =	sadd.s32 $0xFFFFE003, lr  }
0x1b: {  	s9 =	sadd.s32 $0xFFFFFEF7, lr;
	s5 =	simm.s32 $0xFFFFFFFF;
	p2 =	slt.u32 s8, $0xFFFFF086  }
0x1c: {  	p1 =	slt.u32 s9, $0xF7A;
	s5 =	simm.s32 @!p2 $0x0  }
0x1d: {  	s5 =	simm.s32 @p1 $0x1;
	p0 =	seq.s32 s7, s2  }
0x1e: {  	s7 =	smul.u32 @!p0 $0xF7A, s2;
	p2 =	seq.s32 @!p0 s5, $0x0  }
0x1f: {  	s9 =	smul.u32 $0xF7A, s1;
	s8 =	simm.s32 @!p0 $0x1BF5;
	p2 =	por !p2, p0  }
0x20: {  	[sflag:s8] =	ssyncset.s32 @!p0 $0xFFFFF086;
	s6 =	sadd.s32 @!p0 s3, s7;
	s7 =	simm.s32 @!p0 $0x108  }
0x21: {  	s3 =	sadd.s32 s3, s9;
	s6 =	sadd.s32 @!p0 $0x88, s6;
	s7 =	simm.s32 @p2 $0x1082  }
0x22: {  	[simem:s7], [sflag:s8] =	dma.local @!p0 [hbm:s6], $0xF7A  }
0x23: {  	s9 =	sor.u32 $0xD0000000, s2;
	s6 =	simm.s32 $0x108;
	_ =	swait.ge @!p0 [sflag:s8], $0x0  }
0x24: {  	s3 =	sadd.s32 $0x88, s3;
	s6 =	simm.s32 @!p1 $0x1082;
	[sflag:s4] =	ssyncset.s32 $0xFFFFF086  }
0x25: {  	[simem:s6], [sflag:s4] =	dma.local [hbm:s3], $0xF7A  }
0x26: {  	[smem:$0x3F8A] =	sst s1;
	(tag) =	ssettag s2;
	_ =	strace s9  }
0x27: {  	s1 =	sld [smem:$0x3F9A]  }
0x28: {  	s2 =	sld [smem:$0x3F9B]  }
0x29: {  	s4 =	sld [smem:$0x3F9D]  }
0x2a: {  	p0 =	seq.s32 s5, $0x0;
	s5 =	sld [smem:$0x3F9E]  }
0x2b: {  	s6 =	sld [smem:$0x3F9F]  }
0x2c: {  	s7 =	sld [smem:$0x3FA0]  }
0x2d: {  	s3 =	simm.s32 $0x108;
	s8 =	sld [smem:$0x3FA1]  }
0x2e: {  	s3 =	simm.s32 @!p0 $0x1082;
	s9 =	sld [smem:$0x3FA2]  }
0x2f: {  	lr =	sadd.s32 s0, s3;
	s0 =	sld [smem:$0x3F99]  }
0x30: {  	s3 =	sld [smem:$0x3F9C]  }
0x31: {  	[smem:$0x3FA5] =	sst s10  }
0x32: {  	s10 =	sld [smem:$0x3FA3];
	_ =	sdelay $0x3  }
0x33: {  	p0 =	seq.s32 s10, $0x1;
	s10 =	sld [smem:$0x3FA5];
	_ =	sdelay $0x3  }
0x34: {  	[smem:$0x3FA5] =	sst s10  }
0x35: {  	s10 =	sld [smem:$0x3FA4];
	_ =	sdelay $0x3  }
0x36: {  	p1 =	seq.s32 s10, $0x1;
	s10 =	sld [smem:$0x3FA5];
	_ =	sdelay $0x3  }
0x37: {  	[smem:$0x3FA5] =	sst s10  }
0x38: {  	s10 =	sld [smem:$0x3FA6]  }
0x39: {  	_ = 	snop;
	(pc) =	sbr.ind lr, $3  }
0x3a: {  	_ = 	snop  }
0x3b: {  	_ = 	snop  }
0x3c: {  	p2 =	seq.s32 s10, $0x1;
	s10 =	sld [smem:$0x3FA5]  }
0x3d: {  	_ =	shalt  }
0x3e: {  	_ =	shalt  }
0x3f: {  	_ =	shalt  }
0x40: {  	_ =	shalt  }
0x41: {  	_ =	shalt  }
0x42: {  	_ =	shalt  }
0x43: {  	_ =	shalt  }
0x44: {  	_ =	shalt  }
0x45: {  	_ =	shalt  }
0x46: {  	_ =	shalt  }
0x47: {  	_ =	shalt  }
0x48: {  	_ =	shalt  }
0x49: {  	_ =	shalt  }
0x4a: {  	_ =	shalt  }
0x4b: {  	_ =	shalt  }
0x4c: {  	_ =	shalt  }
0x4d: {  	_ =	shalt  }
0x4e: {  	_ =	shalt  }
0x4f: {  	_ =	shalt  }
0x50: {  	_ =	shalt  }
0x51: {  	_ =	shalt  }
0x52: {  	_ =	shalt  }
0x53: {  	_ =	shalt  }
0x54: {  	_ =	shalt  }
0x55: {  	_ =	shalt  }
0x56: {  	_ =	shalt  }
0x57: {  	_ =	shalt  }
0x58: {  	_ =	shalt  }
0x59: {  	_ =	shalt  }
0x5a: {  	_ =	shalt  }
0x5b: {  	_ =	shalt  }
0x5c: {  	_ =	shalt  }
0x5d: {  	_ =	shalt  }
0x5e: {  	_ =	shalt  }
0x5f: {  	_ =	shalt  }
0x60: {  	_ =	shalt  }
0x61: {  	_ =	shalt  }
0x62: {  	_ =	shalt  }
0x63: {  	_ =	shalt  }
0x64: {  	_ =	shalt  }
0x65: {  	_ =	shalt  }
0x66: {  	_ =	shalt  }
0x67: {  	_ =	shalt  }
0x68: {  	_ =	shalt  }
0x69: {  	_ =	shalt  }
0x6a: {  	_ =	shalt  }
0x6b: {  	_ =	shalt  }
0x6c: {  	_ =	shalt  }
0x6d: {  	_ =	shalt  }
0x6e: {  	_ =	shalt  }
0x6f: {  	_ =	shalt  }
0x70: {  	_ =	shalt  }
0x71: {  	_ =	shalt  }
0x72: {  	_ =	shalt  }
0x73: {  	_ =	shalt  }
0x74: {  	_ =	shalt  }
0x75: {  	_ =	shalt  }
0x76: {  	_ =	shalt  }
0x77: {  	_ =	shalt  }
0x78: {  	_ =	shalt  }
0x79: {  	_ =	shalt  }
0x7a: {  	_ =	shalt  }
0x7b: {  	_ =	shalt  }
0x7c: {  	_ =	shalt  }
0x7d: {  	_ =	shalt  }
0x7e: {  	_ =	shalt  }
0x7f: {  	_ =	shalt  }
0x80: {  	_ =	shalt  }
0x81: {  	_ =	shalt  }
0x82: {  	_ =	shalt  }
0x83: {  	_ =	shalt  }
0x84: {  	_ =	shalt  }
0x85: {  	_ =	shalt  }
0x86: {  	_ =	shalt  }
0x87: {  	_ =	shalt  }
.Lfunc_end0:
.L_simem_size_0:
called_computation_lowered:
.L_overlay_start_0:
0x88: {  	s2 =	sld [smem:$0x3FD9]  }
0x89: {  	s3 =	sld [smem:$0x3FFE];
	_ =	sdelay $0x1  }
0x8a: {  	s1 =	srdreg.scid  }
0x8b: {  	s0 =	sand.u32 $0x1, s1  }
0x8c: {  	s16 =	sshll.u32 s0, $0xA;
	s2 =	sadd.s32 s3, s2  }
0x8d: {  	s2 =	sadd.s32 s2, s16  }
0x8e: {  	[smem:$0x3FB1] =	sst s2  }
0x8f: {  	_ = 	snop  }
0x90: {  	(tm) =	ssettm $0x1  }
0x91: {  	s17 =	sld [smem:$0x3FFB];
	_ =	sdelay $0x3  }
0x92: {  	_ =	strace s17  }
0x93: {  	s2 =	sld [smem:$0x3FFC];
	_ =	sdelay $0x3  }
0x94: {  	_ =	strace s2  }
0x95: {  	s2 =	sld [smem:$0x3FFD];
	_ =	sdelay $0x3  }
0x96: {  	_ =	strace s2  }
0x97: {  	_ =	strace $0x8FFFFFFF  }
0x98: {  	s18 =	sld [smem:$0x3FDB];
	_ =	sdelay $0x1  }
0x99: {  	s19 =	simm.s32 $_scs_section_size  }
0x9a: {  	s4 =	simm.s32 $_size__tile_overlayer_lowered;
	s5 =	simm.s32 $_tile_overlayer_lowered  }
0x9b: {  	s22 =	simm.s32 $0x1BFF;
	s21 =	sshll.u32 s5, $0x1;
	s2 =	sadd.s32 s19, s18  }
0x9c: {  	s6 =	simm.s32 $0x0;
	s20 =	sshll.u32 s4, $0x1;
	s4 =	sadd.s32 s21, s2  }
0x9d: {  	[timem:s6], [sflag:s22] =	dma.local [hbm:s4], s20  }
0x9e: {  	_ =	swait.ge [sflag:s22], s20  }
0x9f: {  	s3 =	ssub.s32 $0x0, s20;
	[sflag:s22] =	ssyncset.done $0x0  }
0xa0: {  	[sflag:s22] =	ssyncadd.s32 s3;
	_ =	sdelay $0x1  }
0xa1: {  	s23 =	simm.s32 $0x1B8B  }
0xa2: {  	_ =	swait.ge [sflag:s23], $0x1  }
0xa3: {  	[sflag:s23] =	ssyncset.done $0x0  }
0xa4: {  	s25 =	simm.s32 $0x1B8E;
	s24 =	sld [smem:$0x3FFE];
	[sflag:s23] =	ssyncadd.s32 $0xFFFFFFFF  }
0xa5: {  	s26 =	simm.s32 $execute0_lowered;
	[smem:$0x3FD2] =	sst s25  }
0xa6: {  	s4 =	sshll.u32 s26, $0x1;
	_ =	strace $0x80000046;
	[dreg:$0x1] =	wrdreg $0xFFFFFFFF  }
0xa7: {  	s28 =	simm.s32 $_size_execute0_lowered;
	s2 =	sadd.s32 s2, s4;
	[dreg:$0x0] =	wrdreg $0x0  }
0xa8: {  	s4 =	sshll.u32 s28, $0x1;
	[dreg:$0x2] =	wrdreg s2  }
0xa9: {  	[dreg:$0x3] =	wrdreg s4  }
0xaa: {  	[dreg:$0x4] =	wrdreg $0xC0  }
0xab: {  	_ =	task [dreg:s6], $0x5FFFF  }
0xac: {  	[dreg:$0x1] =	wrdreg $0xFFFFFFFF  }
0xad: {  	[dreg:$0x0] =	wrdreg $0x60  }
0xae: {  	[dreg:$0x2] =	wrdreg s24  }
0xaf: {  	[dreg:$0x3] =	wrdreg $0x0  }
0xb0: {  	[dreg:$0x4] =	wrdreg $0x9  }
0xb1: {  	_ =	task.clear_ibuf [dreg:s6], $0x5FFFF;
	_ =	strace $0x90000046  }
0xb2: {  	s29 =	simm.s32 $0x9;
	_ =	strace $0x80000048  }
0xb3: {  	_ =	swait.ge [sflag:s29], $0x1  }
0xb4: {  	[sflag:s29] =	ssyncadd.s32 $0xFFFFFFFF  }
0xb5: {  	_ =	strace $0x90000048  }
0xb6: {  	_ =	sfence  }
0xb7: {  	s30 =	sld [smem:$0x0];
	_ =	sdelay $0x2  }
0xb8: {  	s31 =	sshll.u32 s1, $0xD;
	s1 =	sshrl.u32 s1, $0x2  }
0xb9: {  	s3 =	sand.u32 $0x4000, s31;
	s1 =	sadd.s32 s1, s30  }
0xba: {  	s0 =	sor.u32 s3, s0;
	s1 =	sshll.u32 s1, $0x11  }
0xbb: {  	s0 =	sor.u32 s1, s0  }
0xbc: {  	s0 =	sadd.s32 $0x8F2B, s0  }
0xbd: {  	[sflag:s0] =	ssyncadd.remote.s32 $0x1  }
0xbe: {  	_ =	sfence.sel $0xFFFF  }
0xbf: {  	[dreg:$0x0] =	wrdreg $0xFFFFFFFF;
	(pc) =	sbr.abs _section_cstart, $3  }
0xc0: {  	[dreg:$0x1] =	wrdreg $0xFFFFFFFF  }
0xc1: {  	_ =	task.clear_ibuf [dreg:s6], $0x2FFFF;
	_ =	strace $0x9FFFFFFF  }
0xc2: {  	(tm) =	ssettm $0x7FFFFFFF  }
0xc3: {  	_ =	shalt  }
tec
execute0_lowered:
.L_overlay_start_1:
0x0: {  	(tag) =	ssettag $0x1  }
0x1: {  	s1 =	srdreg.scid;
	s6 =	rddreg [dreg:$0x0]  }
0x2: {  	s0 =	stileid.u32;
	s2 =	rddreg [dreg:$0x1];
	s3 =	simm.s32 $0x0  }
0x3: {  	s12 =	simm.s32 $0x15440;
	s19 =	simm.s32 $0x80;
	s20 =	simm.s32 $0x16840  }
0x4: {  	s21 =	simm.s32 $0x16940;
	s22 =	simm.s32 $0x1;
	s23 =	simm.s32 $0x168C0  }
0x5: {  	s24 =	simm.s32 $0x0;
	s7 =	sand.u32 $0x1, s1;
	s1 =	rddreg [dreg:$0x2]  }
0x6: {  	s30 =	sshll.u32 s0, $0x1;
	[smem:$0x7FF] =	sst s3;
	s9 =	smul.u32 $0x14000, s0  }
0x7: {  	s11 =	smul.u32 $0x50000, s0;
	s13 =	sshll.u32 s0, $0x6;
	s4 =	sor.u32 s7, s30  }
0x8: {  	s8 =	smul.u32 $0x140000, s7;
	_ =	strace $0x80000047;
	s7 =	ssub.s32 $0x2, s7  }
0x9: {  	s13 =	sor.u32 $0x1C02, s13;
	s5 =	smul.u32 $0x280, s4;
	s4 =	sadd.s32 $0x6200, s6  }
0xa: {  	s31 =	sshrl.u32 s7, $0x1;
	s11 =	sshrl.u32 s11, $0x2;
	s8 =	sadd.s32 s9, s8  }
0xb: {  	s9 =	ssub.s32 s7, s31;
	s14 =	sadd.s32 s11, s2;
	s11 =	simm.s32 $0x2  }
0xc: {  	s10 =	sadd.s32 s5, s6;
	s5 =	sadd.s32 $0x15400, s6;
	s8 =	sshrl.u32 s8, $0x3  }
0xd: {  	s15 =	sadd.s32 $0x4000, s14;
	s16 =	sadd.s32 $0x8000, s14;
	s17 =	sadd.s32 $0xC000, s14  }
0xe: {  	s18 =	sadd.s32 $0x10000, s14;
	s9 =	smax.u32 s9, $0x1;
	s14 =	sshrl.u32 s14, $0x3  }
0xf: {  	s8 =	sadd.s32 s8, s6;
	s6 =	sadd.s32 $0x10400, s10;
	s7 =	sadd.s32 $0x6400, s10  }
0x10: {  	s10 =	simm.s32 $0x14040;
	s15 =	sshrl.u32 s15, $0x3;
	s16 =	sshrl.u32 s16, $0x3  }
0x11: {  	s17 =	sshrl.u32 s17, $0x3;
	s18 =	sshrl.u32 s18, $0x3;
	s8 =	sadd.s32 $0x15C00, s8  }
.LBB2_1:
0x12: {  	[tilespmem:s10], [sflag:$0x2] =	stream.linear.gather [hbm4b:s6+s3], $0x1400, $0x38;
	[tilespmem:$0x1A940] =	vst v63  }
0x13: {  	_ =	swait.ge [sflag:s11], $0x1400  }
0x14: {  	[sflag:s11] =	ssyncset.done $0x0  }
0x15: {  	[sflag:s11] =	ssyncadd.s32 $0xFFFFEC00  }
0x16: {  	[tilespmem:s12], [sflag:$0x2] =	stream.linear.gather [hbm4b:s7+s3], $0x1400, $0x38;
	[tilespmem:$0x1A940] =	vst v63  }
0x17: {  	_ =	swait.ge [sflag:s11], $0x1400  }
0x18: {  	[sflag:s11] =	ssyncset.done $0x0  }
0x19: {  	[sflag:s11] =	ssyncadd.s32 $0xFFFFEC00  }
0x1a: {  	[spmem:s14], [sflag:s13] =	dma.local [hbm:s5], $0x800  }
0x1b: {  	_ =	swait.ge [sflag:s11], $0x800  }
0x1c: {  	[sflag:s11] =	ssyncset.done $0x0  }
0x1d: {  	[sflag:s11] =	ssyncadd.s32 $0xFFFFF800  }
0x1e: {  	[spmem:s15], [sflag:s13] =	dma.local [hbm:s5], $0x800  }
0x1f: {  	_ =	swait.ge [sflag:s11], $0x800  }
0x20: {  	[sflag:s11] =	ssyncset.done $0x0  }
0x21: {  	[sflag:s11] =	ssyncadd.s32 $0xFFFFF800  }
0x22: {  	[spmem:s16], [sflag:s13] =	dma.local [hbm:s5], $0x800  }
0x23: {  	_ =	swait.ge [sflag:s11], $0x800  }
0x24: {  	[sflag:s11] =	ssyncset.done $0x0  }
0x25: {  	[sflag:s11] =	ssyncadd.s32 $0xFFFFF800  }
0x26: {  	[spmem:s17], [sflag:s13] =	dma.local [hbm:s5], $0x800  }
0x27: {  	_ =	swait.ge [sflag:s11], $0x800  }
0x28: {  	[sflag:s11] =	ssyncset.done $0x0  }
0x29: {  	[sflag:s11] =	ssyncadd.s32 $0xFFFFF800  }
0x2a: {  	[spmem:s18], [sflag:s13] =	dma.local [hbm:s5], $0x800  }
0x2b: {  	_ =	swait.ge [sflag:s11], $0x800  }
0x2c: {  	[sflag:s11] =	ssyncset.done $0x0  }
0x2d: {  	[sflag:s11] =	ssyncadd.s32 $0xFFFFF800  }
0x2e: {  	s25 =	simm.s32 $0x0;
	[bflag:$0x0] =	sbarrier.arrive $0xFFFF  }
0x2f: {  	v0 =	vld [tilespmem:s25+$0x14040];
	_ =	sdelay $0x4  }
0x30: {  	[tilespmem:$0x16840] =	vst v0  }
0x31: {  	v0 =	vld [tilespmem:s25+$0x15440];
	_ =	sdelay $0x4  }
0x32: {  	[tilespmem:$0x168C0] =	vst v0  }
0x33: {  	v0 =	vld [tilespmem:s25+$0x14050];
	_ =	sdelay $0x4  }
0x34: {  	[tilespmem:$0x16850] =	vst v0  }
0x35: {  	v0 =	vld [tilespmem:s25+$0x15450];
	_ =	sdelay $0x4  }
0x36: {  	[tilespmem:$0x168D0] =	vst v0  }
0x37: {  	v0 =	vld [tilespmem:s25+$0x14060];
	_ =	sdelay $0x4  }
0x38: {  	[tilespmem:$0x16860] =	vst v0  }
0x39: {  	v0 =	vld [tilespmem:s25+$0x15460];
	_ =	sdelay $0x4  }
0x3a: {  	[tilespmem:$0x168E0] =	vst v0  }
0x3b: {  	v0 =	vld [tilespmem:s25+$0x14070];
	_ =	sdelay $0x4  }
0x3c: {  	[tilespmem:$0x16870] =	vst v0  }
0x3d: {  	v0 =	vld [tilespmem:s25+$0x15470];
	_ =	sdelay $0x4  }
0x3e: {  	[tilespmem:$0x168F0] =	vst v0  }
0x3f: {  	v0 =	vld [tilespmem:s25+$0x14080];
	_ =	sdelay $0x4  }
0x40: {  	[tilespmem:$0x16880] =	vst v0  }
0x41: {  	v0 =	vld [tilespmem:s25+$0x15480];
	_ =	sdelay $0x4  }
0x42: {  	[tilespmem:$0x16900] =	vst v0  }
0x43: {  	v0 =	vld [tilespmem:s25+$0x14090];
	_ =	sdelay $0x4  }
0x44: {  	[tilespmem:$0x16890] =	vst v0  }
0x45: {  	v0 =	vld [tilespmem:s25+$0x15490];
	_ =	sdelay $0x4  }
0x46: {  	[tilespmem:$0x16910] =	vst v0  }
0x47: {  	v0 =	vld [tilespmem:s25+$0x140A0];
	_ =	sdelay $0x4  }
0x48: {  	[tilespmem:$0x168A0] =	vst v0  }
0x49: {  	v0 =	vld [tilespmem:s25+$0x154A0];
	_ =	sdelay $0x4  }
0x4a: {  	[tilespmem:$0x16920] =	vst v0  }
0x4b: {  	v0 =	vld [tilespmem:s25+$0x140B0];
	_ =	sdelay $0x4  }
0x4c: {  	[tilespmem:$0x168B0] =	vst v0  }
0x4d: {  	v0 =	vld [tilespmem:s25+$0x154B0];
	_ =	sdelay $0x4  }
0x4e: {  	[tilespmem:$0x16930] =	vst v0  }
0x4f: {  	[tilespmem:s21], [sflag:$0x1] =	stream.indirect.gather [hbm4b:s4+s19], $0x80, s20, s19, $0xb8;
	[tilespmem:$0x1A940] =	vst v63  }
0x50: {  	_ =	swait.ge [sflag:s22], $0x4000  }
0x51: {  	[sflag:s22] =	ssyncset.done $0x0  }
0x52: {  	[sflag:s22] =	ssyncadd.s32 $0xFFFFC000  }
0x53: {  	[spmem:s2] =	stream.indirect.scatter.add.f32 [tilespmem:s21], [sflag:$0x2], $0x80, s23, s19, $0xb8;
	[tilespmem:$0x1A940] =	vst v63  }
0x54: {  	_ =	swait.ge [sflag:s11], $0x4000  }
0x55: {  	s29 =	simm.s32 $0x400;
	s25 =	simm.s32 $0x200;
	[sflag:s11] =	ssyncset.done $0x0  }
.LBB2_2:
0x56: {  	s28 =	sshra.s32 s25, $0x2  }
0x57: {  	[sflag:s11] =	ssyncadd.s32 $0xFFFFC000;
	s25 =	smov.u32 s29;
	s26 =	sadd.s32 $0x200, s29  }
0x58: {  	p0 =	sne.s32 s29, $0x4E00;
	v0 =	vld [tilespmem:s28+$0x14040];
	_ =	sdelay $0x4  }
0x59: {  	[tilespmem:$0x16840] =	vst v0  }
0x5a: {  	v0 =	vld [tilespmem:s28+$0x15440];
	_ =	sdelay $0x4  }
0x5b: {  	[tilespmem:$0x168C0] =	vst v0  }
0x5c: {  	v0 =	vld [tilespmem:s28+$0x14050];
	_ =	sdelay $0x4  }
0x5d: {  	[tilespmem:$0x16850] =	vst v0  }
0x5e: {  	v0 =	vld [tilespmem:s28+$0x15450];
	_ =	sdelay $0x4  }
0x5f: {  	[tilespmem:$0x168D0] =	vst v0  }
0x60: {  	v0 =	vld [tilespmem:s28+$0x14060];
	_ =	sdelay $0x4  }
0x61: {  	[tilespmem:$0x16860] =	vst v0  }
0x62: {  	v0 =	vld [tilespmem:s28+$0x15460];
	_ =	sdelay $0x4  }
0x63: {  	[tilespmem:$0x168E0] =	vst v0  }
0x64: {  	v0 =	vld [tilespmem:s28+$0x14070];
	_ =	sdelay $0x4  }
0x65: {  	[tilespmem:$0x16870] =	vst v0  }
0x66: {  	v0 =	vld [tilespmem:s28+$0x15470];
	_ =	sdelay $0x4  }
0x67: {  	[tilespmem:$0x168F0] =	vst v0  }
0x68: {  	v0 =	vld [tilespmem:s28+$0x14080];
	_ =	sdelay $0x4  }
0x69: {  	[tilespmem:$0x16880] =	vst v0  }
0x6a: {  	v0 =	vld [tilespmem:s28+$0x15480];
	_ =	sdelay $0x4  }
0x6b: {  	[tilespmem:$0x16900] =	vst v0  }
0x6c: {  	v0 =	vld [tilespmem:s28+$0x14090];
	_ =	sdelay $0x4  }
0x6d: {  	[tilespmem:$0x16890] =	vst v0  }
0x6e: {  	v0 =	vld [tilespmem:s28+$0x15490];
	_ =	sdelay $0x4  }
0x6f: {  	[tilespmem:$0x16910] =	vst v0  }
0x70: {  	v0 =	vld [tilespmem:s28+$0x140A0];
	_ =	sdelay $0x4  }
0x71: {  	[tilespmem:$0x168A0] =	vst v0  }
0x72: {  	v0 =	vld [tilespmem:s28+$0x154A0];
	_ =	sdelay $0x4  }
0x73: {  	[tilespmem:$0x16920] =	vst v0  }
0x74: {  	v0 =	vld [tilespmem:s28+$0x140B0];
	_ =	sdelay $0x4  }
0x75: {  	[tilespmem:$0x168B0] =	vst v0  }
0x76: {  	v0 =	vld [tilespmem:s28+$0x154B0];
	_ =	sdelay $0x4  }
0x77: {  	[tilespmem:$0x16930] =	vst v0  }
0x78: {  	[tilespmem:s21], [sflag:$0x1] =	stream.indirect.gather [hbm4b:s4+s19], $0x80, s20, s19, $0xb8;
	[tilespmem:$0x1A940] =	vst v63  }
0x79: {  	_ =	swait.ge [sflag:s22], $0x4000  }
.Ltmp0:
0x7a: {  	[sflag:s22] =	ssyncset.done $0x0;
	(pc) =	sbr.rel @p0 .LBB2_2-.Ltmp0, $4  }
0x7b: {  	[sflag:s22] =	ssyncadd.s32 $0xFFFFC000  }
0x7c: {  	[spmem:s2] =	stream.indirect.scatter.add.f32 [tilespmem:s21], [sflag:$0x2], $0x80, s23, s19, $0xb8;
	[tilespmem:$0x1A940] =	vst v63  }
0x7d: {  	_ =	swait.ge [sflag:s11], $0x4000  }
0x7e: {  	s29 =	smov.u32 s26;
	[sflag:s11] =	ssyncset.done $0x0  }
0x7f: {  	s25 =	sshra.s32 s25, $0x2;
	[sflag:s11] =	ssyncadd.s32 $0xFFFFC000  }
0x80: {  	v0 =	vld [tilespmem:s25+$0x14040];
	_ =	sdelay $0x4  }
0x81: {  	[tilespmem:$0x16840] =	vst v0  }
0x82: {  	v0 =	vld [tilespmem:s25+$0x15440];
	_ =	sdelay $0x4  }
0x83: {  	[tilespmem:$0x168C0] =	vst v0  }
0x84: {  	v0 =	vld [tilespmem:s25+$0x14050];
	_ =	sdelay $0x4  }
0x85: {  	[tilespmem:$0x16850] =	vst v0  }
0x86: {  	v0 =	vld [tilespmem:s25+$0x15450];
	_ =	sdelay $0x4  }
0x87: {  	[tilespmem:$0x168D0] =	vst v0  }
0x88: {  	v0 =	vld [tilespmem:s25+$0x14060];
	_ =	sdelay $0x4  }
0x89: {  	[tilespmem:$0x16860] =	vst v0  }
0x8a: {  	v0 =	vld [tilespmem:s25+$0x15460];
	_ =	sdelay $0x4  }
0x8b: {  	[tilespmem:$0x168E0] =	vst v0  }
0x8c: {  	v0 =	vld [tilespmem:s25+$0x14070];
	_ =	sdelay $0x4  }
0x8d: {  	[tilespmem:$0x16870] =	vst v0  }
0x8e: {  	v0 =	vld [tilespmem:s25+$0x15470];
	_ =	sdelay $0x4  }
0x8f: {  	[tilespmem:$0x168F0] =	vst v0  }
0x90: {  	v0 =	vld [tilespmem:s25+$0x14080];
	_ =	sdelay $0x4  }
0x91: {  	[tilespmem:$0x16880] =	vst v0  }
0x92: {  	v0 =	vld [tilespmem:s25+$0x15480];
	_ =	sdelay $0x4  }
0x93: {  	[tilespmem:$0x16900] =	vst v0  }
0x94: {  	v0 =	vld [tilespmem:s25+$0x14090];
	_ =	sdelay $0x4  }
0x95: {  	[tilespmem:$0x16890] =	vst v0  }
0x96: {  	v0 =	vld [tilespmem:s25+$0x15490];
	_ =	sdelay $0x4  }
0x97: {  	[tilespmem:$0x16910] =	vst v0  }
0x98: {  	v0 =	vld [tilespmem:s25+$0x140A0];
	_ =	sdelay $0x4  }
0x99: {  	[tilespmem:$0x168A0] =	vst v0  }
0x9a: {  	v0 =	vld [tilespmem:s25+$0x154A0];
	_ =	sdelay $0x4  }
0x9b: {  	[tilespmem:$0x16920] =	vst v0  }
0x9c: {  	v0 =	vld [tilespmem:s25+$0x140B0];
	_ =	sdelay $0x4  }
0x9d: {  	[tilespmem:$0x168B0] =	vst v0  }
0x9e: {  	v0 =	vld [tilespmem:s25+$0x154B0];
	_ =	sdelay $0x4  }
0x9f: {  	[tilespmem:$0x16930] =	vst v0  }
0xa0: {  	[tilespmem:s21], [sflag:$0x1] =	stream.indirect.gather [hbm4b:s4+s19], $0x80, s20, s19, $0xb8;
	[tilespmem:$0x1A940] =	vst v63  }
0xa1: {  	_ =	swait.ge [sflag:s22], $0x4000  }
0xa2: {  	[sflag:s22] =	ssyncset.done $0x0  }
0xa3: {  	[sflag:s22] =	ssyncadd.s32 $0xFFFFC000  }
0xa4: {  	[spmem:s2] =	stream.indirect.scatter.add.f32 [tilespmem:s21], [sflag:$0x2], $0x80, s23, s19, $0xb8;
	[tilespmem:$0x1A940] =	vst v63  }
0xa5: {  	_ =	swait.ge [sflag:s11], $0x4000  }
0xa6: {  	s24 =	sadd.s32 $0x1, s24;
	[sflag:s11] =	ssyncset.done $0x0  }
0xa7: {  	p0 =	sne.s32 s24, s9;
	[sflag:s11] =	ssyncadd.s32 $0xFFFFC000  }
.Ltmp1:
0xa8: {  	[bflag:$0x0] =	sbarrier.arrive $0xFFFF;
	(pc) =	sbr.rel @p0 .LBB2_1-.Ltmp1, $4  }
0xa9: {  	[hbm:s8], [sflag:s13] =	dma.local [spmem:s14], $0x2800  }
0xaa: {  	_ =	swait.ge [sflag:s11], $0x2800  }
0xab: {  	[sflag:s11] =	ssyncset.done $0x0  }
0xac: {  	[sflag:s11] =	ssyncadd.s32 $0xFFFFD800  }
0xad: {  	_ =	sfence.sel $0x180000  }
0xae: {  	[bflag:$0x0] =	sbarrier.arrive $0xFFFF  }
0xaf: {  	p0 =	sne.s32 s0, $0x0;
	_ =	strace $0x90000047  }
0xb0: {  	s0 =	sadd.s32 @!p0 $0x100000, s1;
	[bflag:$0x2] =	sbarrier.arrive $0xFFFF  }
0xb1: {  	[sflag:s0] =	ssyncadd.tile.s32 @!p0 $0x1;
	_ =	shalt  }
.Lfunc_end2:
_tile_overlayer_lowered:
.L_overlay_start_2:
0xb2: {  	(tag) =	ssettag $0x2  }
0xb3: {  	s0 =	rddreg [dreg:$0x0];
	s2 =	stileid.u32  }
0xb4: {  	s1 =	rddreg [dreg:$0x1];
	p0 =	sne.s32 s2, $0x0  }
0xb5: {  	s3 =	rddreg [dreg:$0x2];
	[bflag:$0x3] =	sbarrier.arrive $0xFFFF;
	s2 =	simm.s32 @!p0 $0x1C02  }
0xb6: {  	[timem:s3], [sflag:s2] =	dma.local @!p0 [hbm:s0], s1  }
0xb7: {  	s0 =	simm.s32 @!p0 $0x2  }
0xb8: {  	_ =	swait.ge @!p0 [sflag:s0], s1  }
0xb9: {  	s1 =	ssub.s32 @!p0 $0x0, s1;
	[sflag:s0] =	ssyncset.done @!p0 $0x0  }
0xba: {  	[sflag:s0] =	ssyncadd.s32 @!p0 s1  }
0xbb: {  	[bflag:$0x3] =	sbarrier.arrive $0xFFFF  }
0xbc: {  	_ =	shalt  }

// kernel: kernel.15.cloned.1.call-start
scs
__scs_entry_jumppad:
0x0: {  	(pc) =	sbr.rel $0x88, $3  }
0x1: {  	(tag) =	ssettag $0x0;
	lr =	simm.s32 $0x1  }
0x2: {  	[smem:$0x3F8A] =	sst lr;
	_ =	strace $0xD0000000  }
0x3: {  	_ = 	snop  }
0x4: {  	_ = 	snop  }
0x5: {  	_ = 	snop  }
0x6: {  	_ = 	snop  }
0x7: {  	_ = 	snop  }
__scs_overlays_trampoline_lowered:
0x8: {  	[smem:$0x3F99] =	sst s0  }
0x9: {  	[smem:$0x3F9A] =	sst s1  }
0xa: {  	[smem:$0x3F9B] =	sst s2  }
0xb: {  	[smem:$0x3F9C] =	sst s3  }
0xc: {  	[smem:$0x3F9D] =	sst s4  }
0xd: {  	[smem:$0x3F9E] =	sst s5  }
0xe: {  	[smem:$0x3F9F] =	sst s6  }
0xf: {  	[smem:$0x3FA0] =	sst s7  }
0x10: {  	[smem:$0x3FA1] =	sst s8  }
0x11: {  	[smem:$0x3FA2] =	sst s9;
	s0 =	simm.s32 @!p0 $0x0  }
0x12: {  	s1 =	sld [smem:$0x3F88];
	s0 =	simm.s32 @p0 $0x1  }
0x13: {  	[smem:$0x3FA3] =	sst s0;
	s0 =	simm.s32 @!p1 $0x0  }
0x14: {  	s2 =	sld [smem:$0x3F87];
	s0 =	simm.s32 @p1 $0x1  }
0x15: {  	[smem:$0x3FA4] =	sst s0;
	s0 =	simm.s32 @!p2 $0x0  }
0x16: {  	s3 =	sld [smem:$0x3FDB];
	s0 =	simm.s32 @p2 $0x1  }
0x17: {  	s4 =	simm.s32 $0x1BF5;
	[smem:$0x3FA6] =	sst s0  }
0x18: {  	s0 =	sld [smem:$0x3F89];
	_ =	swait.ge [sflag:s4], $0x0  }
0x19: {  	s7 =	sld [smem:$0x3F8A]  }
0x1a: {  	s8 =	sadd.s32 $0xFFFFE003, lr  }
0x1b: {  	s9 =	sadd.s32 $0xFFFFFEF7, lr;
	s5 =	simm.s32 $0xFFFFFFFF;
	p2 =	slt.u32 s8, $0xFFFFF086  }
0x1c: {  	p1 =	slt.u32 s9, $0xF7A;
	s5 =	simm.s32 @!p2 $0x0  }
0x1d: {  	s5 =	simm.s32 @p1 $0x1;
	p0 =	seq.s32 s7, s2  }
0x1e: {  	s7 =	smul.u32 @!p0 $0xF7A, s2;
	p2 =	seq.s32 @!p0 s5, $0x0  }
0x1f: {  	s9 =	smul.u32 $0xF7A, s1;
	s8 =	simm.s32 @!p0 $0x1BF5;
	p2 =	por !p2, p0  }
0x20: {  	[sflag:s8] =	ssyncset.s32 @!p0 $0xFFFFF086;
	s6 =	sadd.s32 @!p0 s3, s7;
	s7 =	simm.s32 @!p0 $0x108  }
0x21: {  	s3 =	sadd.s32 s3, s9;
	s6 =	sadd.s32 @!p0 $0x88, s6;
	s7 =	simm.s32 @p2 $0x1082  }
0x22: {  	[simem:s7], [sflag:s8] =	dma.local @!p0 [hbm:s6], $0xF7A  }
0x23: {  	s9 =	sor.u32 $0xD0000000, s2;
	s6 =	simm.s32 $0x108;
	_ =	swait.ge @!p0 [sflag:s8], $0x0  }
0x24: {  	s3 =	sadd.s32 $0x88, s3;
	s6 =	simm.s32 @!p1 $0x1082;
	[sflag:s4] =	ssyncset.s32 $0xFFFFF086  }
0x25: {  	[simem:s6], [sflag:s4] =	dma.local [hbm:s3], $0xF7A  }
0x26: {  	[smem:$0x3F8A] =	sst s1;
	(tag) =	ssettag s2;
	_ =	strace s9  }
0x27: {  	s1 =	sld [smem:$0x3F9A]  }
0x28: {  	s2 =	sld [smem:$0x3F9B]  }
0x29: {  	s4 =	sld [smem:$0x3F9D]  }
0x2a: {  	p0 =	seq.s32 s5, $0x0;
	s5 =	sld [smem:$0x3F9E]  }
0x2b: {  	s6 =	sld [smem:$0x3F9F]  }
0x2c: {  	s7 =	sld [smem:$0x3FA0]  }
0x2d: {  	s3 =	simm.s32 $0x108;
	s8 =	sld [smem:$0x3FA1]  }
0x2e: {  	s3 =	simm.s32 @!p0 $0x1082;
	s9 =	sld [smem:$0x3FA2]  }
0x2f: {  	lr =	sadd.s32 s0, s3;
	s0 =	sld [smem:$0x3F99]  }
0x30: {  	s3 =	sld [smem:$0x3F9C]  }
0x31: {  	[smem:$0x3FA5] =	sst s10  }
0x32: {  	s10 =	sld [smem:$0x3FA3];
	_ =	sdelay $0x3  }
0x33: {  	p0 =	seq.s32 s10, $0x1;
	s10 =	sld [smem:$0x3FA5];
	_ =	sdelay $0x3  }
0x34: {  	[smem:$0x3FA5] =	sst s10  }
0x35: {  	s10 =	sld [smem:$0x3FA4];
	_ =	sdelay $0x3  }
0x36: {  	p1 =	seq.s32 s10, $0x1;
	s10 =	sld [smem:$0x3FA5];
	_ =	sdelay $0x3  }
0x37: {  	[smem:$0x3FA5] =	sst s10  }
0x38: {  	s10 =	sld [smem:$0x3FA6]  }
0x39: {  	_ = 	snop;
	(pc) =	sbr.ind lr, $3  }
0x3a: {  	_ = 	snop  }
0x3b: {  	_ = 	snop  }
0x3c: {  	p2 =	seq.s32 s10, $0x1;
	s10 =	sld [smem:$0x3FA5]  }
0x3d: {  	_ =	shalt  }
0x3e: {  	_ =	shalt  }
0x3f: {  	_ =	shalt  }
0x40: {  	_ =	shalt  }
0x41: {  	_ =	shalt  }
0x42: {  	_ =	shalt  }
0x43: {  	_ =	shalt  }
0x44: {  	_ =	shalt  }
0x45: {  	_ =	shalt  }
0x46: {  	_ =	shalt  }
0x47: {  	_ =	shalt  }
0x48: {  	_ =	shalt  }
0x49: {  	_ =	shalt  }
0x4a: {  	_ =	shalt  }
0x4b: {  	_ =	shalt  }
0x4c: {  	_ =	shalt  }
0x4d: {  	_ =	shalt  }
0x4e: {  	_ =	shalt  }
0x4f: {  	_ =	shalt  }
0x50: {  	_ =	shalt  }
0x51: {  	_ =	shalt  }
0x52: {  	_ =	shalt  }
0x53: {  	_ =	shalt  }
0x54: {  	_ =	shalt  }
0x55: {  	_ =	shalt  }
0x56: {  	_ =	shalt  }
0x57: {  	_ =	shalt  }
0x58: {  	_ =	shalt  }
0x59: {  	_ =	shalt  }
0x5a: {  	_ =	shalt  }
0x5b: {  	_ =	shalt  }
0x5c: {  	_ =	shalt  }
0x5d: {  	_ =	shalt  }
0x5e: {  	_ =	shalt  }
0x5f: {  	_ =	shalt  }
0x60: {  	_ =	shalt  }
0x61: {  	_ =	shalt  }
0x62: {  	_ =	shalt  }
0x63: {  	_ =	shalt  }
0x64: {  	_ =	shalt  }
0x65: {  	_ =	shalt  }
0x66: {  	_ =	shalt  }
0x67: {  	_ =	shalt  }
0x68: {  	_ =	shalt  }
0x69: {  	_ =	shalt  }
0x6a: {  	_ =	shalt  }
0x6b: {  	_ =	shalt  }
0x6c: {  	_ =	shalt  }
0x6d: {  	_ =	shalt  }
0x6e: {  	_ =	shalt  }
0x6f: {  	_ =	shalt  }
0x70: {  	_ =	shalt  }
0x71: {  	_ =	shalt  }
0x72: {  	_ =	shalt  }
0x73: {  	_ =	shalt  }
0x74: {  	_ =	shalt  }
0x75: {  	_ =	shalt  }
0x76: {  	_ =	shalt  }
0x77: {  	_ =	shalt  }
0x78: {  	_ =	shalt  }
0x79: {  	_ =	shalt  }
0x7a: {  	_ =	shalt  }
0x7b: {  	_ =	shalt  }
0x7c: {  	_ =	shalt  }
0x7d: {  	_ =	shalt  }
0x7e: {  	_ =	shalt  }
0x7f: {  	_ =	shalt  }
0x80: {  	_ =	shalt  }
0x81: {  	_ =	shalt  }
0x82: {  	_ =	shalt  }
0x83: {  	_ =	shalt  }
0x84: {  	_ =	shalt  }
0x85: {  	_ =	shalt  }
0x86: {  	_ =	shalt  }
0x87: {  	_ =	shalt  }
.Lfunc_end0:
.L_simem_size_0:
called_computation.1_lowered:
.L_overlay_start_0:
0x88: {  	s2 =	sld [smem:$0x3FD9]  }
0x89: {  	s3 =	sld [smem:$0x3FFE];
	_ =	sdelay $0x1  }
0x8a: {  	s1 =	srdreg.scid  }
0x8b: {  	s0 =	sand.u32 $0x1, s1  }
0x8c: {  	s17 =	sshll.u32 s0, $0xA;
	s2 =	sadd.s32 s3, s2  }
0x8d: {  	s2 =	sadd.s32 s2, s17  }
0x8e: {  	[smem:$0x3FB1] =	sst s2  }
0x8f: {  	_ = 	snop  }
0x90: {  	s18 =	sld [smem:$0x3FD0];
	(tm) =	ssettm $0x1  }
0x91: {  	s19 =	sld [smem:$0x3FFB];
	_ =	sdelay $0x3  }
0x92: {  	_ =	strace s19  }
0x93: {  	s2 =	sld [smem:$0x3FFC];
	_ =	sdelay $0x3  }
0x94: {  	_ =	strace s2  }
0x95: {  	s2 =	sld [smem:$0x3FFD];
	_ =	sdelay $0x3  }
0x96: {  	_ =	strace s2  }
0x97: {  	_ =	strace $0x8FFFFFFF  }
0x98: {  	s20 =	sld [smem:$0x3FDB];
	_ =	sdelay $0x1  }
0x99: {  	s4 =	simm.s32 $_scs_section_size  }
0x9a: {  	s5 =	simm.s32 $_size__tile_overlayer_lowered;
	s6 =	simm.s32 $_tile_overlayer_lowered  }
0x9b: {  	s7 =	simm.s32 $0x1BFF;
	s21 =	sshll.u32 s6, $0x1;
	s4 =	sadd.s32 s4, s20  }
0x9c: {  	s22 =	simm.s32 $0x0;
	s5 =	sshll.u32 s5, $0x1;
	s6 =	sadd.s32 s21, s4  }
0x9d: {  	[timem:s22], [sflag:s7] =	dma.local [hbm:s6], s5  }
0x9e: {  	_ =	swait.ge [sflag:s7], s5  }
0x9f: {  	s5 =	ssub.s32 $0x0, s5;
	[sflag:s7] =	ssyncset.done $0x0  }
0xa0: {  	[sflag:s7] =	ssyncadd.s32 s5;
	_ =	sdelay $0x1  }
0xa1: {  	s23 =	simm.s32 $0x1B8B  }
0xa2: {  	_ =	swait.ge [sflag:s23], $0x1  }
0xa3: {  	[sflag:s23] =	ssyncset.done $0x0  }
0xa4: {  	[sflag:s23] =	ssyncadd.s32 $0xFFFFFFFF  }
0xa5: {  	s5 =	sld [smem:$0x0]  }
0xa6: {  	s6 =	sand.u32 $0xFFFFFFFE, s1  }
0xa7: {  	p0 =	sne.s32 s1, s6  }
0xa8: {  	s6 =	sshll.u32 @p0 s6, $0xE  }
0xa9: {  	s6 =	sadd.s32 @p0 $0x11B8D, s6;
	s7 =	sshll.u32 @p0 s5, $0x11  }
0xaa: {  	s6 =	sor.u32 @p0 s7, s6  }
0xab: {  	[sflag:s6] =	ssyncadd.remote.s32 @p0 $0x1;
	_ =	sdelay $0x1  }
0xac: {  	s6 =	simm.s32 @p0 $0x1B8D  }
0xad: {  	_ =	swait.eq @p0 [sflag:s6], $0x1  }
0xae: {  	[sflag:s6] =	ssyncadd.s32 @p0 $0xFFFFFFFF  }
0xaf: {  	s7 =	sshll.u32 @!p0 s1, $0xE  }
0xb0: {  	s7 =	sor.u32 @!p0 $0x4000, s7;
	s6 =	simm.s32 @!p0 $0x1B8D  }
0xb1: {  	s5 =	sshll.u32 @!p0 s5, $0x11;
	s7 =	sadd.s32 @!p0 $0x11B8D, s7;
	_ =	swait.eq @!p0 [sflag:s6], $0x1  }
0xb2: {  	s5 =	sor.u32 @!p0 s5, s7;
	[sflag:s6] =	ssyncadd.s32 @!p0 $0xFFFFFFFF  }
0xb3: {  	s25 =	simm.s32 $0x1B8E;
	s24 =	sld [smem:$0x3FFE];
	[sflag:s5] =	ssyncadd.remote.s32 @!p0 $0x1  }
0xb4: {  	s26 =	simm.s32 $execute0_lowered;
	[smem:$0x3FD2] =	sst s25  }
0xb5: {  	s6 =	sshll.u32 s26, $0x1;
	_ =	strace $0x80000049;
	[dreg:$0x1] =	wrdreg $0xFFFFFFFF  }
0xb6: {  	s28 =	simm.s32 $_size_execute0_lowered;
	s4 =	sadd.s32 s4, s6;
	[dreg:$0x0] =	wrdreg $0x0  }
0xb7: {  	s6 =	sshll.u32 s28, $0x1;
	[dreg:$0x2] =	wrdreg s4  }
0xb8: {  	[dreg:$0x3] =	wrdreg s6  }
0xb9: {  	[dreg:$0x4] =	wrdreg $0xC0  }
0xba: {  	_ =	task [dreg:s22], $0x5FFFF  }
0xbb: {  	[dreg:$0x1] =	wrdreg $0xFFFFFFFF  }
0xbc: {  	[dreg:$0x0] =	wrdreg $0x60  }
0xbd: {  	[dreg:$0x2] =	wrdreg s24  }
0xbe: {  	[dreg:$0x3] =	wrdreg s18  }
0xbf: {  	[dreg:$0x4] =	wrdreg $0x0  }
0xc0: {  	[dreg:$0x5] =	wrdreg $0xA  }
0xc1: {  	_ =	task.clear_ibuf [dreg:s22], $0x6FFFF;
	_ =	strace $0x90000049  }
0xc2: {  	s29 =	simm.s32 $0xA;
	_ =	strace $0x8000004B  }
0xc3: {  	_ =	swait.ge [sflag:s29], $0x1  }
0xc4: {  	[sflag:s29] =	ssyncadd.s32 $0xFFFFFFFF  }
0xc5: {  	_ =	strace $0x9000004B  }
0xc6: {  	_ =	sfence  }
0xc7: {  	s30 =	sld [smem:$0x0];
	_ =	sdelay $0x2  }
0xc8: {  	s31 =	sshll.u32 s1, $0xD;
	s1 =	sshrl.u32 s1, $0x2  }
0xc9: {  	s4 =	sand.u32 $0x4000, s31;
	s1 =	sadd.s32 s1, s30  }
0xca: {  	s0 =	sor.u32 s4, s0;
	s1 =	sshll.u32 s1, $0x11  }
0xcb: {  	s0 =	sor.u32 s1, s0  }
0xcc: {  	s0 =	sadd.s32 $0x8F2B, s0  }
0xcd: {  	[sflag:s0] =	ssyncadd.remote.s32 $0x1  }
0xce: {  	_ =	sfence.sel $0xFFFF  }
0xcf: {  	[dreg:$0x0] =	wrdreg $0xFFFFFFFF;
	(pc) =	sbr.abs _section_cstart, $3  }
0xd0: {  	[dreg:$0x1] =	wrdreg $0xFFFFFFFF  }
0xd1: {  	_ =	task.clear_ibuf [dreg:s22], $0x2FFFF;
	_ =	strace $0x9FFFFFFF  }
0xd2: {  	(tm) =	ssettm $0x7FFFFFFF  }
0xd3: {  	_ =	shalt  }
tec
execute0_lowered:
.L_overlay_start_1:
0x0: {  	(tag) =	ssettag $0x1  }
0x1: {  	s1 =	rddreg [dreg:$0x0]  }
0x2: {  	s7 =	rddreg [dreg:$0x1];
	s3 =	srdreg.scid  }
0x3: {  	s0 =	stileid.u32;
	s2 =	rddreg [dreg:$0x2]  }
0x4: {  	s13 =	simm.s32 $0x2;
	s14 =	simm.s32 $0x15440;
	s21 =	simm.s32 $0x80  }
0x5: {  	s22 =	simm.s32 $0x16840;
	s23 =	simm.s32 $0x16940;
	s24 =	simm.s32 $0x1  }
0x6: {  	s25 =	simm.s32 $0x168C0;
	s26 =	simm.s32 $0x0;
	s9 =	sand.u32 $0x1, s3  }
0x7: {  	s4 =	sshll.u32 s0, $0x1;
	s3 =	simm.s32 $0x0;
	s10 =	smul.u32 $0x50000, s0  }
0x8: {  	s5 =	sadd.s32 $0x15400, s1;
	s6 =	sadd.s32 $0x92C00, s1;
	s31 =	sshll.u32 s0, $0x6  }
0x9: {  	s4 =	sor.u32 s9, s4;
	[smem:$0x7FF] =	sst s3;
	s12 =	ssub.s32 $0x2, s9  }
0xa: {  	s9 =	sshll.u32 s9, $0x3;
	s15 =	sor.u32 $0x1C02, s31;
	s8 =	smul.u32 $0x280, s4  }
0xb: {  	_ =	strace $0x8000004A;
	s4 =	sadd.s32 $0x6AC00, s1;
	s10 =	sshrl.u32 s10, $0x2  }
0xc: {  	s30 =	sshrl.u32 s12, $0x1;
	s16 =	sadd.s32 s10, s2;
	s10 =	smul.u32 $0x14000, s0  }
0xd: {  	s11 =	sadd.s32 s8, s1;
	s1 =	ssub.s32 s12, s30;
	s7 =	sadd.s32 s7, s8  }
0xe: {  	s17 =	sadd.s32 $0x4000, s16;
	s18 =	sadd.s32 $0x8000, s16;
	s19 =	sadd.s32 $0xC000, s16  }
0xf: {  	s20 =	sadd.s32 $0x10000, s16;
	s12 =	simm.s32 $0x14040;
	s16 =	sshrl.u32 s16, $0x3  }
0x10: {  	s8 =	sadd.s32 $0x65C00, s11;
	s11 =	smax.u32 s1, $0x1;
	s17 =	sshrl.u32 s17, $0x3  }
0x11: {  	s18 =	sshrl.u32 s18, $0x3;
	s19 =	sshrl.u32 s19, $0x3;
	s20 =	sshrl.u32 s20, $0x3  }
.LBB2_1:
0x12: {  	[tilespmem:s12], [sflag:$0x2] =	stream.linear.gather [hbm4b:s7+s3], $0x1400, $0x38;
	[tilespmem:$0x1A940] =	vst v63  }
0x13: {  	_ =	swait.ge [sflag:s13], $0x1400  }
0x14: {  	[sflag:s13] =	ssyncset.done $0x0  }
0x15: {  	[sflag:s13] =	ssyncadd.s32 $0xFFFFEC00  }
0x16: {  	[tilespmem:s14], [sflag:$0x2] =	stream.linear.gather [hbm4b:s8+s3], $0x1400, $0x38;
	[tilespmem:$0x1A940] =	vst v63  }
0x17: {  	_ =	swait.ge [sflag:s13], $0x1400  }
0x18: {  	[sflag:s13] =	ssyncset.done $0x0  }
0x19: {  	[sflag:s13] =	ssyncadd.s32 $0xFFFFEC00  }
0x1a: {  	[spmem:s16], [sflag:s15] =	dma.local [hbm:s5], $0x800  }
0x1b: {  	_ =	swait.ge [sflag:s13], $0x800  }
0x1c: {  	[sflag:s13] =	ssyncset.done $0x0  }
0x1d: {  	[sflag:s13] =	ssyncadd.s32 $0xFFFFF800  }
0x1e: {  	[spmem:s17], [sflag:s15] =	dma.local [hbm:s5], $0x800  }
0x1f: {  	_ =	swait.ge [sflag:s13], $0x800  }
0x20: {  	[sflag:s13] =	ssyncset.done $0x0  }
0x21: {  	[sflag:s13] =	ssyncadd.s32 $0xFFFFF800  }
0x22: {  	[spmem:s18], [sflag:s15] =	dma.local [hbm:s5], $0x800  }
0x23: {  	_ =	swait.ge [sflag:s13], $0x800  }
0x24: {  	[sflag:s13] =	ssyncset.done $0x0  }
0x25: {  	[sflag:s13] =	ssyncadd.s32 $0xFFFFF800  }
0x26: {  	[spmem:s19], [sflag:s15] =	dma.local [hbm:s5], $0x800  }
0x27: {  	_ =	swait.ge [sflag:s13], $0x800  }
0x28: {  	[sflag:s13] =	ssyncset.done $0x0  }
0x29: {  	[sflag:s13] =	ssyncadd.s32 $0xFFFFF800  }
0x2a: {  	[spmem:s20], [sflag:s15] =	dma.local [hbm:s5], $0x800  }
0x2b: {  	_ =	swait.ge [sflag:s13], $0x800  }
0x2c: {  	[sflag:s13] =	ssyncset.done $0x0  }
0x2d: {  	[sflag:s13] =	ssyncadd.s32 $0xFFFFF800  }
0x2e: {  	s28 =	simm.s32 $0x0;
	[bflag:$0x0] =	sbarrier.arrive $0xFFFF  }
.LBB2_2:
0x2f: {  	s1 =	simm.s32 $0x0  }
0x30: {  	v1 =	vld [tilespmem:s1+$0x15440];
	_ =	sdelay $0x1  }
0x31: {  	s29 =	smul.u32 $0x2808, s28;
	v2 =	vld [tilespmem:s1+$0x14040];
	_ =	sdelay $0x1  }
0x32: {  	v0 =	vmov s29  }
0x33: {  	v1 =	vsub.s32 v1, v0  }
0x34: {  	vm0 =	vlt.u32 v1, $0x2808  }
0x35: {  	[tilespmem:$0x16840] =	vst v2;
	v1 =	vnsel vm0, $0x2800, v1  }
0x36: {  	[tilespmem:$0x168C0] =	vst v1  }
0x37: {  	v1 =	vld [tilespmem:s1+$0x15450];
	_ =	sdelay $0x1  }
0x38: {  	v2 =	vld [tilespmem:s1+$0x14050];
	_ =	sdelay $0x2  }
0x39: {  	v1 =	vsub.s32 v1, v0  }
0x3a: {  	vm9 =	vlt.u32 v1, $0x2808  }
0x3b: {  	[tilespmem:$0x16850] =	vst v2;
	v1 =	vnsel vm9, $0x2800, v1  }
0x3c: {  	[tilespmem:$0x168D0] =	vst v1  }
0x3d: {  	v1 =	vld [tilespmem:s1+$0x15460];
	_ =	sdelay $0x1  }
0x3e: {  	v2 =	vld [tilespmem:s1+$0x14060];
	_ =	sdelay $0x2  }
0x3f: {  	v1 =	vsub.s32 v1, v0  }
0x40: {  	vm10 =	vlt.u32 v1, $0x2808  }
0x41: {  	[tilespmem:$0x16860] =	vst v2;
	v1 =	vnsel vm10, $0x2800, v1  }
0x42: {  	[tilespmem:$0x168E0] =	vst v1  }
0x43: {  	v1 =	vld [tilespmem:s1+$0x15470];
	_ =	sdelay $0x1  }
0x44: {  	v2 =	vld [tilespmem:s1+$0x14070];
	_ =	sdelay $0x2  }
0x45: {  	v1 =	vsub.s32 v1, v0  }
0x46: {  	vm11 =	vlt.u32 v1, $0x2808  }
0x47: {  	[tilespmem:$0x16870] =	vst v2;
	v1 =	vnsel vm11, $0x2800, v1  }
0x48: {  	[tilespmem:$0x168F0] =	vst v1  }
0x49: {  	v1 =	vld [tilespmem:s1+$0x15480];
	_ =	sdelay $0x1  }
0x4a: {  	v2 =	vld [tilespmem:s1+$0x14080];
	_ =	sdelay $0x2  }
0x4b: {  	v1 =	vsub.s32 v1, v0  }
0x4c: {  	vm12 =	vlt.u32 v1, $0x2808  }
0x4d: {  	[tilespmem:$0x16880] =	vst v2;
	v1 =	vnsel vm12, $0x2800, v1  }
0x4e: {  	[tilespmem:$0x16900] =	vst v1  }
0x4f: {  	v1 =	vld [tilespmem:s1+$0x15490];
	_ =	sdelay $0x1  }
0x50: {  	v2 =	vld [tilespmem:s1+$0x14090];
	_ =	sdelay $0x2  }
0x51: {  	v1 =	vsub.s32 v1, v0  }
0x52: {  	vm13 =	vlt.u32 v1, $0x2808  }
0x53: {  	[tilespmem:$0x16890] =	vst v2;
	v1 =	vnsel vm13, $0x2800, v1  }
0x54: {  	[tilespmem:$0x16910] =	vst v1  }
0x55: {  	v1 =	vld [tilespmem:s1+$0x154A0];
	_ =	sdelay $0x1  }
0x56: {  	v2 =	vld [tilespmem:s1+$0x140A0];
	_ =	sdelay $0x2  }
0x57: {  	v1 =	vsub.s32 v1, v0  }
0x58: {  	vm14 =	vlt.u32 v1, $0x2808  }
0x59: {  	[tilespmem:$0x168A0] =	vst v2;
	v1 =	vnsel vm14, $0x2800, v1  }
0x5a: {  	[tilespmem:$0x16920] =	vst v1  }
0x5b: {  	v1 =	vld [tilespmem:s1+$0x154B0];
	_ =	sdelay $0x1  }
0x5c: {  	v2 =	vld [tilespmem:s1+$0x140B0];
	_ =	sdelay $0x2  }
0x5d: {  	v1 =	vsub.s32 v1, v0  }
0x5e: {  	vm15 =	vlt.u32 v1, $0x2808  }
0x5f: {  	[tilespmem:$0x168B0] =	vst v2;
	v1 =	vnsel vm15, $0x2800, v1  }
0x60: {  	[tilespmem:$0x16930] =	vst v1  }
0x61: {  	[tilespmem:s23], [sflag:$0x1] =	stream.indirect.gather [hbm4b:s4+s21], $0x80, s22, s21, $0xb8;
	[tilespmem:$0x1A940] =	vst v63  }
0x62: {  	_ =	swait.ge [sflag:s24], $0x4000  }
0x63: {  	[sflag:s24] =	ssyncset.done $0x0  }
0x64: {  	[sflag:s24] =	ssyncadd.s32 $0xFFFFC000  }
0x65: {  	[spmem:s2] =	stream.indirect.scatter.add.f32 [tilespmem:s23], [sflag:$0x2], $0x80, s25, s21, $0xb8;
	[tilespmem:$0x1A940] =	vst v63  }
0x66: {  	s30 =	simm.s32 $0x400;
	s29 =	simm.s32 $0x200;
	_ =	swait.ge [sflag:s13], $0x4000  }
.LBB2_3:
0x67: {  	s31 =	sshra.s32 s29, $0x2  }
0x68: {  	[sflag:s13] =	ssyncset.done $0x0;
	s29 =	smov.u32 s30;
	s1 =	sadd.s32 $0x200, s30  }
0x69: {  	p0 =	sne.s32 s30, $0x4E00;
	[sflag:s13] =	ssyncadd.s32 $0xFFFFC000  }
0x6a: {  	v1 =	vld [tilespmem:s31+$0x15440];
	_ =	sdelay $0x1  }
0x6b: {  	v2 =	vld [tilespmem:s31+$0x14040];
	_ =	sdelay $0x2  }
0x6c: {  	v1 =	vsub.s32 v1, v0  }
0x6d: {  	vm0 =	vlt.u32 v1, $0x2808  }
0x6e: {  	[tilespmem:$0x16840] =	vst v2;
	v1 =	vnsel vm0, $0x2800, v1  }
0x6f: {  	[tilespmem:$0x168C0] =	vst v1  }
0x70: {  	v1 =	vld [tilespmem:s31+$0x15450];
	_ =	sdelay $0x1  }
0x71: {  	v2 =	vld [tilespmem:s31+$0x14050];
	_ =	sdelay $0x2  }
0x72: {  	v1 =	vsub.s32 v1, v0  }
0x73: {  	vm0 =	vlt.u32 v1, $0x2808  }
0x74: {  	[tilespmem:$0x16850] =	vst v2;
	v1 =	vnsel vm0, $0x2800, v1  }
0x75: {  	[tilespmem:$0x168D0] =	vst v1  }
0x76: {  	v1 =	vld [tilespmem:s31+$0x15460];
	_ =	sdelay $0x1  }
0x77: {  	v2 =	vld [tilespmem:s31+$0x14060];
	_ =	sdelay $0x2  }
0x78: {  	v1 =	vsub.s32 v1, v0  }
0x79: {  	vm0 =	vlt.u32 v1, $0x2808  }
0x7a: {  	[tilespmem:$0x16860] =	vst v2;
	v1 =	vnsel vm0, $0x2800, v1  }
0x7b: {  	[tilespmem:$0x168E0] =	vst v1  }
0x7c: {  	v1 =	vld [tilespmem:s31+$0x15470];
	_ =	sdelay $0x1  }
0x7d: {  	v2 =	vld [tilespmem:s31+$0x14070];
	_ =	sdelay $0x2  }
0x7e: {  	v1 =	vsub.s32 v1, v0  }
0x7f: {  	vm0 =	vlt.u32 v1, $0x2808  }
0x80: {  	[tilespmem:$0x16870] =	vst v2;
	v1 =	vnsel vm0, $0x2800, v1  }
0x81: {  	[tilespmem:$0x168F0] =	vst v1  }
0x82: {  	v1 =	vld [tilespmem:s31+$0x15480]  }
0x83: {  	v2 =	vld [tilespmem:s31+$0x14080];
	_ =	sdelay $0x3  }
0x84: {  	v1 =	vsub.s32 v1, v0  }
0x85: {  	[tilespmem:$0x16880] =	vst v2;
	vm0 =	vlt.u32 v1, $0x2808  }
0x86: {  	v1 =	vnsel vm0, $0x2800, v1  }
0x87: {  	[tilespmem:$0x16900] =	vst v1  }
0x88: {  	v1 =	vld [tilespmem:s31+$0x15490]  }
0x89: {  	v2 =	vld [tilespmem:s31+$0x14090];
	_ =	sdelay $0x3  }
0x8a: {  	v1 =	vsub.s32 v1, v0  }
0x8b: {  	[tilespmem:$0x16890] =	vst v2;
	vm0 =	vlt.u32 v1, $0x2808  }
0x8c: {  	v1 =	vnsel vm0, $0x2800, v1  }
0x8d: {  	[tilespmem:$0x16910] =	vst v1  }
0x8e: {  	v1 =	vld [tilespmem:s31+$0x154A0]  }
0x8f: {  	v2 =	vld [tilespmem:s31+$0x140A0];
	_ =	sdelay $0x3  }
0x90: {  	v1 =	vsub.s32 v1, v0  }
0x91: {  	[tilespmem:$0x168A0] =	vst v2;
	vm0 =	vlt.u32 v1, $0x2808  }
0x92: {  	v1 =	vnsel vm0, $0x2800, v1  }
0x93: {  	[tilespmem:$0x16920] =	vst v1  }
0x94: {  	v1 =	vld [tilespmem:s31+$0x154B0]  }
0x95: {  	v2 =	vld [tilespmem:s31+$0x140B0];
	_ =	sdelay $0x3  }
0x96: {  	v1 =	vsub.s32 v1, v0  }
0x97: {  	[tilespmem:$0x168B0] =	vst v2;
	vm0 =	vlt.u32 v1, $0x2808  }
0x98: {  	v1 =	vnsel vm0, $0x2800, v1  }
0x99: {  	[tilespmem:$0x16930] =	vst v1  }
0x9a: {  	[tilespmem:s23], [sflag:$0x1] =	stream.indirect.gather [hbm4b:s4+s21], $0x80, s22, s21, $0xb8;
	[tilespmem:$0x1A940] =	vst v63  }
.Ltmp0:
0x9b: {  	_ =	swait.ge [sflag:s24], $0x4000;
	(pc) =	sbr.rel @p0 .LBB2_3-.Ltmp0, $4  }
0x9c: {  	[sflag:s24] =	ssyncset.done $0x0  }
0x9d: {  	[sflag:s24] =	ssyncadd.s32 $0xFFFFC000  }
0x9e: {  	[spmem:s2] =	stream.indirect.scatter.add.f32 [tilespmem:s23], [sflag:$0x2], $0x80, s25, s21, $0xb8;
	[tilespmem:$0x1A940] =	vst v63  }
0x9f: {  	s30 =	smov.u32 s1;
	_ =	swait.ge [sflag:s13], $0x4000  }
0xa0: {  	[sflag:s13] =	ssyncset.done $0x0  }
0xa1: {  	s1 =	sshra.s32 s29, $0x2;
	[sflag:s13] =	ssyncadd.s32 $0xFFFFC000  }
0xa2: {  	v1 =	vld [tilespmem:s1+$0x15440];
	_ =	sdelay $0x1  }
0xa3: {  	v2 =	vld [tilespmem:s1+$0x14040];
	_ =	sdelay $0x2  }
0xa4: {  	v1 =	vsub.s32 v1, v0  }
0xa5: {  	vm0 =	vlt.u32 v1, $0x2808  }
0xa6: {  	[tilespmem:$0x16840] =	vst v2;
	v1 =	vnsel vm0, $0x2800, v1  }
0xa7: {  	[tilespmem:$0x168C0] =	vst v1  }
0xa8: {  	v1 =	vld [tilespmem:s1+$0x15450];
	_ =	sdelay $0x1  }
0xa9: {  	v2 =	vld [tilespmem:s1+$0x14050];
	_ =	sdelay $0x2  }
0xaa: {  	v1 =	vsub.s32 v1, v0  }
0xab: {  	vm9 =	vlt.u32 v1, $0x2808  }
0xac: {  	[tilespmem:$0x16850] =	vst v2;
	v1 =	vnsel vm9, $0x2800, v1  }
0xad: {  	[tilespmem:$0x168D0] =	vst v1  }
0xae: {  	v1 =	vld [tilespmem:s1+$0x15460];
	_ =	sdelay $0x1  }
0xaf: {  	v2 =	vld [tilespmem:s1+$0x14060];
	_ =	sdelay $0x2  }
0xb0: {  	v1 =	vsub.s32 v1, v0  }
0xb1: {  	vm10 =	vlt.u32 v1, $0x2808  }
0xb2: {  	[tilespmem:$0x16860] =	vst v2;
	v1 =	vnsel vm10, $0x2800, v1  }
0xb3: {  	[tilespmem:$0x168E0] =	vst v1  }
0xb4: {  	v1 =	vld [tilespmem:s1+$0x15470];
	_ =	sdelay $0x1  }
0xb5: {  	v2 =	vld [tilespmem:s1+$0x14070];
	_ =	sdelay $0x2  }
0xb6: {  	v1 =	vsub.s32 v1, v0  }
0xb7: {  	vm11 =	vlt.u32 v1, $0x2808  }
0xb8: {  	[tilespmem:$0x16870] =	vst v2;
	v1 =	vnsel vm11, $0x2800, v1  }
0xb9: {  	[tilespmem:$0x168F0] =	vst v1  }
0xba: {  	v1 =	vld [tilespmem:s1+$0x15480];
	_ =	sdelay $0x1  }
0xbb: {  	v2 =	vld [tilespmem:s1+$0x14080];
	_ =	sdelay $0x2  }
0xbc: {  	v1 =	vsub.s32 v1, v0  }
0xbd: {  	vm12 =	vlt.u32 v1, $0x2808  }
0xbe: {  	[tilespmem:$0x16880] =	vst v2;
	v1 =	vnsel vm12, $0x2800, v1  }
0xbf: {  	[tilespmem:$0x16900] =	vst v1  }
0xc0: {  	v1 =	vld [tilespmem:s1+$0x15490];
	_ =	sdelay $0x1  }
0xc1: {  	v2 =	vld [tilespmem:s1+$0x14090];
	_ =	sdelay $0x2  }
0xc2: {  	v1 =	vsub.s32 v1, v0  }
0xc3: {  	vm13 =	vlt.u32 v1, $0x2808  }
0xc4: {  	[tilespmem:$0x16890] =	vst v2;
	v1 =	vnsel vm13, $0x2800, v1  }
0xc5: {  	[tilespmem:$0x16910] =	vst v1  }
0xc6: {  	v1 =	vld [tilespmem:s1+$0x154A0];
	_ =	sdelay $0x1  }
0xc7: {  	v2 =	vld [tilespmem:s1+$0x140A0];
	_ =	sdelay $0x2  }
0xc8: {  	v1 =	vsub.s32 v1, v0  }
0xc9: {  	vm14 =	vlt.u32 v1, $0x2808  }
0xca: {  	[tilespmem:$0x168A0] =	vst v2;
	v1 =	vnsel vm14, $0x2800, v1  }
0xcb: {  	[tilespmem:$0x16920] =	vst v1  }
0xcc: {  	v1 =	vld [tilespmem:s1+$0x154B0];
	_ =	sdelay $0x1  }
0xcd: {  	v2 =	vld [tilespmem:s1+$0x140B0];
	_ =	sdelay $0x2  }
0xce: {  	v63 =	vsub.s32 v1, v0  }
0xcf: {  	vm15 =	vlt.u32 v63, $0x2808  }
0xd0: {  	[tilespmem:$0x168B0] =	vst v2;
	v0 =	vnsel vm15, $0x2800, v63  }
0xd1: {  	[tilespmem:$0x16930] =	vst v0  }
0xd2: {  	[tilespmem:s23], [sflag:$0x1] =	stream.indirect.gather [hbm4b:s4+s21], $0x80, s22, s21, $0xb8;
	[tilespmem:$0x1A940] =	vst v63  }
0xd3: {  	_ =	swait.ge [sflag:s24], $0x4000  }
0xd4: {  	s31 =	sadd.s32 s9, s28;
	[sflag:s24] =	ssyncset.done $0x0  }
0xd5: {  	s1 =	smul.u32 $0x140000, s31;
	[sflag:s24] =	ssyncadd.s32 $0xFFFFC000  }
0xd6: {  	[spmem:s2] =	stream.indirect.scatter.add.f32 [tilespmem:s23], [sflag:$0x2], $0x80, s25, s21, $0xb8;
	[tilespmem:$0x1A940] =	vst v63  }
0xd7: {  	_ =	swait.ge [sflag:s13], $0x4000  }
0xd8: {  	s1 =	sadd.s32 s10, s1;
	[sflag:s13] =	ssyncset.done $0x0  }
0xd9: {  	s28 =	sadd.s32 $0x1, s28;
	s1 =	sshrl.u32 s1, $0x3;
	[sflag:s13] =	ssyncadd.s32 $0xFFFFC000  }
0xda: {  	p0 =	sne.s32 s28, $0x8;
	s1 =	sadd.s32 s6, s1;
	[bflag:$0x0] =	sbarrier.arrive $0xFFFF  }
0xdb: {  	[hbm:s1], [sflag:s15] =	dma.local [spmem:s16], $0x2800  }
.Ltmp1:
0xdc: {  	_ =	swait.ge [sflag:s13], $0x2800;
	(pc) =	sbr.rel @p0 .LBB2_2-.Ltmp1, $3  }
0xdd: {  	[sflag:s13] =	ssyncset.done $0x0  }
0xde: {  	[sflag:s13] =	ssyncadd.s32 $0xFFFFD800  }
0xdf: {  	[bflag:$0x0] =	sbarrier.arrive $0xFFFF;
	_ =	sdelay $0x1  }
0xe0: {  	s26 =	sadd.s32 $0x1, s26  }
0xe1: {  	p0 =	sne.s32 s26, s11  }
.Ltmp2:
0xe2: {  	_ = 	snop;
	(pc) =	sbr.rel @p0 .LBB2_1-.Ltmp2, $1  }
0xe3: {  	_ =	sdelay $0x3  }
0xe4: {  	_ =	sfence.sel $0x180000  }
0xe5: {  	[bflag:$0x0] =	sbarrier.arrive $0xFFFF  }
0xe6: {  	_ =	strace $0x9000004A  }
0xe7: {  	[bflag:$0x2] =	sbarrier.arrive $0xFFFF  }
0xe8: {  	p0 =	sne.s32 s0, $0x0;
	s0 =	rddreg [dreg:$0x3]  }
0xe9: {  	s0 =	sadd.s32 @!p0 $0x100000, s0  }
0xea: {  	[sflag:s0] =	ssyncadd.tile.s32 @!p0 $0x1;
	_ =	shalt  }
.Lfunc_end2:
_tile_overlayer_lowered:
.L_overlay_start_2:
0xeb: {  	(tag) =	ssettag $0x2  }
0xec: {  	s0 =	rddreg [dreg:$0x0];
	s2 =	stileid.u32  }
0xed: {  	s1 =	rddreg [dreg:$0x1];
	p0 =	sne.s32 s2, $0x0  }
0xee: {  	s3 =	rddreg [dreg:$0x2];
	[bflag:$0x3] =	sbarrier.arrive $0xFFFF;
	s2 =	simm.s32 @!p0 $0x1C02  }
0xef: {  	[timem:s3], [sflag:s2] =	dma.local @!p0 [hbm:s0], s1  }
0xf0: {  	s0 =	simm.s32 @!p0 $0x2  }
0xf1: {  	_ =	swait.ge @!p0 [sflag:s0], s1  }
0xf2: {  	s1 =	ssub.s32 @!p0 $0x0, s1;
	[sflag:s0] =	ssyncset.done @!p0 $0x0  }
0xf3: {  	[sflag:s0] =	ssyncadd.s32 @!p0 s1  }
0xf4: {  	[bflag:$0x3] =	sbarrier.arrive $0xFFFF  }
0xf5: {  	_ =	shalt  }

// kernel: kernel.18.cloned.1.call-start
scs
__scs_entry_jumppad:
0x0: {  	(pc) =	sbr.rel $0x88, $3  }
0x1: {  	(tag) =	ssettag $0x0;
	lr =	simm.s32 $0x1  }
0x2: {  	[smem:$0x3F8A] =	sst lr;
	_ =	strace $0xD0000000  }
0x3: {  	_ = 	snop  }
0x4: {  	_ = 	snop  }
0x5: {  	_ = 	snop  }
0x6: {  	_ = 	snop  }
0x7: {  	_ = 	snop  }
__scs_overlays_trampoline_lowered:
0x8: {  	[smem:$0x3F99] =	sst s0  }
0x9: {  	[smem:$0x3F9A] =	sst s1  }
0xa: {  	[smem:$0x3F9B] =	sst s2  }
0xb: {  	[smem:$0x3F9C] =	sst s3  }
0xc: {  	[smem:$0x3F9D] =	sst s4  }
0xd: {  	[smem:$0x3F9E] =	sst s5  }
0xe: {  	[smem:$0x3F9F] =	sst s6  }
0xf: {  	[smem:$0x3FA0] =	sst s7  }
0x10: {  	[smem:$0x3FA1] =	sst s8  }
0x11: {  	[smem:$0x3FA2] =	sst s9;
	s0 =	simm.s32 @!p0 $0x0  }
0x12: {  	s1 =	sld [smem:$0x3F88];
	s0 =	simm.s32 @p0 $0x1  }
0x13: {  	[smem:$0x3FA3] =	sst s0;
	s0 =	simm.s32 @!p1 $0x0  }
0x14: {  	s2 =	sld [smem:$0x3F87];
	s0 =	simm.s32 @p1 $0x1  }
0x15: {  	[smem:$0x3FA4] =	sst s0;
	s0 =	simm.s32 @!p2 $0x0  }
0x16: {  	s3 =	sld [smem:$0x3FDB];
	s0 =	simm.s32 @p2 $0x1  }
0x17: {  	s4 =	simm.s32 $0x1BF5;
	[smem:$0x3FA6] =	sst s0  }
0x18: {  	s0 =	sld [smem:$0x3F89];
	_ =	swait.ge [sflag:s4], $0x0  }
0x19: {  	s7 =	sld [smem:$0x3F8A]  }
0x1a: {  	s8 =	sadd.s32 $0xFFFFE003, lr  }
0x1b: {  	s9 =	sadd.s32 $0xFFFFFEF7, lr;
	s5 =	simm.s32 $0xFFFFFFFF;
	p2 =	slt.u32 s8, $0xFFFFF086  }
0x1c: {  	p1 =	slt.u32 s9, $0xF7A;
	s5 =	simm.s32 @!p2 $0x0  }
0x1d: {  	s5 =	simm.s32 @p1 $0x1;
	p0 =	seq.s32 s7, s2  }
0x1e: {  	s7 =	smul.u32 @!p0 $0xF7A, s2;
	p2 =	seq.s32 @!p0 s5, $0x0  }
0x1f: {  	s9 =	smul.u32 $0xF7A, s1;
	s8 =	simm.s32 @!p0 $0x1BF5;
	p2 =	por !p2, p0  }
0x20: {  	[sflag:s8] =	ssyncset.s32 @!p0 $0xFFFFF086;
	s6 =	sadd.s32 @!p0 s3, s7;
	s7 =	simm.s32 @!p0 $0x108  }
0x21: {  	s3 =	sadd.s32 s3, s9;
	s6 =	sadd.s32 @!p0 $0x88, s6;
	s7 =	simm.s32 @p2 $0x1082  }
0x22: {  	[simem:s7], [sflag:s8] =	dma.local @!p0 [hbm:s6], $0xF7A  }
0x23: {  	s9 =	sor.u32 $0xD0000000, s2;
	s6 =	simm.s32 $0x108;
	_ =	swait.ge @!p0 [sflag:s8], $0x0  }
0x24: {  	s3 =	sadd.s32 $0x88, s3;
	s6 =	simm.s32 @!p1 $0x1082;
	[sflag:s4] =	ssyncset.s32 $0xFFFFF086  }
0x25: {  	[simem:s6], [sflag:s4] =	dma.local [hbm:s3], $0xF7A  }
0x26: {  	[smem:$0x3F8A] =	sst s1;
	(tag) =	ssettag s2;
	_ =	strace s9  }
0x27: {  	s1 =	sld [smem:$0x3F9A]  }
0x28: {  	s2 =	sld [smem:$0x3F9B]  }
0x29: {  	s4 =	sld [smem:$0x3F9D]  }
0x2a: {  	p0 =	seq.s32 s5, $0x0;
	s5 =	sld [smem:$0x3F9E]  }
0x2b: {  	s6 =	sld [smem:$0x3F9F]  }
0x2c: {  	s7 =	sld [smem:$0x3FA0]  }
0x2d: {  	s3 =	simm.s32 $0x108;
	s8 =	sld [smem:$0x3FA1]  }
0x2e: {  	s3 =	simm.s32 @!p0 $0x1082;
	s9 =	sld [smem:$0x3FA2]  }
0x2f: {  	lr =	sadd.s32 s0, s3;
	s0 =	sld [smem:$0x3F99]  }
0x30: {  	s3 =	sld [smem:$0x3F9C]  }
0x31: {  	[smem:$0x3FA5] =	sst s10  }
0x32: {  	s10 =	sld [smem:$0x3FA3];
	_ =	sdelay $0x3  }
0x33: {  	p0 =	seq.s32 s10, $0x1;
	s10 =	sld [smem:$0x3FA5];
	_ =	sdelay $0x3  }
0x34: {  	[smem:$0x3FA5] =	sst s10  }
0x35: {  	s10 =	sld [smem:$0x3FA4];
	_ =	sdelay $0x3  }
0x36: {  	p1 =	seq.s32 s10, $0x1;
	s10 =	sld [smem:$0x3FA5];
	_ =	sdelay $0x3  }
0x37: {  	[smem:$0x3FA5] =	sst s10  }
0x38: {  	s10 =	sld [smem:$0x3FA6]  }
0x39: {  	_ = 	snop;
	(pc) =	sbr.ind lr, $3  }
0x3a: {  	_ = 	snop  }
0x3b: {  	_ = 	snop  }
0x3c: {  	p2 =	seq.s32 s10, $0x1;
	s10 =	sld [smem:$0x3FA5]  }
0x3d: {  	_ =	shalt  }
0x3e: {  	_ =	shalt  }
0x3f: {  	_ =	shalt  }
0x40: {  	_ =	shalt  }
0x41: {  	_ =	shalt  }
0x42: {  	_ =	shalt  }
0x43: {  	_ =	shalt  }
0x44: {  	_ =	shalt  }
0x45: {  	_ =	shalt  }
0x46: {  	_ =	shalt  }
0x47: {  	_ =	shalt  }
0x48: {  	_ =	shalt  }
0x49: {  	_ =	shalt  }
0x4a: {  	_ =	shalt  }
0x4b: {  	_ =	shalt  }
0x4c: {  	_ =	shalt  }
0x4d: {  	_ =	shalt  }
0x4e: {  	_ =	shalt  }
0x4f: {  	_ =	shalt  }
0x50: {  	_ =	shalt  }
0x51: {  	_ =	shalt  }
0x52: {  	_ =	shalt  }
0x53: {  	_ =	shalt  }
0x54: {  	_ =	shalt  }
0x55: {  	_ =	shalt  }
0x56: {  	_ =	shalt  }
0x57: {  	_ =	shalt  }
0x58: {  	_ =	shalt  }
0x59: {  	_ =	shalt  }
0x5a: {  	_ =	shalt  }
0x5b: {  	_ =	shalt  }
0x5c: {  	_ =	shalt  }
0x5d: {  	_ =	shalt  }
0x5e: {  	_ =	shalt  }
0x5f: {  	_ =	shalt  }
0x60: {  	_ =	shalt  }
0x61: {  	_ =	shalt  }
0x62: {  	_ =	shalt  }
0x63: {  	_ =	shalt  }
0x64: {  	_ =	shalt  }
0x65: {  	_ =	shalt  }
0x66: {  	_ =	shalt  }
0x67: {  	_ =	shalt  }
0x68: {  	_ =	shalt  }
0x69: {  	_ =	shalt  }
0x6a: {  	_ =	shalt  }
0x6b: {  	_ =	shalt  }
0x6c: {  	_ =	shalt  }
0x6d: {  	_ =	shalt  }
0x6e: {  	_ =	shalt  }
0x6f: {  	_ =	shalt  }
0x70: {  	_ =	shalt  }
0x71: {  	_ =	shalt  }
0x72: {  	_ =	shalt  }
0x73: {  	_ =	shalt  }
0x74: {  	_ =	shalt  }
0x75: {  	_ =	shalt  }
0x76: {  	_ =	shalt  }
0x77: {  	_ =	shalt  }
0x78: {  	_ =	shalt  }
0x79: {  	_ =	shalt  }
0x7a: {  	_ =	shalt  }
0x7b: {  	_ =	shalt  }
0x7c: {  	_ =	shalt  }
0x7d: {  	_ =	shalt  }
0x7e: {  	_ =	shalt  }
0x7f: {  	_ =	shalt  }
0x80: {  	_ =	shalt  }
0x81: {  	_ =	shalt  }
0x82: {  	_ =	shalt  }
0x83: {  	_ =	shalt  }
0x84: {  	_ =	shalt  }
0x85: {  	_ =	shalt  }
0x86: {  	_ =	shalt  }
0x87: {  	_ =	shalt  }
.Lfunc_end0:
.L_simem_size_0:
called_computation.2_lowered:
.L_overlay_start_0:
0x88: {  	s2 =	sld [smem:$0x3FD9]  }
0x89: {  	s3 =	sld [smem:$0x3FFE];
	_ =	sdelay $0x1  }
0x8a: {  	s1 =	srdreg.scid  }
0x8b: {  	s0 =	sand.u32 $0x1, s1  }
0x8c: {  	s17 =	sshll.u32 s0, $0xA;
	s2 =	sadd.s32 s3, s2  }
0x8d: {  	s2 =	sadd.s32 s2, s17  }
0x8e: {  	[smem:$0x3FB1] =	sst s2  }
0x8f: {  	_ = 	snop  }
0x90: {  	s2 =	sld [smem:$0x3FD0];
	(tm) =	ssettm $0x1  }
0x91: {  	s18 =	sld [smem:$0x3FFB];
	_ =	sdelay $0x3  }
0x92: {  	_ =	strace s18  }
0x93: {  	s3 =	sld [smem:$0x3FFC];
	_ =	sdelay $0x3  }
0x94: {  	_ =	strace s3  }
0x95: {  	s3 =	sld [smem:$0x3FFD];
	_ =	sdelay $0x3  }
0x96: {  	_ =	strace s3  }
0x97: {  	_ =	strace $0x8FFFFFFF  }
0x98: {  	s19 =	sld [smem:$0x3FDB];
	_ =	sdelay $0x1  }
0x99: {  	s4 =	simm.s32 $_scs_section_size  }
0x9a: {  	s5 =	simm.s32 $_size__tile_overlayer_lowered;
	s6 =	simm.s32 $_tile_overlayer_lowered  }
0x9b: {  	s22 =	simm.s32 $0x1BFF;
	s21 =	sshll.u32 s6, $0x1;
	s3 =	sadd.s32 s4, s19  }
0x9c: {  	s7 =	simm.s32 $0x0;
	s20 =	sshll.u32 s5, $0x1;
	s5 =	sadd.s32 s21, s3  }
0x9d: {  	[timem:s7], [sflag:s22] =	dma.local [hbm:s5], s20  }
0x9e: {  	_ =	swait.ge [sflag:s22], s20  }
0x9f: {  	s4 =	ssub.s32 $0x0, s20;
	[sflag:s22] =	ssyncset.done $0x0  }
0xa0: {  	[sflag:s22] =	ssyncadd.s32 s4;
	_ =	sdelay $0x1  }
0xa1: {  	s23 =	simm.s32 $0x1B8B  }
0xa2: {  	_ =	swait.ge [sflag:s23], $0x1  }
0xa3: {  	[sflag:s23] =	ssyncset.done $0x0  }
0xa4: {  	s25 =	simm.s32 $0x1B8E;
	s24 =	sld [smem:$0x3FFE];
	[sflag:s23] =	ssyncadd.s32 $0xFFFFFFFF  }
0xa5: {  	s26 =	simm.s32 $execute0_lowered;
	[smem:$0x3FD2] =	sst s25  }
0xa6: {  	s5 =	sshll.u32 s26, $0x1;
	_ =	strace $0x8000004C;
	[dreg:$0x1] =	wrdreg $0xFFFFFFFF  }
0xa7: {  	s28 =	simm.s32 $_size_execute0_lowered;
	s3 =	sadd.s32 s3, s5;
	[dreg:$0x0] =	wrdreg $0x0  }
0xa8: {  	s5 =	sshll.u32 s28, $0x1;
	[dreg:$0x2] =	wrdreg s3  }
0xa9: {  	[dreg:$0x3] =	wrdreg s5  }
0xaa: {  	[dreg:$0x4] =	wrdreg $0xC0  }
0xab: {  	_ =	task [dreg:s7], $0x5FFFF  }
0xac: {  	[dreg:$0x1] =	wrdreg $0xFFFFFFFF  }
0xad: {  	[dreg:$0x0] =	wrdreg $0x60  }
0xae: {  	[dreg:$0x2] =	wrdreg s24  }
0xaf: {  	[dreg:$0x3] =	wrdreg s2  }
0xb0: {  	[dreg:$0x4] =	wrdreg $0x0  }
0xb1: {  	[dreg:$0x5] =	wrdreg $0x9  }
0xb2: {  	_ =	task.clear_ibuf [dreg:s7], $0x6FFFF;
	_ =	strace $0x9000004C  }
0xb3: {  	s29 =	simm.s32 $0x9;
	_ =	strace $0x8000004E  }
0xb4: {  	_ =	swait.ge [sflag:s29], $0x1  }
0xb5: {  	[sflag:s29] =	ssyncadd.s32 $0xFFFFFFFF  }
0xb6: {  	_ =	strace $0x9000004E  }
0xb7: {  	_ =	sfence  }
0xb8: {  	s30 =	sld [smem:$0x0];
	_ =	sdelay $0x2  }
0xb9: {  	s31 =	sshll.u32 s1, $0xD;
	s1 =	sshrl.u32 s1, $0x2  }
0xba: {  	s3 =	sand.u32 $0x4000, s31;
	s1 =	sadd.s32 s1, s30  }
0xbb: {  	s0 =	sor.u32 s3, s0;
	s1 =	sshll.u32 s1, $0x11  }
0xbc: {  	s0 =	sor.u32 s1, s0  }
0xbd: {  	s0 =	sadd.s32 $0x8F2B, s0  }
0xbe: {  	[sflag:s0] =	ssyncadd.remote.s32 $0x1  }
0xbf: {  	_ =	sfence.sel $0xFFFF  }
0xc0: {  	[dreg:$0x0] =	wrdreg $0xFFFFFFFF;
	(pc) =	sbr.abs _section_cstart, $3  }
0xc1: {  	[dreg:$0x1] =	wrdreg $0xFFFFFFFF  }
0xc2: {  	_ =	task.clear_ibuf [dreg:s7], $0x2FFFF;
	_ =	strace $0x9FFFFFFF  }
0xc3: {  	(tm) =	ssettm $0x7FFFFFFF  }
tec
execute0_lowered:
.L_overlay_start_1:
0x0: {  	(tag) =	ssettag $0x1  }
0x1: {  	s1 =	rddreg [dreg:$0x0]  }
0x2: {  	s7 =	rddreg [dreg:$0x1];
	s3 =	srdreg.scid  }
0x3: {  	s0 =	stileid.u32;
	s2 =	rddreg [dreg:$0x2]  }
0x4: {  	s13 =	simm.s32 $0x2;
	s14 =	simm.s32 $0x15440;
	s21 =	simm.s32 $0x80  }
0x5: {  	s22 =	simm.s32 $0x16840;
	s23 =	simm.s32 $0x16940;
	s24 =	simm.s32 $0x1  }
0x6: {  	s25 =	simm.s32 $0x168C0;
	s26 =	simm.s32 $0x0;
	s9 =	sand.u32 $0x1, s3  }
0x7: {  	s4 =	sshll.u32 s0, $0x1;
	s3 =	simm.s32 $0x0;
	s10 =	smul.u32 $0x50000, s0  }
0x8: {  	s5 =	sadd.s32 $0x15400, s1;
	s6 =	sadd.s32 $0x92C00, s1;
	s31 =	sshll.u32 s0, $0x6  }
0x9: {  	s4 =	sor.u32 s9, s4;
	[smem:$0x7FF] =	sst s3;
	s12 =	ssub.s32 $0x2, s9  }
0xa: {  	s9 =	sshll.u32 s9, $0x3;
	s15 =	sor.u32 $0x1C02, s31;
	s8 =	smul.u32 $0x280, s4  }
0xb: {  	_ =	strace $0x8000004D;
	s4 =	sadd.s32 $0x6AC00, s1;
	s10 =	sshrl.u32 s10, $0x2  }
0xc: {  	s30 =	sshrl.u32 s12, $0x1;
	s16 =	sadd.s32 s10, s2;
	s10 =	smul.u32 $0x14000, s0  }
0xd: {  	s11 =	sadd.s32 s8, s1;
	s1 =	ssub.s32 s12, s30;
	s7 =	sadd.s32 s7, s8  }
0xe: {  	s17 =	sadd.s32 $0x4000, s16;
	s18 =	sadd.s32 $0x8000, s16;
	s19 =	sadd.s32 $0xC000, s16  }
0xf: {  	s20 =	sadd.s32 $0x10000, s16;
	s12 =	simm.s32 $0x14040;
	s16 =	sshrl.u32 s16, $0x3  }
0x10: {  	s8 =	sadd.s32 $0x65C00, s11;
	s11 =	smax.u32 s1, $0x1;
	s17 =	sshrl.u32 s17, $0x3  }
0x11: {  	s18 =	sshrl.u32 s18, $0x3;
	s19 =	sshrl.u32 s19, $0x3;
	s20 =	sshrl.u32 s20, $0x3  }
.LBB2_1:
0x12: {  	[tilespmem:s12], [sflag:$0x2] =	stream.linear.gather [hbm4b:s7+s3], $0x1400, $0x38;
	[tilespmem:$0x1A940] =	vst v63  }
0x13: {  	_ =	swait.ge [sflag:s13], $0x1400  }
0x14: {  	[sflag:s13] =	ssyncset.done $0x0  }
0x15: {  	[sflag:s13] =	ssyncadd.s32 $0xFFFFEC00  }
0x16: {  	[tilespmem:s14], [sflag:$0x2] =	stream.linear.gather [hbm4b:s8+s3], $0x1400, $0x38;
	[tilespmem:$0x1A940] =	vst v63  }
0x17: {  	_ =	swait.ge [sflag:s13], $0x1400  }
0x18: {  	[sflag:s13] =	ssyncset.done $0x0  }
0x19: {  	[sflag:s13] =	ssyncadd.s32 $0xFFFFEC00  }
0x1a: {  	[spmem:s16], [sflag:s15] =	dma.local [hbm:s5], $0x800  }
0x1b: {  	_ =	swait.ge [sflag:s13], $0x800  }
0x1c: {  	[sflag:s13] =	ssyncset.done $0x0  }
0x1d: {  	[sflag:s13] =	ssyncadd.s32 $0xFFFFF800  }
0x1e: {  	[spmem:s17], [sflag:s15] =	dma.local [hbm:s5], $0x800  }
0x1f: {  	_ =	swait.ge [sflag:s13], $0x800  }
0x20: {  	[sflag:s13] =	ssyncset.done $0x0  }
0x21: {  	[sflag:s13] =	ssyncadd.s32 $0xFFFFF800  }
0x22: {  	[spmem:s18], [sflag:s15] =	dma.local [hbm:s5], $0x800  }
0x23: {  	_ =	swait.ge [sflag:s13], $0x800  }
0x24: {  	[sflag:s13] =	ssyncset.done $0x0  }
0x25: {  	[sflag:s13] =	ssyncadd.s32 $0xFFFFF800  }
0x26: {  	[spmem:s19], [sflag:s15] =	dma.local [hbm:s5], $0x800  }
0x27: {  	_ =	swait.ge [sflag:s13], $0x800  }
0x28: {  	[sflag:s13] =	ssyncset.done $0x0  }
0x29: {  	[sflag:s13] =	ssyncadd.s32 $0xFFFFF800  }
0x2a: {  	[spmem:s20], [sflag:s15] =	dma.local [hbm:s5], $0x800  }
0x2b: {  	_ =	swait.ge [sflag:s13], $0x800  }
0x2c: {  	[sflag:s13] =	ssyncset.done $0x0  }
0x2d: {  	[sflag:s13] =	ssyncadd.s32 $0xFFFFF800  }
0x2e: {  	s28 =	simm.s32 $0x0;
	[bflag:$0x0] =	sbarrier.arrive $0xFFFF  }
.LBB2_2:
0x2f: {  	s1 =	simm.s32 $0x0  }
0x30: {  	v1 =	vld [tilespmem:s1+$0x15440];
	_ =	sdelay $0x1  }
0x31: {  	s29 =	smul.u32 $0x2808, s28;
	v2 =	vld [tilespmem:s1+$0x14040];
	_ =	sdelay $0x1  }
0x32: {  	v0 =	vmov s29  }
0x33: {  	v1 =	vsub.s32 v1, v0  }
0x34: {  	vm0 =	vlt.u32 v1, $0x2808  }
0x35: {  	[tilespmem:$0x16840] =	vst v2;
	v1 =	vnsel vm0, $0x2800, v1  }
0x36: {  	[tilespmem:$0x168C0] =	vst v1  }
0x37: {  	v1 =	vld [tilespmem:s1+$0x15450];
	_ =	sdelay $0x1  }
0x38: {  	v2 =	vld [tilespmem:s1+$0x14050];
	_ =	sdelay $0x2  }
0x39: {  	v1 =	vsub.s32 v1, v0  }
0x3a: {  	vm9 =	vlt.u32 v1, $0x2808  }
0x3b: {  	[tilespmem:$0x16850] =	vst v2;
	v1 =	vnsel vm9, $0x2800, v1  }
0x3c: {  	[tilespmem:$0x168D0] =	vst v1  }
0x3d: {  	v1 =	vld [tilespmem:s1+$0x15460];
	_ =	sdelay $0x1  }
0x3e: {  	v2 =	vld [tilespmem:s1+$0x14060];
	_ =	sdelay $0x2  }
0x3f: {  	v1 =	vsub.s32 v1, v0  }
0x40: {  	vm10 =	vlt.u32 v1, $0x2808  }
0x41: {  	[tilespmem:$0x16860] =	vst v2;
	v1 =	vnsel vm10, $0x2800, v1  }
0x42: {  	[tilespmem:$0x168E0] =	vst v1  }
0x43: {  	v1 =	vld [tilespmem:s1+$0x15470];
	_ =	sdelay $0x1  }
0x44: {  	v2 =	vld [tilespmem:s1+$0x14070];
	_ =	sdelay $0x2  }
0x45: {  	v1 =	vsub.s32 v1, v0  }
0x46: {  	vm11 =	vlt.u32 v1, $0x2808  }
0x47: {  	[tilespmem:$0x16870] =	vst v2;
	v1 =	vnsel vm11, $0x2800, v1  }
0x48: {  	[tilespmem:$0x168F0] =	vst v1  }
0x49: {  	v1 =	vld [tilespmem:s1+$0x15480];
	_ =	sdelay $0x1  }
0x4a: {  	v2 =	vld [tilespmem:s1+$0x14080];
	_ =	sdelay $0x2  }
0x4b: {  	v1 =	vsub.s32 v1, v0  }
0x4c: {  	vm12 =	vlt.u32 v1, $0x2808  }
0x4d: {  	[tilespmem:$0x16880] =	vst v2;
	v1 =	vnsel vm12, $0x2800, v1  }
0x4e: {  	[tilespmem:$0x16900] =	vst v1  }
0x4f: {  	v1 =	vld [tilespmem:s1+$0x15490];
	_ =	sdelay $0x1  }
0x50: {  	v2 =	vld [tilespmem:s1+$0x14090];
	_ =	sdelay $0x2  }
0x51: {  	v1 =	vsub.s32 v1, v0  }
0x52: {  	vm13 =	vlt.u32 v1, $0x2808  }
0x53: {  	[tilespmem:$0x16890] =	vst v2;
	v1 =	vnsel vm13, $0x2800, v1  }
0x54: {  	[tilespmem:$0x16910] =	vst v1  }
0x55: {  	v1 =	vld [tilespmem:s1+$0x154A0];
	_ =	sdelay $0x1  }
0x56: {  	v2 =	vld [tilespmem:s1+$0x140A0];
	_ =	sdelay $0x2  }
0x57: {  	v1 =	vsub.s32 v1, v0  }
0x58: {  	vm14 =	vlt.u32 v1, $0x2808  }
0x59: {  	[tilespmem:$0x168A0] =	vst v2;
	v1 =	vnsel vm14, $0x2800, v1  }
0x5a: {  	[tilespmem:$0x16920] =	vst v1  }
0x5b: {  	v1 =	vld [tilespmem:s1+$0x154B0];
	_ =	sdelay $0x1  }
0x5c: {  	v2 =	vld [tilespmem:s1+$0x140B0];
	_ =	sdelay $0x2  }
0x5d: {  	v1 =	vsub.s32 v1, v0  }
0x5e: {  	vm15 =	vlt.u32 v1, $0x2808  }
0x5f: {  	[tilespmem:$0x168B0] =	vst v2;
	v1 =	vnsel vm15, $0x2800, v1  }
0x60: {  	[tilespmem:$0x16930] =	vst v1  }
0x61: {  	[tilespmem:s23], [sflag:$0x1] =	stream.indirect.gather [hbm4b:s4+s21], $0x80, s22, s21, $0xb8;
	[tilespmem:$0x1A940] =	vst v63  }
0x62: {  	_ =	swait.ge [sflag:s24], $0x4000  }
0x63: {  	[sflag:s24] =	ssyncset.done $0x0  }
0x64: {  	[sflag:s24] =	ssyncadd.s32 $0xFFFFC000  }
0x65: {  	[spmem:s2] =	stream.indirect.scatter.add.f32 [tilespmem:s23], [sflag:$0x2], $0x80, s25, s21, $0xb8;
	[tilespmem:$0x1A940] =	vst v63  }
0x66: {  	s30 =	simm.s32 $0x400;
	s29 =	simm.s32 $0x200;
	_ =	swait.ge [sflag:s13], $0x4000  }
.LBB2_3:
0x67: {  	s31 =	sshra.s32 s29, $0x2  }
0x68: {  	[sflag:s13] =	ssyncset.done $0x0;
	s29 =	smov.u32 s30;
	s1 =	sadd.s32 $0x200, s30  }
0x69: {  	p0 =	sne.s32 s30, $0x4E00;
	[sflag:s13] =	ssyncadd.s32 $0xFFFFC000  }
0x6a: {  	v1 =	vld [tilespmem:s31+$0x15440];
	_ =	sdelay $0x1  }
0x6b: {  	v2 =	vld [tilespmem:s31+$0x14040];
	_ =	sdelay $0x2  }
0x6c: {  	v1 =	vsub.s32 v1, v0  }
0x6d: {  	vm0 =	vlt.u32 v1, $0x2808  }
0x6e: {  	[tilespmem:$0x16840] =	vst v2;
	v1 =	vnsel vm0, $0x2800, v1  }
0x6f: {  	[tilespmem:$0x168C0] =	vst v1  }
0x70: {  	v1 =	vld [tilespmem:s31+$0x15450];
	_ =	sdelay $0x1  }
0x71: {  	v2 =	vld [tilespmem:s31+$0x14050];
	_ =	sdelay $0x2  }
0x72: {  	v1 =	vsub.s32 v1, v0  }
0x73: {  	vm0 =	vlt.u32 v1, $0x2808  }
0x74: {  	[tilespmem:$0x16850] =	vst v2;
	v1 =	vnsel vm0, $0x2800, v1  }
0x75: {  	[tilespmem:$0x168D0] =	vst v1  }
0x76: {  	v1 =	vld [tilespmem:s31+$0x15460];
	_ =	sdelay $0x1  }
0x77: {  	v2 =	vld [tilespmem:s31+$0x14060];
	_ =	sdelay $0x2  }
0x78: {  	v1 =	vsub.s32 v1, v0  }
0x79: {  	vm0 =	vlt.u32 v1, $0x2808  }
0x7a: {  	[tilespmem:$0x16860] =	vst v2;
	v1 =	vnsel vm0, $0x2800, v1  }
0x7b: {  	[tilespmem:$0x168E0] =	vst v1  }
0x7c: {  	v1 =	vld [tilespmem:s31+$0x15470];
	_ =	sdelay $0x1  }
0x7d: {  	v2 =	vld [tilespmem:s31+$0x14070];
	_ =	sdelay $0x2  }
0x7e: {  	v1 =	vsub.s32 v1, v0  }
0x7f: {  	vm0 =	vlt.u32 v1, $0x2808  }
0x80: {  	[tilespmem:$0x16870] =	vst v2;
	v1 =	vnsel vm0, $0x2800, v1  }
0x81: {  	[tilespmem:$0x168F0] =	vst v1  }
0x82: {  	v1 =	vld [tilespmem:s31+$0x15480]  }
0x83: {  	v2 =	vld [tilespmem:s31+$0x14080];
	_ =	sdelay $0x3  }
0x84: {  	v1 =	vsub.s32 v1, v0  }
0x85: {  	[tilespmem:$0x16880] =	vst v2;
	vm0 =	vlt.u32 v1, $0x2808  }
0x86: {  	v1 =	vnsel vm0, $0x2800, v1  }
0x87: {  	[tilespmem:$0x16900] =	vst v1  }
0x88: {  	v1 =	vld [tilespmem:s31+$0x15490]  }
0x89: {  	v2 =	vld [tilespmem:s31+$0x14090];
	_ =	sdelay $0x3  }
0x8a: {  	v1 =	vsub.s32 v1, v0  }
0x8b: {  	[tilespmem:$0x16890] =	vst v2;
	vm0 =	vlt.u32 v1, $0x2808  }
0x8c: {  	v1 =	vnsel vm0, $0x2800, v1  }
0x8d: {  	[tilespmem:$0x16910] =	vst v1  }
0x8e: {  	v1 =	vld [tilespmem:s31+$0x154A0]  }
0x8f: {  	v2 =	vld [tilespmem:s31+$0x140A0];
	_ =	sdelay $0x3  }
0x90: {  	v1 =	vsub.s32 v1, v0  }
0x91: {  	[tilespmem:$0x168A0] =	vst v2;
	vm0 =	vlt.u32 v1, $0x2808  }
0x92: {  	v1 =	vnsel vm0, $0x2800, v1  }
0x93: {  	[tilespmem:$0x16920] =	vst v1  }
0x94: {  	v1 =	vld [tilespmem:s31+$0x154B0]  }
0x95: {  	v2 =	vld [tilespmem:s31+$0x140B0];
	_ =	sdelay $0x3  }
0x96: {  	v1 =	vsub.s32 v1, v0  }
0x97: {  	[tilespmem:$0x168B0] =	vst v2;
	vm0 =	vlt.u32 v1, $0x2808  }
0x98: {  	v1 =	vnsel vm0, $0x2800, v1  }
0x99: {  	[tilespmem:$0x16930] =	vst v1  }
0x9a: {  	[tilespmem:s23], [sflag:$0x1] =	stream.indirect.gather [hbm4b:s4+s21], $0x80, s22, s21, $0xb8;
	[tilespmem:$0x1A940] =	vst v63  }
.Ltmp0:
0x9b: {  	_ =	swait.ge [sflag:s24], $0x4000;
	(pc) =	sbr.rel @p0 .LBB2_3-.Ltmp0, $4  }
0x9c: {  	[sflag:s24] =	ssyncset.done $0x0  }
0x9d: {  	[sflag:s24] =	ssyncadd.s32 $0xFFFFC000  }
0x9e: {  	[spmem:s2] =	stream.indirect.scatter.add.f32 [tilespmem:s23], [sflag:$0x2], $0x80, s25, s21, $0xb8;
	[tilespmem:$0x1A940] =	vst v63  }
0x9f: {  	s30 =	smov.u32 s1;
	_ =	swait.ge [sflag:s13], $0x4000  }
0xa0: {  	[sflag:s13] =	ssyncset.done $0x0  }
0xa1: {  	s1 =	sshra.s32 s29, $0x2;
	[sflag:s13] =	ssyncadd.s32 $0xFFFFC000  }
0xa2: {  	v1 =	vld [tilespmem:s1+$0x15440];
	_ =	sdelay $0x1  }
0xa3: {  	v2 =	vld [tilespmem:s1+$0x14040];
	_ =	sdelay $0x2  }
0xa4: {  	v1 =	vsub.s32 v1, v0  }
0xa5: {  	vm0 =	vlt.u32 v1, $0x2808  }
0xa6: {  	[tilespmem:$0x16840] =	vst v2;
	v1 =	vnsel vm0, $0x2800, v1  }
0xa7: {  	[tilespmem:$0x168C0] =	vst v1  }
0xa8: {  	v1 =	vld [tilespmem:s1+$0x15450];
	_ =	sdelay $0x1  }
0xa9: {  	v2 =	vld [tilespmem:s1+$0x14050];
	_ =	sdelay $0x2  }
0xaa: {  	v1 =	vsub.s32 v1, v0  }
0xab: {  	vm9 =	vlt.u32 v1, $0x2808  }
0xac: {  	[tilespmem:$0x16850] =	vst v2;
	v1 =	vnsel vm9, $0x2800, v1  }
0xad: {  	[tilespmem:$0x168D0] =	vst v1  }
0xae: {  	v1 =	vld [tilespmem:s1+$0x15460];
	_ =	sdelay $0x1  }
0xaf: {  	v2 =	vld [tilespmem:s1+$0x14060];
	_ =	sdelay $0x2  }
0xb0: {  	v1 =	vsub.s32 v1, v0  }
0xb1: {  	vm10 =	vlt.u32 v1, $0x2808  }
0xb2: {  	[tilespmem:$0x16860] =	vst v2;
	v1 =	vnsel vm10, $0x2800, v1  }
0xb3: {  	[tilespmem:$0x168E0] =	vst v1  }
0xb4: {  	v1 =	vld [tilespmem:s1+$0x15470];
	_ =	sdelay $0x1  }
0xb5: {  	v2 =	vld [tilespmem:s1+$0x14070];
	_ =	sdelay $0x2  }
0xb6: {  	v1 =	vsub.s32 v1, v0  }
0xb7: {  	vm11 =	vlt.u32 v1, $0x2808  }
0xb8: {  	[tilespmem:$0x16870] =	vst v2;
	v1 =	vnsel vm11, $0x2800, v1  }
0xb9: {  	[tilespmem:$0x168F0] =	vst v1  }
0xba: {  	v1 =	vld [tilespmem:s1+$0x15480];
	_ =	sdelay $0x1  }
0xbb: {  	v2 =	vld [tilespmem:s1+$0x14080];
	_ =	sdelay $0x2  }
0xbc: {  	v1 =	vsub.s32 v1, v0  }
0xbd: {  	vm12 =	vlt.u32 v1, $0x2808  }
0xbe: {  	[tilespmem:$0x16880] =	vst v2;
	v1 =	vnsel vm12, $0x2800, v1  }
0xbf: {  	[tilespmem:$0x16900] =	vst v1  }
0xc0: {  	v1 =	vld [tilespmem:s1+$0x15490];
	_ =	sdelay $0x1  }
0xc1: {  	v2 =	vld [tilespmem:s1+$0x14090];
	_ =	sdelay $0x2  }
0xc2: {  	v1 =	vsub.s32 v1, v0  }
0xc3: {  	vm13 =	vlt.u32 v1, $0x2808  }
0xc4: {  	[tilespmem:$0x16890] =	vst v2;
	v1 =	vnsel vm13, $0x2800, v1  }
0xc5: {  	[tilespmem:$0x16910] =	vst v1  }
0xc6: {  	v1 =	vld [tilespmem:s1+$0x154A0];
	_ =	sdelay $0x1  }
0xc7: {  	v2 =	vld [tilespmem:s1+$0x140A0];
	_ =	sdelay $0x2  }
0xc8: {  	v1 =	vsub.s32 v1, v0  }
0xc9: {  	vm14 =	vlt.u32 v1, $0x2808  }
0xca: {  	[tilespmem:$0x168A0] =	vst v2;
	v1 =	vnsel vm14, $0x2800, v1  }
0xcb: {  	[tilespmem:$0x16920] =	vst v1  }
0xcc: {  	v1 =	vld [tilespmem:s1+$0x154B0];
	_ =	sdelay $0x1  }
0xcd: {  	v2 =	vld [tilespmem:s1+$0x140B0];
	_ =	sdelay $0x2  }
0xce: {  	v63 =	vsub.s32 v1, v0  }
0xcf: {  	vm15 =	vlt.u32 v63, $0x2808  }
0xd0: {  	[tilespmem:$0x168B0] =	vst v2;
	v0 =	vnsel vm15, $0x2800, v63  }
0xd1: {  	[tilespmem:$0x16930] =	vst v0  }
0xd2: {  	[tilespmem:s23], [sflag:$0x1] =	stream.indirect.gather [hbm4b:s4+s21], $0x80, s22, s21, $0xb8;
	[tilespmem:$0x1A940] =	vst v63  }
0xd3: {  	_ =	swait.ge [sflag:s24], $0x4000  }
0xd4: {  	s31 =	sadd.s32 s9, s28;
	[sflag:s24] =	ssyncset.done $0x0  }
0xd5: {  	s1 =	smul.u32 $0x140000, s31;
	[sflag:s24] =	ssyncadd.s32 $0xFFFFC000  }
0xd6: {  	[spmem:s2] =	stream.indirect.scatter.add.f32 [tilespmem:s23], [sflag:$0x2], $0x80, s25, s21, $0xb8;
	[tilespmem:$0x1A940] =	vst v63  }
0xd7: {  	_ =	swait.ge [sflag:s13], $0x4000  }
0xd8: {  	s1 =	sadd.s32 s10, s1;
	[sflag:s13] =	ssyncset.done $0x0  }
0xd9: {  	s28 =	sadd.s32 $0x1, s28;
	s1 =	sshrl.u32 s1, $0x3;
	[sflag:s13] =	ssyncadd.s32 $0xFFFFC000  }
0xda: {  	p0 =	sne.s32 s28, $0x8;
	s1 =	sadd.s32 s6, s1;
	[bflag:$0x0] =	sbarrier.arrive $0xFFFF  }
0xdb: {  	[hbm:s1], [sflag:s15] =	dma.local [spmem:s16], $0x2800  }
.Ltmp1:
0xdc: {  	_ =	swait.ge [sflag:s13], $0x2800;
	(pc) =	sbr.rel @p0 .LBB2_2-.Ltmp1, $3  }
0xdd: {  	[sflag:s13] =	ssyncset.done $0x0  }
0xde: {  	[sflag:s13] =	ssyncadd.s32 $0xFFFFD800  }
0xdf: {  	[bflag:$0x0] =	sbarrier.arrive $0xFFFF;
	_ =	sdelay $0x1  }
0xe0: {  	s26 =	sadd.s32 $0x1, s26  }
0xe1: {  	p0 =	sne.s32 s26, s11  }
.Ltmp2:
0xe2: {  	_ = 	snop;
	(pc) =	sbr.rel @p0 .LBB2_1-.Ltmp2, $1  }
0xe3: {  	_ =	sdelay $0x3  }
0xe4: {  	_ =	sfence.sel $0x180000  }
0xe5: {  	[bflag:$0x0] =	sbarrier.arrive $0xFFFF  }
0xe6: {  	_ =	strace $0x9000004D  }
0xe7: {  	[bflag:$0x2] =	sbarrier.arrive $0xFFFF  }
0xe8: {  	p0 =	sne.s32 s0, $0x0;
	s0 =	rddreg [dreg:$0x3]  }
0xe9: {  	s0 =	sadd.s32 @!p0 $0x100000, s0  }
0xea: {  	[sflag:s0] =	ssyncadd.tile.s32 @!p0 $0x1;
	_ =	shalt  }
.Lfunc_end2:
_tile_overlayer_lowered:
.L_overlay_start_2:
0xeb: {  	(tag) =	ssettag $0x2  }
0xec: {  	s0 =	rddreg [dreg:$0x0];
	s2 =	stileid.u32  }
0xed: {  	s1 =	rddreg [dreg:$0x1];
	p0 =	sne.s32 s2, $0x0  }
0xee: {  	s3 =	rddreg [dreg:$0x2];
	[bflag:$0x3] =	sbarrier.arrive $0xFFFF;
	s2 =	simm.s32 @!p0 $0x1C02  }
0xef: {  	[timem:s3], [sflag:s2] =	dma.local @!p0 [hbm:s0], s1  }
0xf0: {  	s0 =	simm.s32 @!p0 $0x2  }
0xf1: {  	_ =	swait.ge @!p0 [sflag:s0], s1  }
0xf2: {  	s1 =	ssub.s32 @!p0 $0x0, s1;
	[sflag:s0] =	ssyncset.done @!p0 $0x0  }
0xf3: {  	[sflag:s0] =	ssyncadd.s32 @!p0 s1  }
0xf4: {  	[bflag:$0x3] =	sbarrier.arrive $0xFFFF  }
0xf5: {  	_ =	shalt  }

// kernel: kernel.21.cloned.1.call-start
scs
__scs_entry_jumppad:
0x0: {  	(pc) =	sbr.rel $0x88, $3  }
0x1: {  	(tag) =	ssettag $0x0;
	lr =	simm.s32 $0x1  }
0x2: {  	[smem:$0x3F8A] =	sst lr;
	_ =	strace $0xD0000000  }
0x3: {  	_ = 	snop  }
0x4: {  	_ = 	snop  }
0x5: {  	_ = 	snop  }
0x6: {  	_ = 	snop  }
0x7: {  	_ = 	snop  }
__scs_overlays_trampoline_lowered:
0x8: {  	[smem:$0x3F99] =	sst s0  }
0x9: {  	[smem:$0x3F9A] =	sst s1  }
0xa: {  	[smem:$0x3F9B] =	sst s2  }
0xb: {  	[smem:$0x3F9C] =	sst s3  }
0xc: {  	[smem:$0x3F9D] =	sst s4  }
0xd: {  	[smem:$0x3F9E] =	sst s5  }
0xe: {  	[smem:$0x3F9F] =	sst s6  }
0xf: {  	[smem:$0x3FA0] =	sst s7  }
0x10: {  	[smem:$0x3FA1] =	sst s8  }
0x11: {  	[smem:$0x3FA2] =	sst s9;
	s0 =	simm.s32 @!p0 $0x0  }
0x12: {  	s1 =	sld [smem:$0x3F88];
	s0 =	simm.s32 @p0 $0x1  }
0x13: {  	[smem:$0x3FA3] =	sst s0;
	s0 =	simm.s32 @!p1 $0x0  }
0x14: {  	s2 =	sld [smem:$0x3F87];
	s0 =	simm.s32 @p1 $0x1  }
0x15: {  	[smem:$0x3FA4] =	sst s0;
	s0 =	simm.s32 @!p2 $0x0  }
0x16: {  	s3 =	sld [smem:$0x3FDB];
	s0 =	simm.s32 @p2 $0x1  }
0x17: {  	s4 =	simm.s32 $0x1BF5;
	[smem:$0x3FA6] =	sst s0  }
0x18: {  	s0 =	sld [smem:$0x3F89];
	_ =	swait.ge [sflag:s4], $0x0  }
0x19: {  	s7 =	sld [smem:$0x3F8A]  }
0x1a: {  	s8 =	sadd.s32 $0xFFFFE003, lr  }
0x1b: {  	s9 =	sadd.s32 $0xFFFFFEF7, lr;
	s5 =	simm.s32 $0xFFFFFFFF;
	p2 =	slt.u32 s8, $0xFFFFF086  }
0x1c: {  	p1 =	slt.u32 s9, $0xF7A;
	s5 =	simm.s32 @!p2 $0x0  }
0x1d: {  	s5 =	simm.s32 @p1 $0x1;
	p0 =	seq.s32 s7, s2  }
0x1e: {  	s7 =	smul.u32 @!p0 $0xF7A, s2;
	p2 =	seq.s32 @!p0 s5, $0x0  }
0x1f: {  	s9 =	smul.u32 $0xF7A, s1;
	s8 =	simm.s32 @!p0 $0x1BF5;
	p2 =	por !p2, p0  }
0x20: {  	[sflag:s8] =	ssyncset.s32 @!p0 $0xFFFFF086;
	s6 =	sadd.s32 @!p0 s3, s7;
	s7 =	simm.s32 @!p0 $0x108  }
0x21: {  	s3 =	sadd.s32 s3, s9;
	s6 =	sadd.s32 @!p0 $0x88, s6;
	s7 =	simm.s32 @p2 $0x1082  }
0x22: {  	[simem:s7], [sflag:s8] =	dma.local @!p0 [hbm:s6], $0xF7A  }
0x23: {  	s9 =	sor.u32 $0xD0000000, s2;
	s6 =	simm.s32 $0x108;
	_ =	swait.ge @!p0 [sflag:s8], $0x0  }
0x24: {  	s3 =	sadd.s32 $0x88, s3;
	s6 =	simm.s32 @!p1 $0x1082;
	[sflag:s4] =	ssyncset.s32 $0xFFFFF086  }
0x25: {  	[simem:s6], [sflag:s4] =	dma.local [hbm:s3], $0xF7A  }
0x26: {  	[smem:$0x3F8A] =	sst s1;
	(tag) =	ssettag s2;
	_ =	strace s9  }
0x27: {  	s1 =	sld [smem:$0x3F9A]  }
0x28: {  	s2 =	sld [smem:$0x3F9B]  }
0x29: {  	s4 =	sld [smem:$0x3F9D]  }
0x2a: {  	p0 =	seq.s32 s5, $0x0;
	s5 =	sld [smem:$0x3F9E]  }
0x2b: {  	s6 =	sld [smem:$0x3F9F]  }
0x2c: {  	s7 =	sld [smem:$0x3FA0]  }
0x2d: {  	s3 =	simm.s32 $0x108;
	s8 =	sld [smem:$0x3FA1]  }
0x2e: {  	s3 =	simm.s32 @!p0 $0x1082;
	s9 =	sld [smem:$0x3FA2]  }
0x2f: {  	lr =	sadd.s32 s0, s3;
	s0 =	sld [smem:$0x3F99]  }
0x30: {  	s3 =	sld [smem:$0x3F9C]  }
0x31: {  	[smem:$0x3FA5] =	sst s10  }
0x32: {  	s10 =	sld [smem:$0x3FA3];
	_ =	sdelay $0x3  }
0x33: {  	p0 =	seq.s32 s10, $0x1;
	s10 =	sld [smem:$0x3FA5];
	_ =	sdelay $0x3  }
0x34: {  	[smem:$0x3FA5] =	sst s10  }
0x35: {  	s10 =	sld [smem:$0x3FA4];
	_ =	sdelay $0x3  }
0x36: {  	p1 =	seq.s32 s10, $0x1;
	s10 =	sld [smem:$0x3FA5];
	_ =	sdelay $0x3  }
0x37: {  	[smem:$0x3FA5] =	sst s10  }
0x38: {  	s10 =	sld [smem:$0x3FA6]  }
0x39: {  	_ = 	snop;
	(pc) =	sbr.ind lr, $3  }
0x3a: {  	_ = 	snop  }
0x3b: {  	_ = 	snop  }
0x3c: {  	p2 =	seq.s32 s10, $0x1;
	s10 =	sld [smem:$0x3FA5]  }
0x3d: {  	_ =	shalt  }
0x3e: {  	_ =	shalt  }
0x3f: {  	_ =	shalt  }
0x40: {  	_ =	shalt  }
0x41: {  	_ =	shalt  }
0x42: {  	_ =	shalt  }
0x43: {  	_ =	shalt  }
0x44: {  	_ =	shalt  }
0x45: {  	_ =	shalt  }
0x46: {  	_ =	shalt  }
0x47: {  	_ =	shalt  }
0x48: {  	_ =	shalt  }
0x49: {  	_ =	shalt  }
0x4a: {  	_ =	shalt  }
0x4b: {  	_ =	shalt  }
0x4c: {  	_ =	shalt  }
0x4d: {  	_ =	shalt  }
0x4e: {  	_ =	shalt  }
0x4f: {  	_ =	shalt  }
0x50: {  	_ =	shalt  }
0x51: {  	_ =	shalt  }
0x52: {  	_ =	shalt  }
0x53: {  	_ =	shalt  }
0x54: {  	_ =	shalt  }
0x55: {  	_ =	shalt  }
0x56: {  	_ =	shalt  }
0x57: {  	_ =	shalt  }
0x58: {  	_ =	shalt  }
0x59: {  	_ =	shalt  }
0x5a: {  	_ =	shalt  }
0x5b: {  	_ =	shalt  }
0x5c: {  	_ =	shalt  }
0x5d: {  	_ =	shalt  }
0x5e: {  	_ =	shalt  }
0x5f: {  	_ =	shalt  }
0x60: {  	_ =	shalt  }
0x61: {  	_ =	shalt  }
0x62: {  	_ =	shalt  }
0x63: {  	_ =	shalt  }
0x64: {  	_ =	shalt  }
0x65: {  	_ =	shalt  }
0x66: {  	_ =	shalt  }
0x67: {  	_ =	shalt  }
0x68: {  	_ =	shalt  }
0x69: {  	_ =	shalt  }
0x6a: {  	_ =	shalt  }
0x6b: {  	_ =	shalt  }
0x6c: {  	_ =	shalt  }
0x6d: {  	_ =	shalt  }
0x6e: {  	_ =	shalt  }
0x6f: {  	_ =	shalt  }
0x70: {  	_ =	shalt  }
0x71: {  	_ =	shalt  }
0x72: {  	_ =	shalt  }
0x73: {  	_ =	shalt  }
0x74: {  	_ =	shalt  }
0x75: {  	_ =	shalt  }
0x76: {  	_ =	shalt  }
0x77: {  	_ =	shalt  }
0x78: {  	_ =	shalt  }
0x79: {  	_ =	shalt  }
0x7a: {  	_ =	shalt  }
0x7b: {  	_ =	shalt  }
0x7c: {  	_ =	shalt  }
0x7d: {  	_ =	shalt  }
0x7e: {  	_ =	shalt  }
0x7f: {  	_ =	shalt  }
0x80: {  	_ =	shalt  }
0x81: {  	_ =	shalt  }
0x82: {  	_ =	shalt  }
0x83: {  	_ =	shalt  }
0x84: {  	_ =	shalt  }
0x85: {  	_ =	shalt  }
0x86: {  	_ =	shalt  }
0x87: {  	_ =	shalt  }
.Lfunc_end0:
.L_simem_size_0:
called_computation.3_lowered:
.L_overlay_start_0:
0x88: {  	s2 =	sld [smem:$0x3FD9]  }
0x89: {  	s3 =	sld [smem:$0x3FFE];
	_ =	sdelay $0x1  }
0x8a: {  	s1 =	srdreg.scid  }
0x8b: {  	s0 =	sand.u32 $0x1, s1  }
0x8c: {  	s17 =	sshll.u32 s0, $0xA;
	s2 =	sadd.s32 s3, s2  }
0x8d: {  	s2 =	sadd.s32 s2, s17  }
0x8e: {  	[smem:$0x3FB1] =	sst s2  }
0x8f: {  	_ = 	snop  }
0x90: {  	s2 =	sld [smem:$0x3FD0];
	(tm) =	ssettm $0x1  }
0x91: {  	s18 =	sld [smem:$0x3FFB];
	_ =	sdelay $0x3  }
0x92: {  	_ =	strace s18  }
0x93: {  	s3 =	sld [smem:$0x3FFC];
	_ =	sdelay $0x3  }
0x94: {  	_ =	strace s3  }
0x95: {  	s3 =	sld [smem:$0x3FFD];
	_ =	sdelay $0x3  }
0x96: {  	_ =	strace s3  }
0x97: {  	_ =	strace $0x8FFFFFFF  }
0x98: {  	s19 =	sld [smem:$0x3FDB];
	_ =	sdelay $0x1  }
0x99: {  	s4 =	simm.s32 $_scs_section_size  }
0x9a: {  	s5 =	simm.s32 $_size__tile_overlayer_lowered;
	s6 =	simm.s32 $_tile_overlayer_lowered  }
0x9b: {  	s22 =	simm.s32 $0x1BFF;
	s21 =	sshll.u32 s6, $0x1;
	s3 =	sadd.s32 s4, s19  }
0x9c: {  	s7 =	simm.s32 $0x0;
	s20 =	sshll.u32 s5, $0x1;
	s5 =	sadd.s32 s21, s3  }
0x9d: {  	[timem:s7], [sflag:s22] =	dma.local [hbm:s5], s20  }
0x9e: {  	_ =	swait.ge [sflag:s22], s20  }
0x9f: {  	s4 =	ssub.s32 $0x0, s20;
	[sflag:s22] =	ssyncset.done $0x0  }
0xa0: {  	[sflag:s22] =	ssyncadd.s32 s4;
	_ =	sdelay $0x1  }
0xa1: {  	s23 =	simm.s32 $0x1B8B  }
0xa2: {  	_ =	swait.ge [sflag:s23], $0x1  }
0xa3: {  	[sflag:s23] =	ssyncset.done $0x0  }
0xa4: {  	s25 =	simm.s32 $0x1B8E;
	s24 =	sld [smem:$0x3FFE];
	[sflag:s23] =	ssyncadd.s32 $0xFFFFFFFF  }
0xa5: {  	s26 =	simm.s32 $execute0_lowered;
	[smem:$0x3FD2] =	sst s25  }
0xa6: {  	s5 =	sshll.u32 s26, $0x1;
	_ =	strace $0x8000004F;
	[dreg:$0x1] =	wrdreg $0xFFFFFFFF  }
0xa7: {  	s28 =	simm.s32 $_size_execute0_lowered;
	s3 =	sadd.s32 s3, s5;
	[dreg:$0x0] =	wrdreg $0x0  }
0xa8: {  	s5 =	sshll.u32 s28, $0x1;
	[dreg:$0x2] =	wrdreg s3  }
0xa9: {  	[dreg:$0x3] =	wrdreg s5  }
0xaa: {  	[dreg:$0x4] =	wrdreg $0xC0  }
0xab: {  	_ =	task [dreg:s7], $0x5FFFF  }
0xac: {  	[dreg:$0x1] =	wrdreg $0xFFFFFFFF  }
0xad: {  	[dreg:$0x0] =	wrdreg $0x60  }
0xae: {  	[dreg:$0x2] =	wrdreg s24  }
0xaf: {  	[dreg:$0x3] =	wrdreg s2  }
0xb0: {  	[dreg:$0x4] =	wrdreg $0x9  }
0xb1: {  	_ =	task.clear_ibuf [dreg:s7], $0x5FFFF;
	_ =	strace $0x9000004F  }
0xb2: {  	s29 =	simm.s32 $0x9;
	_ =	strace $0x80000051  }
0xb3: {  	_ =	swait.ge [sflag:s29], $0x1  }
0xb4: {  	[sflag:s29] =	ssyncadd.s32 $0xFFFFFFFF  }
0xb5: {  	_ =	strace $0x90000051  }
0xb6: {  	_ =	sfence  }
0xb7: {  	s30 =	sld [smem:$0x0];
	_ =	sdelay $0x2  }
0xb8: {  	s31 =	sshll.u32 s1, $0xD;
	s1 =	sshrl.u32 s1, $0x2  }
0xb9: {  	s3 =	sand.u32 $0x4000, s31;
	s1 =	sadd.s32 s1, s30  }
0xba: {  	s0 =	sor.u32 s3, s0;
	s1 =	sshll.u32 s1, $0x11  }
0xbb: {  	s0 =	sor.u32 s1, s0  }
0xbc: {  	s0 =	sadd.s32 $0x8F2B, s0  }
0xbd: {  	[sflag:s0] =	ssyncadd.remote.s32 $0x1  }
0xbe: {  	_ =	sfence.sel $0xFFFF  }
0xbf: {  	[dreg:$0x0] =	wrdreg $0xFFFFFFFF;
	(pc) =	sbr.abs _section_cstart, $3  }
0xc0: {  	[dreg:$0x1] =	wrdreg $0xFFFFFFFF  }
0xc1: {  	_ =	task.clear_ibuf [dreg:s7], $0x2FFFF;
	_ =	strace $0x9FFFFFFF  }
0xc2: {  	(tm) =	ssettm $0x7FFFFFFF  }
0xc3: {  	_ =	shalt  }
tec
execute0_lowered:
.L_overlay_start_1:
0x0: {  	(tag) =	ssettag $0x1  }
0x1: {  	s4 =	rddreg [dreg:$0x0]  }
0x2: {  	s5 =	rddreg [dreg:$0x1]  }
0x3: {  	s0 =	rddreg [dreg:$0x2];
	s2 =	simm.s32 $0x0;
	s3 =	srdreg.scid  }
0x4: {  	s1 =	stileid.u32;
	s12 =	simm.s32 $0x1;
	s13 =	simm.s32 $0x0  }
0x5: {  	s6 =	sand.u32 $0x1, s3;
	s30 =	sshll.u32 s1, $0x1;
	s7 =	smul.u32 $0x140000, s1  }
0x6: {  	[smem:$0x7FF] =	sst s2;
	s3 =	sor.u32 s6, s30;
	s8 =	smul.u32 $0xA0000, s6  }
0x7: {  	_ =	strace $0x80000050;
	s6 =	ssub.s32 $0x2, s6;
	s9 =	smul.u32 $0x280, s3  }
0x8: {  	s3 =	sadd.s32 $0x10400, s4;
	s10 =	sshrl.u32 s6, $0x1;
	s7 =	sadd.s32 s8, s7  }
0x9: {  	s6 =	ssub.s32 s6, s10;
	s10 =	simm.s32 $0x80;
	s7 =	sshrl.u32 s7, $0x3  }
0xa: {  	s31 =	sadd.s32 s9, s4;
	s6 =	smax.u32 s6, $0x1;
	s11 =	sadd.s32 s7, s4  }
0xb: {  	s4 =	sadd.s32 s5, s9;
	s5 =	sadd.s32 $0xB400, s31;
	s9 =	simm.s32 $0x2  }
0xc: {  	s7 =	sadd.s32 $0x38400, s11;
	s8 =	sadd.s32 $0x2B8400, s11;
	s11 =	simm.s32 $0x1400  }
.LBB2_1:
0xd: {  	[tilespmem:s2], [sflag:$0x2] =	stream.linear.gather [hbm4b:s4+s2], $0x1400, $0x38;
	[tilespmem:$0x5400] =	vst v63  }
0xe: {  	_ =	swait.ge [sflag:s9], $0x1400  }
0xf: {  	[sflag:s9] =	ssyncset.done $0x0  }
0x10: {  	s14 =	simm.s32 $0x0;
	[sflag:s9] =	ssyncadd.s32 $0xFFFFEC00  }
0x11: {  	[tilespmem:s11], [sflag:$0x1] =	stream.indirect.gather [hbm4b:s3+s10], $0x80, s14, s10, $0xb8;
	[tilespmem:$0x5400] =	vst v63  }
0x12: {  	_ =	swait.ge [sflag:s12], $0x4000  }
0x13: {  	[sflag:s12] =	ssyncset.done $0x0  }
0x14: {  	[sflag:s12] =	ssyncadd.s32 $0xFFFFC000  }
0x15: {  	[hbm4b:s7+s2] =	stream.linear.scatter [tilespmem:s11], [sflag:$0x2], $0x4000, $0x38;
	[tilespmem:$0x5400] =	vst v63  }
0x16: {  	s15 =	simm.s32 $0x200;
	_ =	swait.ge [sflag:s9], $0x4000  }
0x17: {  	s16 =	simm.s32 $0x400;
	s14 =	sadd.s32 $0x800, s7;
	[sflag:s9] =	ssyncset.done $0x0  }
.LBB2_2:
0x18: {  	s17 =	sshra.s32 s15, $0x2  }
0x19: {  	[sflag:s9] =	ssyncadd.s32 $0xFFFFC000;
	s15 =	smov.u32 s16;
	s18 =	sadd.s32 $0x200, s16  }
0x1a: {  	[tilespmem:s11], [sflag:$0x1] =	stream.indirect.gather [hbm4b:s3+s10], $0x80, s17, s10, $0xb8;
	[tilespmem:$0x5400] =	vst v63  }
0x1b: {  	p0 =	sne.s32 s16, $0x4E00;
	_ =	swait.ge [sflag:s12], $0x4000  }
.Ltmp0:
0x1c: {  	[sflag:s12] =	ssyncset.done $0x0;
	(pc) =	sbr.rel @p0 .LBB2_2-.Ltmp0, $4  }
0x1d: {  	[sflag:s12] =	ssyncadd.s32 $0xFFFFC000  }
0x1e: {  	[hbm4b:s14+s2] =	stream.linear.scatter [tilespmem:s11], [sflag:$0x2], $0x4000, $0x38;
	[tilespmem:$0x5400] =	vst v63  }
0x1f: {  	_ =	swait.ge [sflag:s9], $0x4000  }
0x20: {  	s16 =	smov.u32 s18;
	s14 =	sadd.s32 $0x800, s14;
	[sflag:s9] =	ssyncset.done $0x0  }
0x21: {  	s15 =	sshra.s32 s15, $0x2;
	[sflag:s9] =	ssyncadd.s32 $0xFFFFC000  }
0x22: {  	[tilespmem:s11], [sflag:$0x1] =	stream.indirect.gather [hbm4b:s3+s10], $0x80, s15, s10, $0xb8;
	[tilespmem:$0x5400] =	vst v63  }
0x23: {  	_ =	swait.ge [sflag:s12], $0x4000  }
0x24: {  	[sflag:s12] =	ssyncset.done $0x0  }
0x25: {  	[sflag:s12] =	ssyncadd.s32 $0xFFFFC000  }
0x26: {  	[hbm4b:s14+s2] =	stream.linear.scatter [tilespmem:s11], [sflag:$0x2], $0x4000, $0x38;
	[tilespmem:$0x5400] =	vst v63  }
0x27: {  	_ =	swait.ge [sflag:s9], $0x4000  }
0x28: {  	[sflag:s9] =	ssyncset.done $0x0  }
0x29: {  	s30 =	simm.s32 $0x0;
	[sflag:s9] =	ssyncadd.s32 $0xFFFFC000  }
0x2a: {  	[tilespmem:s30], [sflag:$0x2] =	stream.linear.gather [hbm4b:s5+s30], $0x1400, $0x38;
	[tilespmem:$0x5400] =	vst v63  }
0x2b: {  	_ =	swait.ge [sflag:s9], $0x1400  }
0x2c: {  	[sflag:s9] =	ssyncset.done $0x0  }
0x2d: {  	s31 =	simm.s32 $0x0;
	[sflag:s9] =	ssyncadd.s32 $0xFFFFEC00  }
0x2e: {  	[tilespmem:s11], [sflag:$0x1] =	stream.indirect.gather [hbm4b:s3+s10], $0x80, s31, s10, $0xb8;
	[tilespmem:$0x5400] =	vst v63  }
0x2f: {  	_ =	swait.ge [sflag:s12], $0x4000  }
0x30: {  	[sflag:s12] =	ssyncset.done $0x0  }
0x31: {  	[sflag:s12] =	ssyncadd.s32 $0xFFFFC000  }
0x32: {  	[hbm4b:s8+s2] =	stream.linear.scatter [tilespmem:s11], [sflag:$0x2], $0x4000, $0x38;
	[tilespmem:$0x5400] =	vst v63  }
0x33: {  	s16 =	simm.s32 $0x400;
	_ =	swait.ge [sflag:s9], $0x4000  }
0x34: {  	s15 =	simm.s32 $0x200;
	s14 =	sadd.s32 $0x800, s8;
	[sflag:s9] =	ssyncset.done $0x0  }
.LBB2_4:
0x35: {  	s17 =	sshra.s32 s15, $0x2  }
0x36: {  	[sflag:s9] =	ssyncadd.s32 $0xFFFFC000;
	s15 =	smov.u32 s16;
	s18 =	sadd.s32 $0x200, s16  }
0x37: {  	[tilespmem:s11], [sflag:$0x1] =	stream.indirect.gather [hbm4b:s3+s10], $0x80, s17, s10, $0xb8;
	[tilespmem:$0x5400] =	vst v63  }
0x38: {  	p0 =	sne.s32 s16, $0x4E00;
	_ =	swait.ge [sflag:s12], $0x4000  }
.Ltmp1:
0x39: {  	[sflag:s12] =	ssyncset.done $0x0;
	(pc) =	sbr.rel @p0 .LBB2_4-.Ltmp1, $4  }
0x3a: {  	[sflag:s12] =	ssyncadd.s32 $0xFFFFC000  }
0x3b: {  	[hbm4b:s14+s2] =	stream.linear.scatter [tilespmem:s11], [sflag:$0x2], $0x4000, $0x38;
	[tilespmem:$0x5400] =	vst v63  }
0x3c: {  	_ =	swait.ge [sflag:s9], $0x4000  }
0x3d: {  	s16 =	smov.u32 s18;
	s14 =	sadd.s32 $0x800, s14;
	[sflag:s9] =	ssyncset.done $0x0  }
0x3e: {  	s15 =	sshra.s32 s15, $0x2;
	[sflag:s9] =	ssyncadd.s32 $0xFFFFC000  }
0x3f: {  	[tilespmem:s11], [sflag:$0x1] =	stream.indirect.gather [hbm4b:s3+s10], $0x80, s15, s10, $0xb8;
	[tilespmem:$0x5400] =	vst v63  }
0x40: {  	s13 =	sadd.s32 $0x1, s13;
	_ =	swait.ge [sflag:s12], $0x4000  }
0x41: {  	p0 =	sne.s32 s13, s6;
	[sflag:s12] =	ssyncset.done $0x0  }
.Ltmp2:
0x42: {  	[sflag:s12] =	ssyncadd.s32 $0xFFFFC000;
	(pc) =	sbr.rel @p0 .LBB2_1-.Ltmp2, $4  }
0x43: {  	[hbm4b:s14+s2] =	stream.linear.scatter [tilespmem:s11], [sflag:$0x2], $0x4000, $0x38;
	[tilespmem:$0x5400] =	vst v63  }
0x44: {  	_ =	swait.ge [sflag:s9], $0x4000  }
0x45: {  	[sflag:s9] =	ssyncset.done $0x0  }
0x46: {  	[sflag:s9] =	ssyncadd.s32 $0xFFFFC000  }
0x47: {  	_ =	sfence.sel $0x180000  }
0x48: {  	[bflag:$0x0] =	sbarrier.arrive $0xFFFF  }
0x49: {  	p0 =	sne.s32 s1, $0x0;
	_ =	strace $0x90000050  }
0x4a: {  	s0 =	sadd.s32 @!p0 $0x100000, s0;
	[bflag:$0x2] =	sbarrier.arrive $0xFFFF  }
0x4b: {  	[sflag:s0] =	ssyncadd.tile.s32 @!p0 $0x1;
	_ =	shalt  }
.Lfunc_end2:
_tile_overlayer_lowered:
.L_overlay_start_2:
0x4c: {  	(tag) =	ssettag $0x2  }
0x4d: {  	s0 =	rddreg [dreg:$0x0];
	s2 =	stileid.u32  }
0x4e: {  	s1 =	rddreg [dreg:$0x1];
	p0 =	sne.s32 s2, $0x0  }
0x4f: {  	s3 =	rddreg [dreg:$0x2];
	[bflag:$0x3] =	sbarrier.arrive $0xFFFF;
	s2 =	simm.s32 @!p0 $0x1C02  }
0x50: {  	[timem:s3], [sflag:s2] =	dma.local @!p0 [hbm:s0], s1  }
0x51: {  	s0 =	simm.s32 @!p0 $0x2  }
0x52: {  	_ =	swait.ge @!p0 [sflag:s0], s1  }
0x53: {  	s1 =	ssub.s32 @!p0 $0x0, s1;
	[sflag:s0] =	ssyncset.done @!p0 $0x0  }
0x54: {  	[sflag:s0] =	ssyncadd.s32 @!p0 s1  }
0x55: {  	[bflag:$0x3] =	sbarrier.arrive $0xFFFF  }
0x56: {  	_ =	shalt  }

</sc_bundles>
